<compile_context>
chip_gen: v7x
topology: tpu7x:2x2x1
jax: 0.10.2.dev20260603
libtpu: 0.0.44.dev20260713+nightly
codegen_flags: <defaults>
</compile_context>

<pallas_src>
import functools

import jax
import jax.numpy as jnp
from jax import lax
from jax.experimental import pallas as pl
from jax.experimental.pallas import tpu as pltpu
from jax.experimental.pallas import tpu_sc as plsc

_B, _K, _P = 32, 16, 1024
_SLOT_DIM, _DEC_DIM, _OUT_DIM, _TOP_K = 128, 128, 96, 4
_BB = 16


def _sc_body(masks_hbm, sel_hbm, masks_v, sel_v):
    b = lax.axis_index("s") * 2 + lax.axis_index("c")
    pltpu.sync_copy(masks_hbm.at[b], masks_v)
    neg = jnp.float32(-jnp.inf)

    @plsc.parallel_loop(0, _P // 16, step=1, unroll=4)
    def chunk(j):
        base = j * 16
        m = [masks_v[k, pl.ds(base, 16)] for k in range(_K)]
        for _ in range(_TOP_K):
            vals = m
            inds = [jnp.full((16,), k, jnp.int32) for k in range(_K)]
            while len(vals) > 1:
                nv, ni = [], []
                for t in range(0, len(vals), 2):
                    ge = vals[t] >= vals[t + 1]
                    nv.append(jnp.where(ge, vals[t], vals[t + 1]))
                    ni.append(jnp.where(ge, inds[t], inds[t + 1]))
                vals, inds = nv, ni
            widx = inds[0]
            m = [jnp.where(widx == k, neg, m[k]) for k in range(_K)]
        for k in range(_K):
            sel_v[k, pl.ds(base, 16)] = jnp.where(m[k] == neg, 1.0, 0.0)

    pltpu.sync_copy(sel_v, sel_hbm.at[b])


def _sc_topk_sel(masks):
    mesh = plsc.VectorSubcoreMesh(core_axis_name="c", subcore_axis_name="s")
    f = functools.partial(
        pl.kernel,
        out_type=jax.ShapeDtypeStruct((_B, _K, _P), jnp.float32),
        mesh=mesh,
        scratch_types=[
            pltpu.VMEM((_K, _P), jnp.float32),
            pltpu.VMEM((_K, _P), jnp.float32),
        ],
    )(_sc_body)
    return f(masks)


def _tc_body(slots_ref, sel_ref, w_in_ref, b_in_ref, pos_ref, w_dec_ref,
             b_dec_ref, recon_ref, masks_all_ref, vt_scr):
    g = pl.program_id(0)

    @pl.when(g == 0)
    def _():
        vt = lax.dot_general(w_dec_ref[...], pos_ref[...],
                             (((1,), (1,)), ((), ())),
                             preferred_element_type=jnp.float32)
        vt_scr[...] = vt + b_dec_ref[...]

    s2 = slots_ref[...].reshape(_BB * _K, _SLOT_DIM)
    s = lax.dot_general(s2, w_in_ref[...], (((1,), (1,)), ((), ())),
                        preferred_element_type=jnp.float32) + b_in_ref[...]
    u = lax.dot_general(s, w_dec_ref[...], (((1,), (1,)), ((), ())),
                        preferred_element_type=jnp.float32)
    ua = u[:, _OUT_DIM:_OUT_DIM + 1].reshape(_BB, _K, 1)

    selmask = sel_ref[...] > 0.5
    neg = jnp.float32(-jnp.inf)
    uab = jnp.broadcast_to(ua, (_BB, _K, _P))
    rowmax = jnp.max(jnp.where(selmask, uab, neg), axis=1, keepdims=True)
    e = jnp.where(selmask, jnp.exp(uab - rowmax), 0.0)
    wm = e / jnp.sum(e, axis=1, keepdims=True)
    masks_all_ref[...] = wm
    vt96 = vt_scr[:_OUT_DIM, :]
    for bb in range(_BB):
        u96 = u[bb * _K:(bb + 1) * _K, :_OUT_DIM]
        recon_t = lax.dot_general(u96, wm[bb], (((0,), (0,)), ((), ())),
                                  preferred_element_type=jnp.float32)
        recon_ref[bb] = recon_t + vt96


@jax.jit
def kernel(slots, masks, W_in, b_in, pos_embed, W_dec, b_dec):
    sel = _sc_topk_sel(masks)

    w_dec_p = jnp.zeros((_DEC_DIM, _DEC_DIM), jnp.float32).at[:_OUT_DIM + 1].set(W_dec)
    b_dec_p = jnp.zeros((_DEC_DIM, 1), jnp.float32).at[:_OUT_DIM + 1, 0].set(b_dec)
    pos2d = pos_embed.reshape(_P, _DEC_DIM)
    b_in2d = b_in.reshape(1, _DEC_DIM)

    grid = (_B // _BB,)
    recon_t, masks_all = pl.pallas_call(
        _tc_body,
        grid=grid,
        in_specs=[
            pl.BlockSpec((_BB, _K, _SLOT_DIM), lambda g: (g, 0, 0)),
            pl.BlockSpec((_BB, _K, _P), lambda g: (g, 0, 0)),
            pl.BlockSpec((_DEC_DIM, _SLOT_DIM), lambda g: (0, 0)),
            pl.BlockSpec((1, _DEC_DIM), lambda g: (0, 0)),
            pl.BlockSpec((_P, _DEC_DIM), lambda g: (0, 0)),
            pl.BlockSpec((_DEC_DIM, _DEC_DIM), lambda g: (0, 0)),
            pl.BlockSpec((_DEC_DIM, 1), lambda g: (0, 0)),
        ],
        out_specs=[
            pl.BlockSpec((_BB, _OUT_DIM, _P), lambda g: (g, 0, 0)),
            pl.BlockSpec((_BB, _K, _P), lambda g: (g, 0, 0)),
        ],
        out_shape=[
            jax.ShapeDtypeStruct((_B, _OUT_DIM, _P), jnp.float32),
            jax.ShapeDtypeStruct((_B, _K, _P), jnp.float32),
        ],
        scratch_shapes=[pltpu.VMEM((_DEC_DIM, _P), jnp.float32)],
        compiler_params=pltpu.CompilerParams(
            dimension_semantics=("arbitrary",)),
    )(slots, sel, W_in, b_in2d, pos2d, w_dec_p, b_dec_p)
    return jnp.swapaxes(recon_t, 1, 2), masks_all

# --- scband reference (transcript-rebuilt; emitter-appended) ---
"""Pipeline reference for scband-patch-decoder-74088185856599 (READ-ONLY COPY).

The authoritative reference and input builder live on the scoring server;
editing this copy changes nothing except your own understanding.
"""

import jax, jax.numpy as jnp
import numpy as np

B, K, P = 32, 16, 1024
SLOT_DIM, DEC_DIM, OUT_DIM, TOP_K = 128, 128, 96, 4


def setup_inputs(seed: int = 0) -> dict:
    key = jax.random.key(seed)
    ks = jax.random.split(key, 8)
    slots = jax.random.normal(ks[0], (B, K, SLOT_DIM), dtype=jnp.float32)
    masks = jax.random.uniform(ks[1], (B, K, P), dtype=jnp.float32)
    lim_in = float(np.sqrt(6.0 / (SLOT_DIM + DEC_DIM)))
    W_in = jax.random.uniform(ks[2], (DEC_DIM, SLOT_DIM), minval=-lim_in, maxval=lim_in, dtype=jnp.float32)
    b_in = jnp.zeros((DEC_DIM,), dtype=jnp.float32)
    pos_embed = jax.random.normal(ks[3], (1, P, DEC_DIM), dtype=jnp.float32) * 0.02
    lim_dec = float(np.sqrt(6.0 / (DEC_DIM + OUT_DIM + 1)))
    W_dec = jax.random.uniform(ks[4], (OUT_DIM + 1, DEC_DIM), minval=-lim_dec, maxval=lim_dec, dtype=jnp.float32)
    b_dec = jnp.zeros((OUT_DIM + 1,), dtype=jnp.float32)
    return {"slots": slots, "masks": masks, "W_in": W_in, "b_in": b_in,
            "pos_embed": pos_embed, "W_dec": W_dec, "b_dec": b_dec}


def reference(slots, masks, W_in, b_in, pos_embed, W_dec, b_dec):
    batch_size, num_slots, _ = slots.shape
    # input transform
    s = slots.reshape(batch_size * num_slots, SLOT_DIM)
    s = s @ W_in.T + b_in                                   # (B*K, DEC_DIM)
    # broadcast over patches + positional embedding
    s = jnp.broadcast_to(s[:, None, :], (batch_size * num_slots, P, DEC_DIM)) + pos_embed
    # --- select_top_k ---
    s4 = s.reshape(batch_size, num_slots, P, DEC_DIM)
    m = jax.lax.stop_gradient(masks)                        # (B, K, P), detached in torch
    m_t = jnp.transpose(m, (0, 2, 1))                       # (B, P, K)
    _, idxs = jax.lax.top_k(m_t, TOP_K)                     # (B, P, k)
    idxs = jnp.transpose(idxs, (0, 2, 1))                   # (B, k, P)
    idxs_e = jnp.broadcast_to(idxs[..., None], (batch_size, TOP_K, P, DEC_DIM))
    s_sel = jnp.take_along_axis(s4, idxs_e, axis=1)         # (B, k, P, DEC_DIM)
    # --- decoder (linear backbone) ---
    dec_in = s_sel.reshape(batch_size * TOP_K, P, DEC_DIM)
    out = dec_in @ W_dec.T + b_dec                          # (B*k, P, OUT_DIM+1)
    out = out.reshape(batch_size, TOP_K, P, OUT_DIM + 1)
    decoded_patches = out[..., :OUT_DIM]
    alpha = out[..., OUT_DIM:]
    m_sm = jax.nn.softmax(alpha, axis=1)                    # softmax over slot dim
    reconstruction = jnp.sum(decoded_patches * m_sm, axis=1)  # (B, P, OUT_DIM)
    masks_k = m_sm[..., 0]                                  # (B, k, P)
    # --- restore_masks_after_top_k (scatter-overwrite) ---
    b_idx = jnp.arange(batch_size)[:, None, None]
    p_idx = jnp.arange(P)[None, None, :]
    masks_all = jnp.zeros((batch_size, num_slots, P), dtype=masks_k.dtype)
    masks_all = masks_all.at[b_idx, idxs, p_idx].set(masks_k)
    return (reconstruction, masks_all)

if __name__ == "__main__":
    import jax
    _d = setup_inputs()
    print(jax.jit(kernel)(*tuple(_d.values())))

</pallas_src>

<mosaic_0001>
#map = affine_map<(d0, d1) -> (0, 0, 0)>
module attributes {stable_mosaic.version = 14 : i64} {
  func.func @_sc_body(%arg0: i32, %arg1: i32, %arg2: memref<32x16x1024xf32, #tpu.memory_space<hbm>>, %arg3: memref<32x16x1024xf32, #tpu.memory_space<hbm>>, %arg4: memref<16x1024xf32, #tpu.memory_space<vmem>>, %arg5: memref<16x1024xf32, #tpu.memory_space<vmem>>) attributes {dimension_semantics = [#tpu.dimension_semantics<core_parallel>, #tpu.dimension_semantics<subcore_parallel>], iteration_bounds = array<i64: 2, 16>, scalar_prefetch = 0 : i64, scratch_operands = 2 : i64, tpu.core_type = #tpu.core_type<sc_vector_subcore>, window_params = [{transform_indices = #map}, {transform_indices = #map}]} {
    %mul3A = arith.constant 2 : i32
    %mul3A_0 = arith.muli %arg1, %mul3A : i32
    %add3A = arith.addi %mul3A_0, %arg0 : i32
    "tpu.region"() ({
      %run_scoped3A = tpu.sem_alloc : memref<!tpu.dma_semaphore, #tpu.memory_space<semaphore_mem>>
      %dma_start3A = arith.constant 0 : i32
      %dma_start3A_4 = arith.constant 0 : i32
      %dma_start3A_5 = tpu.memref_slice %arg2[%add3A, %dma_start3A, %dma_start3A_4] : memref<32x16x1024xf32, #tpu.memory_space<hbm>> -> memref<1x16x1024xf32, #tpu.memory_space<hbm>>
      %dma_start3A_6 = tpu.memref_squeeze %dma_start3A_5 : memref<1x16x1024xf32, #tpu.memory_space<hbm>> -> memref<16x1024xf32, #tpu.memory_space<hbm>>
      %dma_start3A_7 = arith.constant 0 : i32
      %dma_start3A_8 = arith.constant 0 : i32
      %dma_start3A_9 = tpu.memref_slice %arg2[%add3A, %dma_start3A_7, %dma_start3A_8] : memref<32x16x1024xf32, #tpu.memory_space<hbm>> -> memref<1x16x1024xf32, #tpu.memory_space<hbm>>
      %dma_start3A_10 = tpu.memref_squeeze %dma_start3A_9 : memref<1x16x1024xf32, #tpu.memory_space<hbm>> -> memref<16x1024xf32, #tpu.memory_space<hbm>>
      tpu.enqueue_dma source(%dma_start3A_10 : memref<16x1024xf32, #tpu.memory_space<hbm>>) target(%arg4 : memref<16x1024xf32, #tpu.memory_space<vmem>>) target_semaphore(%run_scoped3A : memref<!tpu.dma_semaphore, #tpu.memory_space<semaphore_mem>>)
      %dma_wait3A = arith.constant 0 : i32
      %dma_wait3A_11 = arith.constant 0 : i32
      %dma_wait3A_12 = tpu.memref_slice %arg2[%add3A, %dma_wait3A, %dma_wait3A_11] : memref<32x16x1024xf32, #tpu.memory_space<hbm>> -> memref<1x16x1024xf32, #tpu.memory_space<hbm>>
      %dma_wait3A_13 = tpu.memref_squeeze %dma_wait3A_12 : memref<1x16x1024xf32, #tpu.memory_space<hbm>> -> memref<16x1024xf32, #tpu.memory_space<hbm>>
      %dma_wait3A_14 = arith.constant 0 : i32
      %dma_wait3A_15 = arith.constant 0 : i32
      %dma_wait3A_16 = tpu.memref_slice %arg2[%add3A, %dma_wait3A_14, %dma_wait3A_15] : memref<32x16x1024xf32, #tpu.memory_space<hbm>> -> memref<1x16x1024xf32, #tpu.memory_space<hbm>>
      %dma_wait3A_17 = tpu.memref_squeeze %dma_wait3A_16 : memref<1x16x1024xf32, #tpu.memory_space<hbm>> -> memref<16x1024xf32, #tpu.memory_space<hbm>>
      tpu.wait_dma2 semaphore(%run_scoped3A : memref<!tpu.dma_semaphore, #tpu.memory_space<semaphore_mem>>) src(%dma_wait3A_17 : memref<16x1024xf32, #tpu.memory_space<hbm>>) dst(%arg4 : memref<16x1024xf32, #tpu.memory_space<vmem>>)
      tpu.yield
    }) : () -> ()
    %parallel_loop3A = arith.constant 0 : i32
    %parallel_loop3A_1 = arith.constant 64 : i32
    %parallel_loop3A_2 = arith.constant 1 : i32
    %parallel_loop3A_3 = arith.constant 0xFF800000 : f32
    scf.for %parallel_loop3A_4 = %parallel_loop3A to %parallel_loop3A_1 step %parallel_loop3A_2  : i32 {
      %parallel_loop3A_5 = arith.constant 16 : i32
      %parallel_loop3A_6 = arith.muli %parallel_loop3A_4, %parallel_loop3A_5 : i32
      %parallel_loop3A_7 = arith.constant 0 : i32
      %parallel_loop3A_8 = arith.index_cast %parallel_loop3A_7 : i32 to index
      %parallel_loop3A_9 = arith.index_cast %parallel_loop3A_6 : i32 to index
      %parallel_loop3A_10 = tpu.vector_load %arg4[%parallel_loop3A_8, %parallel_loop3A_9] {strides = array<i32>} : memref<16x1024xf32, #tpu.memory_space<vmem>>, vector<1x16xf32>,
      %parallel_loop3A_11 = vector.shape_cast %parallel_loop3A_10 : vector<1x16xf32> to vector<16xf32>
      %parallel_loop3A_12 = arith.constant 1 : i32
      %parallel_loop3A_13 = arith.index_cast %parallel_loop3A_12 : i32 to index
      %parallel_loop3A_14 = arith.index_cast %parallel_loop3A_6 : i32 to index
      %parallel_loop3A_15 = tpu.vector_load %arg4[%parallel_loop3A_13, %parallel_loop3A_14] {strides = array<i32>} : memref<16x1024xf32, #tpu.memory_space<vmem>>, vector<1x16xf32>,
      %parallel_loop3A_16 = vector.shape_cast %parallel_loop3A_15 : vector<1x16xf32> to vector<16xf32>
      %parallel_loop3A_17 = arith.constant 2 : i32
      %parallel_loop3A_18 = arith.index_cast %parallel_loop3A_17 : i32 to index
      %parallel_loop3A_19 = arith.index_cast %parallel_loop3A_6 : i32 to index
      %parallel_loop3A_20 = tpu.vector_load %arg4[%parallel_loop3A_18, %parallel_loop3A_19] {strides = array<i32>} : memref<16x1024xf32, #tpu.memory_space<vmem>>, vector<1x16xf32>,
      %parallel_loop3A_21 = vector.shape_cast %parallel_loop3A_20 : vector<1x16xf32> to vector<16xf32>
      %parallel_loop3A_22 = arith.constant 3 : i32
      %parallel_loop3A_23 = arith.index_cast %parallel_loop3A_22 : i32 to index
      %parallel_loop3A_24 = arith.index_cast %parallel_loop3A_6 : i32 to index
      %parallel_loop3A_25 = tpu.vector_load %arg4[%parallel_loop3A_23, %parallel_loop3A_24] {strides = array<i32>} : memref<16x1024xf32, #tpu.memory_space<vmem>>, vector<1x16xf32>,
      %parallel_loop3A_26 = vector.shape_cast %parallel_loop3A_25 : vector<1x16xf32> to vector<16xf32>
      %parallel_loop3A_27 = arith.constant 4 : i32
      %parallel_loop3A_28 = arith.index_cast %parallel_loop3A_27 : i32 to index
      %parallel_loop3A_29 = arith.index_cast %parallel_loop3A_6 : i32 to index
      %parallel_loop3A_30 = tpu.vector_load %arg4[%parallel_loop3A_28, %parallel_loop3A_29] {strides = array<i32>} : memref<16x1024xf32, #tpu.memory_space<vmem>>, vector<1x16xf32>,
      %parallel_loop3A_31 = vector.shape_cast %parallel_loop3A_30 : vector<1x16xf32> to vector<16xf32>
      %parallel_loop3A_32 = arith.constant 5 : i32
      %parallel_loop3A_33 = arith.index_cast %parallel_loop3A_32 : i32 to index
      %parallel_loop3A_34 = arith.index_cast %parallel_loop3A_6 : i32 to index
      %parallel_loop3A_35 = tpu.vector_load %arg4[%parallel_loop3A_33, %parallel_loop3A_34] {strides = array<i32>} : memref<16x1024xf32, #tpu.memory_space<vmem>>, vector<1x16xf32>,
      %parallel_loop3A_36 = vector.shape_cast %parallel_loop3A_35 : vector<1x16xf32> to vector<16xf32>
      %parallel_loop3A_37 = arith.constant 6 : i32
      %parallel_loop3A_38 = arith.index_cast %parallel_loop3A_37 : i32 to index
      %parallel_loop3A_39 = arith.index_cast %parallel_loop3A_6 : i32 to index
      %parallel_loop3A_40 = tpu.vector_load %arg4[%parallel_loop3A_38, %parallel_loop3A_39] {strides = array<i32>} : memref<16x1024xf32, #tpu.memory_space<vmem>>, vector<1x16xf32>,
      %parallel_loop3A_41 = vector.shape_cast %parallel_loop3A_40 : vector<1x16xf32> to vector<16xf32>
      %parallel_loop3A_42 = arith.constant 7 : i32
      %parallel_loop3A_43 = arith.index_cast %parallel_loop3A_42 : i32 to index
      %parallel_loop3A_44 = arith.index_cast %parallel_loop3A_6 : i32 to index
      %parallel_loop3A_45 = tpu.vector_load %arg4[%parallel_loop3A_43, %parallel_loop3A_44] {strides = array<i32>} : memref<16x1024xf32, #tpu.memory_space<vmem>>, vector<1x16xf32>,
      %parallel_loop3A_46 = vector.shape_cast %parallel_loop3A_45 : vector<1x16xf32> to vector<16xf32>
      %parallel_loop3A_47 = arith.constant 8 : i32
      %parallel_loop3A_48 = arith.index_cast %parallel_loop3A_47 : i32 to index
      %parallel_loop3A_49 = arith.index_cast %parallel_loop3A_6 : i32 to index
      %parallel_loop3A_50 = tpu.vector_load %arg4[%parallel_loop3A_48, %parallel_loop3A_49] {strides = array<i32>} : memref<16x1024xf32, #tpu.memory_space<vmem>>, vector<1x16xf32>,
      %parallel_loop3A_51 = vector.shape_cast %parallel_loop3A_50 : vector<1x16xf32> to vector<16xf32>
      %parallel_loop3A_52 = arith.constant 9 : i32
      %parallel_loop3A_53 = arith.index_cast %parallel_loop3A_52 : i32 to index
      %parallel_loop3A_54 = arith.index_cast %parallel_loop3A_6 : i32 to index
      %parallel_loop3A_55 = tpu.vector_load %arg4[%parallel_loop3A_53, %parallel_loop3A_54] {strides = array<i32>} : memref<16x1024xf32, #tpu.memory_space<vmem>>, vector<1x16xf32>,
      %parallel_loop3A_56 = vector.shape_cast %parallel_loop3A_55 : vector<1x16xf32> to vector<16xf32>
      %parallel_loop3A_57 = arith.constant 10 : i32
      %parallel_loop3A_58 = arith.index_cast %parallel_loop3A_57 : i32 to index
      %parallel_loop3A_59 = arith.index_cast %parallel_loop3A_6 : i32 to index
      %parallel_loop3A_60 = tpu.vector_load %arg4[%parallel_loop3A_58, %parallel_loop3A_59] {strides = array<i32>} : memref<16x1024xf32, #tpu.memory_space<vmem>>, vector<1x16xf32>,
      %parallel_loop3A_61 = vector.shape_cast %parallel_loop3A_60 : vector<1x16xf32> to vector<16xf32>
      %parallel_loop3A_62 = arith.constant 11 : i32
      %parallel_loop3A_63 = arith.index_cast %parallel_loop3A_62 : i32 to index
      %parallel_loop3A_64 = arith.index_cast %parallel_loop3A_6 : i32 to index
      %parallel_loop3A_65 = tpu.vector_load %arg4[%parallel_loop3A_63, %parallel_loop3A_64] {strides = array<i32>} : memref<16x1024xf32, #tpu.memory_space<vmem>>, vector<1x16xf32>,
      %parallel_loop3A_66 = vector.shape_cast %parallel_loop3A_65 : vector<1x16xf32> to vector<16xf32>
      %parallel_loop3A_67 = arith.constant 12 : i32
      %parallel_loop3A_68 = arith.index_cast %parallel_loop3A_67 : i32 to index
      %parallel_loop3A_69 = arith.index_cast %parallel_loop3A_6 : i32 to index
      %parallel_loop3A_70 = tpu.vector_load %arg4[%parallel_loop3A_68, %parallel_loop3A_69] {strides = array<i32>} : memref<16x1024xf32, #tpu.memory_space<vmem>>, vector<1x16xf32>,
      %parallel_loop3A_71 = vector.shape_cast %parallel_loop3A_70 : vector<1x16xf32> to vector<16xf32>
      %parallel_loop3A_72 = arith.constant 13 : i32
      %parallel_loop3A_73 = arith.index_cast %parallel_loop3A_72 : i32 to index
      %parallel_loop3A_74 = arith.index_cast %parallel_loop3A_6 : i32 to index
      %parallel_loop3A_75 = tpu.vector_load %arg4[%parallel_loop3A_73, %parallel_loop3A_74] {strides = array<i32>} : memref<16x1024xf32, #tpu.memory_space<vmem>>, vector<1x16xf32>,
      %parallel_loop3A_76 = vector.shape_cast %parallel_loop3A_75 : vector<1x16xf32> to vector<16xf32>
      %parallel_loop3A_77 = arith.constant 14 : i32
      %parallel_loop3A_78 = arith.index_cast %parallel_loop3A_77 : i32 to index
      %parallel_loop3A_79 = arith.index_cast %parallel_loop3A_6 : i32 to index
      %parallel_loop3A_80 = tpu.vector_load %arg4[%parallel_loop3A_78, %parallel_loop3A_79] {strides = array<i32>} : memref<16x1024xf32, #tpu.memory_space<vmem>>, vector<1x16xf32>,
      %parallel_loop3A_81 = vector.shape_cast %parallel_loop3A_80 : vector<1x16xf32> to vector<16xf32>
      %parallel_loop3A_82 = arith.constant 15 : i32
      %parallel_loop3A_83 = arith.index_cast %parallel_loop3A_82 : i32 to index
      %parallel_loop3A_84 = arith.index_cast %parallel_loop3A_6 : i32 to index
      %parallel_loop3A_85 = tpu.vector_load %arg4[%parallel_loop3A_83, %parallel_loop3A_84] {strides = array<i32>} : memref<16x1024xf32, #tpu.memory_space<vmem>>, vector<1x16xf32>,
      %parallel_loop3A_86 = vector.shape_cast %parallel_loop3A_85 : vector<1x16xf32> to vector<16xf32>
      %parallel_loop3A_87 = arith.constant 0 : i32
      %parallel_loop3A_88 = vector.broadcast %parallel_loop3A_87 : i32 to vector<16xi32>
      %parallel_loop3A_89 = arith.constant 1 : i32
      %parallel_loop3A_90 = vector.broadcast %parallel_loop3A_89 : i32 to vector<16xi32>
      %parallel_loop3A_91 = arith.constant 2 : i32
      %parallel_loop3A_92 = vector.broadcast %parallel_loop3A_91 : i32 to vector<16xi32>
      %parallel_loop3A_93 = arith.constant 3 : i32
      %parallel_loop3A_94 = vector.broadcast %parallel_loop3A_93 : i32 to vector<16xi32>
      %parallel_loop3A_95 = arith.constant 4 : i32
      %parallel_loop3A_96 = vector.broadcast %parallel_loop3A_95 : i32 to vector<16xi32>
      %parallel_loop3A_97 = arith.constant 5 : i32
      %parallel_loop3A_98 = vector.broadcast %parallel_loop3A_97 : i32 to vector<16xi32>
      %parallel_loop3A_99 = arith.constant 6 : i32
      %parallel_loop3A_100 = vector.broadcast %parallel_loop3A_99 : i32 to vector<16xi32>
      %parallel_loop3A_101 = arith.constant 7 : i32
      %parallel_loop3A_102 = vector.broadcast %parallel_loop3A_101 : i32 to vector<16xi32>
      %parallel_loop3A_103 = arith.constant 8 : i32
      %parallel_loop3A_104 = vector.broadcast %parallel_loop3A_103 : i32 to vector<16xi32>
      %parallel_loop3A_105 = arith.constant 9 : i32
      %parallel_loop3A_106 = vector.broadcast %parallel_loop3A_105 : i32 to vector<16xi32>
      %parallel_loop3A_107 = arith.constant 10 : i32
      %parallel_loop3A_108 = vector.broadcast %parallel_loop3A_107 : i32 to vector<16xi32>
      %parallel_loop3A_109 = arith.constant 11 : i32
      %parallel_loop3A_110 = vector.broadcast %parallel_loop3A_109 : i32 to vector<16xi32>
      %parallel_loop3A_111 = arith.constant 12 : i32
      %parallel_loop3A_112 = vector.broadcast %parallel_loop3A_111 : i32 to vector<16xi32>
      %parallel_loop3A_113 = arith.constant 13 : i32
      %parallel_loop3A_114 = vector.broadcast %parallel_loop3A_113 : i32 to vector<16xi32>
      %parallel_loop3A_115 = arith.constant 14 : i32
      %parallel_loop3A_116 = vector.broadcast %parallel_loop3A_115 : i32 to vector<16xi32>
      %parallel_loop3A_117 = arith.constant 15 : i32
      %parallel_loop3A_118 = vector.broadcast %parallel_loop3A_117 : i32 to vector<16xi32>
      %parallel_loop3A_119 = arith.cmpf oge, %parallel_loop3A_11, %parallel_loop3A_16 : vector<16xf32>
      %parallel_loop3A_120 = arith.select %parallel_loop3A_119, %parallel_loop3A_11, %parallel_loop3A_16 : vector<16xi1>, vector<16xf32>
      %parallel_loop3A_121 = arith.select %parallel_loop3A_119, %parallel_loop3A_88, %parallel_loop3A_90 : vector<16xi1>, vector<16xi32>
      %parallel_loop3A_122 = arith.cmpf oge, %parallel_loop3A_21, %parallel_loop3A_26 : vector<16xf32>
      %parallel_loop3A_123 = arith.select %parallel_loop3A_122, %parallel_loop3A_21, %parallel_loop3A_26 : vector<16xi1>, vector<16xf32>
      %parallel_loop3A_124 = arith.select %parallel_loop3A_122, %parallel_loop3A_92, %parallel_loop3A_94 : vector<16xi1>, vector<16xi32>
      %parallel_loop3A_125 = arith.cmpf oge, %parallel_loop3A_31, %parallel_loop3A_36 : vector<16xf32>
      %parallel_loop3A_126 = arith.select %parallel_loop3A_125, %parallel_loop3A_31, %parallel_loop3A_36 : vector<16xi1>, vector<16xf32>
      %parallel_loop3A_127 = arith.select %parallel_loop3A_125, %parallel_loop3A_96, %parallel_loop3A_98 : vector<16xi1>, vector<16xi32>
      %parallel_loop3A_128 = arith.cmpf oge, %parallel_loop3A_41, %parallel_loop3A_46 : vector<16xf32>
      %parallel_loop3A_129 = arith.select %parallel_loop3A_128, %parallel_loop3A_41, %parallel_loop3A_46 : vector<16xi1>, vector<16xf32>
      %parallel_loop3A_130 = arith.select %parallel_loop3A_128, %parallel_loop3A_100, %parallel_loop3A_102 : vector<16xi1>, vector<16xi32>
      %parallel_loop3A_131 = arith.cmpf oge, %parallel_loop3A_51, %parallel_loop3A_56 : vector<16xf32>
      %parallel_loop3A_132 = arith.select %parallel_loop3A_131, %parallel_loop3A_51, %parallel_loop3A_56 : vector<16xi1>, vector<16xf32>
      %parallel_loop3A_133 = arith.select %parallel_loop3A_131, %parallel_loop3A_104, %parallel_loop3A_106 : vector<16xi1>, vector<16xi32>
      %parallel_loop3A_134 = arith.cmpf oge, %parallel_loop3A_61, %parallel_loop3A_66 : vector<16xf32>
      %parallel_loop3A_135 = arith.select %parallel_loop3A_134, %parallel_loop3A_61, %parallel_loop3A_66 : vector<16xi1>, vector<16xf32>
      %parallel_loop3A_136 = arith.select %parallel_loop3A_134, %parallel_loop3A_108, %parallel_loop3A_110 : vector<16xi1>, vector<16xi32>
      %parallel_loop3A_137 = arith.cmpf oge, %parallel_loop3A_71, %parallel_loop3A_76 : vector<16xf32>
      %parallel_loop3A_138 = arith.select %parallel_loop3A_137, %parallel_loop3A_71, %parallel_loop3A_76 : vector<16xi1>, vector<16xf32>
      %parallel_loop3A_139 = arith.select %parallel_loop3A_137, %parallel_loop3A_112, %parallel_loop3A_114 : vector<16xi1>, vector<16xi32>
      %parallel_loop3A_140 = arith.cmpf oge, %parallel_loop3A_81, %parallel_loop3A_86 : vector<16xf32>
      %parallel_loop3A_141 = arith.select %parallel_loop3A_140, %parallel_loop3A_81, %parallel_loop3A_86 : vector<16xi1>, vector<16xf32>
      %parallel_loop3A_142 = arith.select %parallel_loop3A_140, %parallel_loop3A_116, %parallel_loop3A_118 : vector<16xi1>, vector<16xi32>
      %parallel_loop3A_143 = arith.cmpf oge, %parallel_loop3A_120, %parallel_loop3A_123 : vector<16xf32>
      %parallel_loop3A_144 = arith.select %parallel_loop3A_143, %parallel_loop3A_120, %parallel_loop3A_123 : vector<16xi1>, vector<16xf32>
      %parallel_loop3A_145 = arith.select %parallel_loop3A_143, %parallel_loop3A_121, %parallel_loop3A_124 : vector<16xi1>, vector<16xi32>
      %parallel_loop3A_146 = arith.cmpf oge, %parallel_loop3A_126, %parallel_loop3A_129 : vector<16xf32>
      %parallel_loop3A_147 = arith.select %parallel_loop3A_146, %parallel_loop3A_126, %parallel_loop3A_129 : vector<16xi1>, vector<16xf32>
      %parallel_loop3A_148 = arith.select %parallel_loop3A_146, %parallel_loop3A_127, %parallel_loop3A_130 : vector<16xi1>, vector<16xi32>
      %parallel_loop3A_149 = arith.cmpf oge, %parallel_loop3A_132, %parallel_loop3A_135 : vector<16xf32>
      %parallel_loop3A_150 = arith.select %parallel_loop3A_149, %parallel_loop3A_132, %parallel_loop3A_135 : vector<16xi1>, vector<16xf32>
      %parallel_loop3A_151 = arith.select %parallel_loop3A_149, %parallel_loop3A_133, %parallel_loop3A_136 : vector<16xi1>, vector<16xi32>
      %parallel_loop3A_152 = arith.cmpf oge, %parallel_loop3A_138, %parallel_loop3A_141 : vector<16xf32>
      %parallel_loop3A_153 = arith.select %parallel_loop3A_152, %parallel_loop3A_138, %parallel_loop3A_141 : vector<16xi1>, vector<16xf32>
      %parallel_loop3A_154 = arith.select %parallel_loop3A_152, %parallel_loop3A_139, %parallel_loop3A_142 : vector<16xi1>, vector<16xi32>
      %parallel_loop3A_155 = arith.cmpf oge, %parallel_loop3A_144, %parallel_loop3A_147 : vector<16xf32>
      %parallel_loop3A_156 = arith.select %parallel_loop3A_155, %parallel_loop3A_144, %parallel_loop3A_147 : vector<16xi1>, vector<16xf32>
      %parallel_loop3A_157 = arith.select %parallel_loop3A_155, %parallel_loop3A_145, %parallel_loop3A_148 : vector<16xi1>, vector<16xi32>
      %parallel_loop3A_158 = arith.cmpf oge, %parallel_loop3A_150, %parallel_loop3A_153 : vector<16xf32>
      %parallel_loop3A_159 = arith.select %parallel_loop3A_158, %parallel_loop3A_150, %parallel_loop3A_153 : vector<16xi1>, vector<16xf32>
      %parallel_loop3A_160 = arith.select %parallel_loop3A_158, %parallel_loop3A_151, %parallel_loop3A_154 : vector<16xi1>, vector<16xi32>
      %parallel_loop3A_161 = arith.cmpf oge, %parallel_loop3A_156, %parallel_loop3A_159 : vector<16xf32>
      %parallel_loop3A_162 = arith.select %parallel_loop3A_161, %parallel_loop3A_156, %parallel_loop3A_159 : vector<16xi1>, vector<16xf32>
      %parallel_loop3A_163 = arith.select %parallel_loop3A_161, %parallel_loop3A_157, %parallel_loop3A_160 : vector<16xi1>, vector<16xi32>
      %parallel_loop3A_164 = arith.constant 0 : i32
      %parallel_loop3A_165 = vector.broadcast %parallel_loop3A_164 : i32 to vector<16xi32>
      %parallel_loop3A_166 = arith.cmpi eq, %parallel_loop3A_163, %parallel_loop3A_165 : vector<16xi32>
      %parallel_loop3A_167 = vector.broadcast %parallel_loop3A_3 : f32 to vector<16xf32>
      %parallel_loop3A_168 = arith.select %parallel_loop3A_166, %parallel_loop3A_167, %parallel_loop3A_11 : vector<16xi1>, vector<16xf32>
      %parallel_loop3A_169 = arith.constant 1 : i32
      %parallel_loop3A_170 = vector.broadcast %parallel_loop3A_169 : i32 to vector<16xi32>
      %parallel_loop3A_171 = arith.cmpi eq, %parallel_loop3A_163, %parallel_loop3A_170 : vector<16xi32>
      %parallel_loop3A_172 = vector.broadcast %parallel_loop3A_3 : f32 to vector<16xf32>
      %parallel_loop3A_173 = arith.select %parallel_loop3A_171, %parallel_loop3A_172, %parallel_loop3A_16 : vector<16xi1>, vector<16xf32>
      %parallel_loop3A_174 = arith.constant 2 : i32
      %parallel_loop3A_175 = vector.broadcast %parallel_loop3A_174 : i32 to vector<16xi32>
      %parallel_loop3A_176 = arith.cmpi eq, %parallel_loop3A_163, %parallel_loop3A_175 : vector<16xi32>
      %parallel_loop3A_177 = vector.broadcast %parallel_loop3A_3 : f32 to vector<16xf32>
      %parallel_loop3A_178 = arith.select %parallel_loop3A_176, %parallel_loop3A_177, %parallel_loop3A_21 : vector<16xi1>, vector<16xf32>
      %parallel_loop3A_179 = arith.constant 3 : i32
      %parallel_loop3A_180 = vector.broadcast %parallel_loop3A_179 : i32 to vector<16xi32>
      %parallel_loop3A_181 = arith.cmpi eq, %parallel_loop3A_163, %parallel_loop3A_180 : vector<16xi32>
      %parallel_loop3A_182 = vector.broadcast %parallel_loop3A_3 : f32 to vector<16xf32>
      %parallel_loop3A_183 = arith.select %parallel_loop3A_181, %parallel_loop3A_182, %parallel_loop3A_26 : vector<16xi1>, vector<16xf32>
      %parallel_loop3A_184 = arith.constant 4 : i32
      %parallel_loop3A_185 = vector.broadcast %parallel_loop3A_184 : i32 to vector<16xi32>
      %parallel_loop3A_186 = arith.cmpi eq, %parallel_loop3A_163, %parallel_loop3A_185 : vector<16xi32>
      %parallel_loop3A_187 = vector.broadcast %parallel_loop3A_3 : f32 to vector<16xf32>
      %parallel_loop3A_188 = arith.select %parallel_loop3A_186, %parallel_loop3A_187, %parallel_loop3A_31 : vector<16xi1>, vector<16xf32>
      %parallel_loop3A_189 = arith.constant 5 : i32
      %parallel_loop3A_190 = vector.broadcast %parallel_loop3A_189 : i32 to vector<16xi32>
      %parallel_loop3A_191 = arith.cmpi eq, %parallel_loop3A_163, %parallel_loop3A_190 : vector<16xi32>
      %parallel_loop3A_192 = vector.broadcast %parallel_loop3A_3 : f32 to vector<16xf32>
      %parallel_loop3A_193 = arith.select %parallel_loop3A_191, %parallel_loop3A_192, %parallel_loop3A_36 : vector<16xi1>, vector<16xf32>
      %parallel_loop3A_194 = arith.constant 6 : i32
      %parallel_loop3A_195 = vector.broadcast %parallel_loop3A_194 : i32 to vector<16xi32>
      %parallel_loop3A_196 = arith.cmpi eq, %parallel_loop3A_163, %parallel_loop3A_195 : vector<16xi32>
      %parallel_loop3A_197 = vector.broadcast %parallel_loop3A_3 : f32 to vector<16xf32>
      %parallel_loop3A_198 = arith.select %parallel_loop3A_196, %parallel_loop3A_197, %parallel_loop3A_41 : vector<16xi1>, vector<16xf32>
      %parallel_loop3A_199 = arith.constant 7 : i32
      %parallel_loop3A_200 = vector.broadcast %parallel_loop3A_199 : i32 to vector<16xi32>
      %parallel_loop3A_201 = arith.cmpi eq, %parallel_loop3A_163, %parallel_loop3A_200 : vector<16xi32>
      %parallel_loop3A_202 = vector.broadcast %parallel_loop3A_3 : f32 to vector<16xf32>
      %parallel_loop3A_203 = arith.select %parallel_loop3A_201, %parallel_loop3A_202, %parallel_loop3A_46 : vector<16xi1>, vector<16xf32>
      %parallel_loop3A_204 = arith.constant 8 : i32
      %parallel_loop3A_205 = vector.broadcast %parallel_loop3A_204 : i32 to vector<16xi32>
      %parallel_loop3A_206 = arith.cmpi eq, %parallel_loop3A_163, %parallel_loop3A_205 : vector<16xi32>
      %parallel_loop3A_207 = vector.broadcast %parallel_loop3A_3 : f32 to vector<16xf32>
      %parallel_loop3A_208 = arith.select %parallel_loop3A_206, %parallel_loop3A_207, %parallel_loop3A_51 : vector<16xi1>, vector<16xf32>
      %parallel_loop3A_209 = arith.constant 9 : i32
      %parallel_loop3A_210 = vector.broadcast %parallel_loop3A_209 : i32 to vector<16xi32>
      %parallel_loop3A_211 = arith.cmpi eq, %parallel_loop3A_163, %parallel_loop3A_210 : vector<16xi32>
      %parallel_loop3A_212 = vector.broadcast %parallel_loop3A_3 : f32 to vector<16xf32>
      %parallel_loop3A_213 = arith.select %parallel_loop3A_211, %parallel_loop3A_212, %parallel_loop3A_56 : vector<16xi1>, vector<16xf32>
      %parallel_loop3A_214 = arith.constant 10 : i32
      %parallel_loop3A_215 = vector.broadcast %parallel_loop3A_214 : i32 to vector<16xi32>
      %parallel_loop3A_216 = arith.cmpi eq, %parallel_loop3A_163, %parallel_loop3A_215 : vector<16xi32>
      %parallel_loop3A_217 = vector.broadcast %parallel_loop3A_3 : f32 to vector<16xf32>
      %parallel_loop3A_218 = arith.select %parallel_loop3A_216, %parallel_loop3A_217, %parallel_loop3A_61 : vector<16xi1>, vector<16xf32>
      %parallel_loop3A_219 = arith.constant 11 : i32
      %parallel_loop3A_220 = vector.broadcast %parallel_loop3A_219 : i32 to vector<16xi32>
      %parallel_loop3A_221 = arith.cmpi eq, %parallel_loop3A_163, %parallel_loop3A_220 : vector<16xi32>
      %parallel_loop3A_222 = vector.broadcast %parallel_loop3A_3 : f32 to vector<16xf32>
      %parallel_loop3A_223 = arith.select %parallel_loop3A_221, %parallel_loop3A_222, %parallel_loop3A_66 : vector<16xi1>, vector<16xf32>
      %parallel_loop3A_224 = arith.constant 12 : i32
      %parallel_loop3A_225 = vector.broadcast %parallel_loop3A_224 : i32 to vector<16xi32>
      %parallel_loop3A_226 = arith.cmpi eq, %parallel_loop3A_163, %parallel_loop3A_225 : vector<16xi32>
      %parallel_loop3A_227 = vector.broadcast %parallel_loop3A_3 : f32 to vector<16xf32>
      %parallel_loop3A_228 = arith.select %parallel_loop3A_226, %parallel_loop3A_227, %parallel_loop3A_71 : vector<16xi1>, vector<16xf32>
      %parallel_loop3A_229 = arith.constant 13 : i32
      %parallel_loop3A_230 = vector.broadcast %parallel_loop3A_229 : i32 to vector<16xi32>
      %parallel_loop3A_231 = arith.cmpi eq, %parallel_loop3A_163, %parallel_loop3A_230 : vector<16xi32>
      %parallel_loop3A_232 = vector.broadcast %parallel_loop3A_3 : f32 to vector<16xf32>
      %parallel_loop3A_233 = arith.select %parallel_loop3A_231, %parallel_loop3A_232, %parallel_loop3A_76 : vector<16xi1>, vector<16xf32>
      %parallel_loop3A_234 = arith.constant 14 : i32
      %parallel_loop3A_235 = vector.broadcast %parallel_loop3A_234 : i32 to vector<16xi32>
      %parallel_loop3A_236 = arith.cmpi eq, %parallel_loop3A_163, %parallel_loop3A_235 : vector<16xi32>
      %parallel_loop3A_237 = vector.broadcast %parallel_loop3A_3 : f32 to vector<16xf32>
      %parallel_loop3A_238 = arith.select %parallel_loop3A_236, %parallel_loop3A_237, %parallel_loop3A_81 : vector<16xi1>, vector<16xf32>
      %parallel_loop3A_239 = arith.constant 15 : i32
      %parallel_loop3A_240 = vector.broadcast %parallel_loop3A_239 : i32 to vector<16xi32>
      %parallel_loop3A_241 = arith.cmpi eq, %parallel_loop3A_163, %parallel_loop3A_240 : vector<16xi32>
      %parallel_loop3A_242 = vector.broadcast %parallel_loop3A_3 : f32 to vector<16xf32>
      %parallel_loop3A_243 = arith.select %parallel_loop3A_241, %parallel_loop3A_242, %parallel_loop3A_86 : vector<16xi1>, vector<16xf32>
      %parallel_loop3A_244 = arith.constant 0 : i32
      %parallel_loop3A_245 = vector.broadcast %parallel_loop3A_244 : i32 to vector<16xi32>
      %parallel_loop3A_246 = arith.constant 1 : i32
      %parallel_loop3A_247 = vector.broadcast %parallel_loop3A_246 : i32 to vector<16xi32>
      %parallel_loop3A_248 = arith.constant 2 : i32
      %parallel_loop3A_249 = vector.broadcast %parallel_loop3A_248 : i32 to vector<16xi32>
      %parallel_loop3A_250 = arith.constant 3 : i32
      %parallel_loop3A_251 = vector.broadcast %parallel_loop3A_250 : i32 to vector<16xi32>
      %parallel_loop3A_252 = arith.constant 4 : i32
      %parallel_loop3A_253 = vector.broadcast %parallel_loop3A_252 : i32 to vector<16xi32>
      %parallel_loop3A_254 = arith.constant 5 : i32
      %parallel_loop3A_255 = vector.broadcast %parallel_loop3A_254 : i32 to vector<16xi32>
      %parallel_loop3A_256 = arith.constant 6 : i32
      %parallel_loop3A_257 = vector.broadcast %parallel_loop3A_256 : i32 to vector<16xi32>
      %parallel_loop3A_258 = arith.constant 7 : i32
      %parallel_loop3A_259 = vector.broadcast %parallel_loop3A_258 : i32 to vector<16xi32>
      %parallel_loop3A_260 = arith.constant 8 : i32
      %parallel_loop3A_261 = vector.broadcast %parallel_loop3A_260 : i32 to vector<16xi32>
      %parallel_loop3A_262 = arith.constant 9 : i32
      %parallel_loop3A_263 = vector.broadcast %parallel_loop3A_262 : i32 to vector<16xi32>
      %parallel_loop3A_264 = arith.constant 10 : i32
      %parallel_loop3A_265 = vector.broadcast %parallel_loop3A_264 : i32 to vector<16xi32>
      %parallel_loop3A_266 = arith.constant 11 : i32
      %parallel_loop3A_267 = vector.broadcast %parallel_loop3A_266 : i32 to vector<16xi32>
      %parallel_loop3A_268 = arith.constant 12 : i32
      %parallel_loop3A_269 = vector.broadcast %parallel_loop3A_268 : i32 to vector<16xi32>
      %parallel_loop3A_270 = arith.constant 13 : i32
      %parallel_loop3A_271 = vector.broadcast %parallel_loop3A_270 : i32 to vector<16xi32>
      %parallel_loop3A_272 = arith.constant 14 : i32
      %parallel_loop3A_273 = vector.broadcast %parallel_loop3A_272 : i32 to vector<16xi32>
      %parallel_loop3A_274 = arith.constant 15 : i32
      %parallel_loop3A_275 = vector.broadcast %parallel_loop3A_274 : i32 to vector<16xi32>
      %parallel_loop3A_276 = arith.cmpf oge, %parallel_loop3A_168, %parallel_loop3A_173 : vector<16xf32>
      %parallel_loop3A_277 = arith.select %parallel_loop3A_276, %parallel_loop3A_168, %parallel_loop3A_173 : vector<16xi1>, vector<16xf32>
      %parallel_loop3A_278 = arith.select %parallel_loop3A_276, %parallel_loop3A_245, %parallel_loop3A_247 : vector<16xi1>, vector<16xi32>
      %parallel_loop3A_279 = arith.cmpf oge, %parallel_loop3A_178, %parallel_loop3A_183 : vector<16xf32>
      %parallel_loop3A_280 = arith.select %parallel_loop3A_279, %parallel_loop3A_178, %parallel_loop3A_183 : vector<16xi1>, vector<16xf32>
      %parallel_loop3A_281 = arith.select %parallel_loop3A_279, %parallel_loop3A_249, %parallel_loop3A_251 : vector<16xi1>, vector<16xi32>
      %parallel_loop3A_282 = arith.cmpf oge, %parallel_loop3A_188, %parallel_loop3A_193 : vector<16xf32>
      %parallel_loop3A_283 = arith.select %parallel_loop3A_282, %parallel_loop3A_188, %parallel_loop3A_193 : vector<16xi1>, vector<16xf32>
      %parallel_loop3A_284 = arith.select %parallel_loop3A_282, %parallel_loop3A_253, %parallel_loop3A_255 : vector<16xi1>, vector<16xi32>
      %parallel_loop3A_285 = arith.cmpf oge, %parallel_loop3A_198, %parallel_loop3A_203 : vector<16xf32>
      %parallel_loop3A_286 = arith.select %parallel_loop3A_285, %parallel_loop3A_198, %parallel_loop3A_203 : vector<16xi1>, vector<16xf32>
      %parallel_loop3A_287 = arith.select %parallel_loop3A_285, %parallel_loop3A_257, %parallel_loop3A_259 : vector<16xi1>, vector<16xi32>
      %parallel_loop3A_288 = arith.cmpf oge, %parallel_loop3A_208, %parallel_loop3A_213 : vector<16xf32>
      %parallel_loop3A_289 = arith.select %parallel_loop3A_288, %parallel_loop3A_208, %parallel_loop3A_213 : vector<16xi1>, vector<16xf32>
      %parallel_loop3A_290 = arith.select %parallel_loop3A_288, %parallel_loop3A_261, %parallel_loop3A_263 : vector<16xi1>, vector<16xi32>
      %parallel_loop3A_291 = arith.cmpf oge, %parallel_loop3A_218, %parallel_loop3A_223 : vector<16xf32>
      %parallel_loop3A_292 = arith.select %parallel_loop3A_291, %parallel_loop3A_218, %parallel_loop3A_223 : vector<16xi1>, vector<16xf32>
      %parallel_loop3A_293 = arith.select %parallel_loop3A_291, %parallel_loop3A_265, %parallel_loop3A_267 : vector<16xi1>, vector<16xi32>
      %parallel_loop3A_294 = arith.cmpf oge, %parallel_loop3A_228, %parallel_loop3A_233 : vector<16xf32>
      %parallel_loop3A_295 = arith.select %parallel_loop3A_294, %parallel_loop3A_228, %parallel_loop3A_233 : vector<16xi1>, vector<16xf32>
      %parallel_loop3A_296 = arith.select %parallel_loop3A_294, %parallel_loop3A_269, %parallel_loop3A_271 : vector<16xi1>, vector<16xi32>
      %parallel_loop3A_297 = arith.cmpf oge, %parallel_loop3A_238, %parallel_loop3A_243 : vector<16xf32>
      %parallel_loop3A_298 = arith.select %parallel_loop3A_297, %parallel_loop3A_238, %parallel_loop3A_243 : vector<16xi1>, vector<16xf32>
      %parallel_loop3A_299 = arith.select %parallel_loop3A_297, %parallel_loop3A_273, %parallel_loop3A_275 : vector<16xi1>, vector<16xi32>
      %parallel_loop3A_300 = arith.cmpf oge, %parallel_loop3A_277, %parallel_loop3A_280 : vector<16xf32>
      %parallel_loop3A_301 = arith.select %parallel_loop3A_300, %parallel_loop3A_277, %parallel_loop3A_280 : vector<16xi1>, vector<16xf32>
      %parallel_loop3A_302 = arith.select %parallel_loop3A_300, %parallel_loop3A_278, %parallel_loop3A_281 : vector<16xi1>, vector<16xi32>
      %parallel_loop3A_303 = arith.cmpf oge, %parallel_loop3A_283, %parallel_loop3A_286 : vector<16xf32>
      %parallel_loop3A_304 = arith.select %parallel_loop3A_303, %parallel_loop3A_283, %parallel_loop3A_286 : vector<16xi1>, vector<16xf32>
      %parallel_loop3A_305 = arith.select %parallel_loop3A_303, %parallel_loop3A_284, %parallel_loop3A_287 : vector<16xi1>, vector<16xi32>
      %parallel_loop3A_306 = arith.cmpf oge, %parallel_loop3A_289, %parallel_loop3A_292 : vector<16xf32>
      %parallel_loop3A_307 = arith.select %parallel_loop3A_306, %parallel_loop3A_289, %parallel_loop3A_292 : vector<16xi1>, vector<16xf32>
      %parallel_loop3A_308 = arith.select %parallel_loop3A_306, %parallel_loop3A_290, %parallel_loop3A_293 : vector<16xi1>, vector<16xi32>
      %parallel_loop3A_309 = arith.cmpf oge, %parallel_loop3A_295, %parallel_loop3A_298 : vector<16xf32>
      %parallel_loop3A_310 = arith.select %parallel_loop3A_309, %parallel_loop3A_295, %parallel_loop3A_298 : vector<16xi1>, vector<16xf32>
      %parallel_loop3A_311 = arith.select %parallel_loop3A_309, %parallel_loop3A_296, %parallel_loop3A_299 : vector<16xi1>, vector<16xi32>
      %parallel_loop3A_312 = arith.cmpf oge, %parallel_loop3A_301, %parallel_loop3A_304 : vector<16xf32>
      %parallel_loop3A_313 = arith.select %parallel_loop3A_312, %parallel_loop3A_301, %parallel_loop3A_304 : vector<16xi1>, vector<16xf32>
      %parallel_loop3A_314 = arith.select %parallel_loop3A_312, %parallel_loop3A_302, %parallel_loop3A_305 : vector<16xi1>, vector<16xi32>
      %parallel_loop3A_315 = arith.cmpf oge, %parallel_loop3A_307, %parallel_loop3A_310 : vector<16xf32>
      %parallel_loop3A_316 = arith.select %parallel_loop3A_315, %parallel_loop3A_307, %parallel_loop3A_310 : vector<16xi1>, vector<16xf32>
      %parallel_loop3A_317 = arith.select %parallel_loop3A_315, %parallel_loop3A_308, %parallel_loop3A_311 : vector<16xi1>, vector<16xi32>
      %parallel_loop3A_318 = arith.cmpf oge, %parallel_loop3A_313, %parallel_loop3A_316 : vector<16xf32>
      %parallel_loop3A_319 = arith.select %parallel_loop3A_318, %parallel_loop3A_313, %parallel_loop3A_316 : vector<16xi1>, vector<16xf32>
      %parallel_loop3A_320 = arith.select %parallel_loop3A_318, %parallel_loop3A_314, %parallel_loop3A_317 : vector<16xi1>, vector<16xi32>
      %parallel_loop3A_321 = arith.constant 0 : i32
      %parallel_loop3A_322 = vector.broadcast %parallel_loop3A_321 : i32 to vector<16xi32>
      %parallel_loop3A_323 = arith.cmpi eq, %parallel_loop3A_320, %parallel_loop3A_322 : vector<16xi32>
      %parallel_loop3A_324 = vector.broadcast %parallel_loop3A_3 : f32 to vector<16xf32>
      %parallel_loop3A_325 = arith.select %parallel_loop3A_323, %parallel_loop3A_324, %parallel_loop3A_168 : vector<16xi1>, vector<16xf32>
      %parallel_loop3A_326 = arith.constant 1 : i32
      %parallel_loop3A_327 = vector.broadcast %parallel_loop3A_326 : i32 to vector<16xi32>
      %parallel_loop3A_328 = arith.cmpi eq, %parallel_loop3A_320, %parallel_loop3A_327 : vector<16xi32>
      %parallel_loop3A_329 = vector.broadcast %parallel_loop3A_3 : f32 to vector<16xf32>
      %parallel_loop3A_330 = arith.select %parallel_loop3A_328, %parallel_loop3A_329, %parallel_loop3A_173 : vector<16xi1>, vector<16xf32>
      %parallel_loop3A_331 = arith.constant 2 : i32
      %parallel_loop3A_332 = vector.broadcast %parallel_loop3A_331 : i32 to vector<16xi32>
      %parallel_loop3A_333 = arith.cmpi eq, %parallel_loop3A_320, %parallel_loop3A_332 : vector<16xi32>
      %parallel_loop3A_334 = vector.broadcast %parallel_loop3A_3 : f32 to vector<16xf32>
      %parallel_loop3A_335 = arith.select %parallel_loop3A_333, %parallel_loop3A_334, %parallel_loop3A_178 : vector<16xi1>, vector<16xf32>
      %parallel_loop3A_336 = arith.constant 3 : i32
      %parallel_loop3A_337 = vector.broadcast %parallel_loop3A_336 : i32 to vector<16xi32>
      %parallel_loop3A_338 = arith.cmpi eq, %parallel_loop3A_320, %parallel_loop3A_337 : vector<16xi32>
      %parallel_loop3A_339 = vector.broadcast %parallel_loop3A_3 : f32 to vector<16xf32>
      %parallel_loop3A_340 = arith.select %parallel_loop3A_338, %parallel_loop3A_339, %parallel_loop3A_183 : vector<16xi1>, vector<16xf32>
      %parallel_loop3A_341 = arith.constant 4 : i32
      %parallel_loop3A_342 = vector.broadcast %parallel_loop3A_341 : i32 to vector<16xi32>
      %parallel_loop3A_343 = arith.cmpi eq, %parallel_loop3A_320, %parallel_loop3A_342 : vector<16xi32>
      %parallel_loop3A_344 = vector.broadcast %parallel_loop3A_3 : f32 to vector<16xf32>
      %parallel_loop3A_345 = arith.select %parallel_loop3A_343, %parallel_loop3A_344, %parallel_loop3A_188 : vector<16xi1>, vector<16xf32>
      %parallel_loop3A_346 = arith.constant 5 : i32
      %parallel_loop3A_347 = vector.broadcast %parallel_loop3A_346 : i32 to vector<16xi32>
      %parallel_loop3A_348 = arith.cmpi eq, %parallel_loop3A_320, %parallel_loop3A_347 : vector<16xi32>
      %parallel_loop3A_349 = vector.broadcast %parallel_loop3A_3 : f32 to vector<16xf32>
      %parallel_loop3A_350 = arith.select %parallel_loop3A_348, %parallel_loop3A_349, %parallel_loop3A_193 : vector<16xi1>, vector<16xf32>
      %parallel_loop3A_351 = arith.constant 6 : i32
      %parallel_loop3A_352 = vector.broadcast %parallel_loop3A_351 : i32 to vector<16xi32>
      %parallel_loop3A_353 = arith.cmpi eq, %parallel_loop3A_320, %parallel_loop3A_352 : vector<16xi32>
      %parallel_loop3A_354 = vector.broadcast %parallel_loop3A_3 : f32 to vector<16xf32>
      %parallel_loop3A_355 = arith.select %parallel_loop3A_353, %parallel_loop3A_354, %parallel_loop3A_198 : vector<16xi1>, vector<16xf32>
      %parallel_loop3A_356 = arith.constant 7 : i32
      %parallel_loop3A_357 = vector.broadcast %parallel_loop3A_356 : i32 to vector<16xi32>
      %parallel_loop3A_358 = arith.cmpi eq, %parallel_loop3A_320, %parallel_loop3A_357 : vector<16xi32>
      %parallel_loop3A_359 = vector.broadcast %parallel_loop3A_3 : f32 to vector<16xf32>
      %parallel_loop3A_360 = arith.select %parallel_loop3A_358, %parallel_loop3A_359, %parallel_loop3A_203 : vector<16xi1>, vector<16xf32>
      %parallel_loop3A_361 = arith.constant 8 : i32
      %parallel_loop3A_362 = vector.broadcast %parallel_loop3A_361 : i32 to vector<16xi32>
      %parallel_loop3A_363 = arith.cmpi eq, %parallel_loop3A_320, %parallel_loop3A_362 : vector<16xi32>
      %parallel_loop3A_364 = vector.broadcast %parallel_loop3A_3 : f32 to vector<16xf32>
      %parallel_loop3A_365 = arith.select %parallel_loop3A_363, %parallel_loop3A_364, %parallel_loop3A_208 : vector<16xi1>, vector<16xf32>
      %parallel_loop3A_366 = arith.constant 9 : i32
      %parallel_loop3A_367 = vector.broadcast %parallel_loop3A_366 : i32 to vector<16xi32>
      %parallel_loop3A_368 = arith.cmpi eq, %parallel_loop3A_320, %parallel_loop3A_367 : vector<16xi32>
      %parallel_loop3A_369 = vector.broadcast %parallel_loop3A_3 : f32 to vector<16xf32>
      %parallel_loop3A_370 = arith.select %parallel_loop3A_368, %parallel_loop3A_369, %parallel_loop3A_213 : vector<16xi1>, vector<16xf32>
      %parallel_loop3A_371 = arith.constant 10 : i32
      %parallel_loop3A_372 = vector.broadcast %parallel_loop3A_371 : i32 to vector<16xi32>
      %parallel_loop3A_373 = arith.cmpi eq, %parallel_loop3A_320, %parallel_loop3A_372 : vector<16xi32>
      %parallel_loop3A_374 = vector.broadcast %parallel_loop3A_3 : f32 to vector<16xf32>
      %parallel_loop3A_375 = arith.select %parallel_loop3A_373, %parallel_loop3A_374, %parallel_loop3A_218 : vector<16xi1>, vector<16xf32>
      %parallel_loop3A_376 = arith.constant 11 : i32
      %parallel_loop3A_377 = vector.broadcast %parallel_loop3A_376 : i32 to vector<16xi32>
      %parallel_loop3A_378 = arith.cmpi eq, %parallel_loop3A_320, %parallel_loop3A_377 : vector<16xi32>
      %parallel_loop3A_379 = vector.broadcast %parallel_loop3A_3 : f32 to vector<16xf32>
      %parallel_loop3A_380 = arith.select %parallel_loop3A_378, %parallel_loop3A_379, %parallel_loop3A_223 : vector<16xi1>, vector<16xf32>
      %parallel_loop3A_381 = arith.constant 12 : i32
      %parallel_loop3A_382 = vector.broadcast %parallel_loop3A_381 : i32 to vector<16xi32>
      %parallel_loop3A_383 = arith.cmpi eq, %parallel_loop3A_320, %parallel_loop3A_382 : vector<16xi32>
      %parallel_loop3A_384 = vector.broadcast %parallel_loop3A_3 : f32 to vector<16xf32>
      %parallel_loop3A_385 = arith.select %parallel_loop3A_383, %parallel_loop3A_384, %parallel_loop3A_228 : vector<16xi1>, vector<16xf32>
      %parallel_loop3A_386 = arith.constant 13 : i32
      %parallel_loop3A_387 = vector.broadcast %parallel_loop3A_386 : i32 to vector<16xi32>
      %parallel_loop3A_388 = arith.cmpi eq, %parallel_loop3A_320, %parallel_loop3A_387 : vector<16xi32>
      %parallel_loop3A_389 = vector.broadcast %parallel_loop3A_3 : f32 to vector<16xf32>
      %parallel_loop3A_390 = arith.select %parallel_loop3A_388, %parallel_loop3A_389, %parallel_loop3A_233 : vector<16xi1>, vector<16xf32>
      %parallel_loop3A_391 = arith.constant 14 : i32
      %parallel_loop3A_392 = vector.broadcast %parallel_loop3A_391 : i32 to vector<16xi32>
      %parallel_loop3A_393 = arith.cmpi eq, %parallel_loop3A_320, %parallel_loop3A_392 : vector<16xi32>
      %parallel_loop3A_394 = vector.broadcast %parallel_loop3A_3 : f32 to vector<16xf32>
      %parallel_loop3A_395 = arith.select %parallel_loop3A_393, %parallel_loop3A_394, %parallel_loop3A_238 : vector<16xi1>, vector<16xf32>
      %parallel_loop3A_396 = arith.constant 15 : i32
      %parallel_loop3A_397 = vector.broadcast %parallel_loop3A_396 : i32 to vector<16xi32>
      %parallel_loop3A_398 = arith.cmpi eq, %parallel_loop3A_320, %parallel_loop3A_397 : vector<16xi32>
      %parallel_loop3A_399 = vector.broadcast %parallel_loop3A_3 : f32 to vector<16xf32>
      %parallel_loop3A_400 = arith.select %parallel_loop3A_398, %parallel_loop3A_399, %parallel_loop3A_243 : vector<16xi1>, vector<16xf32>
      %parallel_loop3A_401 = arith.constant 0 : i32
      %parallel_loop3A_402 = vector.broadcast %parallel_loop3A_401 : i32 to vector<16xi32>
      %parallel_loop3A_403 = arith.constant 1 : i32
      %parallel_loop3A_404 = vector.broadcast %parallel_loop3A_403 : i32 to vector<16xi32>
      %parallel_loop3A_405 = arith.constant 2 : i32
      %parallel_loop3A_406 = vector.broadcast %parallel_loop3A_405 : i32 to vector<16xi32>
      %parallel_loop3A_407 = arith.constant 3 : i32
      %parallel_loop3A_408 = vector.broadcast %parallel_loop3A_407 : i32 to vector<16xi32>
      %parallel_loop3A_409 = arith.constant 4 : i32
      %parallel_loop3A_410 = vector.broadcast %parallel_loop3A_409 : i32 to vector<16xi32>
      %parallel_loop3A_411 = arith.constant 5 : i32
      %parallel_loop3A_412 = vector.broadcast %parallel_loop3A_411 : i32 to vector<16xi32>
      %parallel_loop3A_413 = arith.constant 6 : i32
      %parallel_loop3A_414 = vector.broadcast %parallel_loop3A_413 : i32 to vector<16xi32>
      %parallel_loop3A_415 = arith.constant 7 : i32
      %parallel_loop3A_416 = vector.broadcast %parallel_loop3A_415 : i32 to vector<16xi32>
      %parallel_loop3A_417 = arith.constant 8 : i32
      %parallel_loop3A_418 = vector.broadcast %parallel_loop3A_417 : i32 to vector<16xi32>
      %parallel_loop3A_419 = arith.constant 9 : i32
      %parallel_loop3A_420 = vector.broadcast %parallel_loop3A_419 : i32 to vector<16xi32>
      %parallel_loop3A_421 = arith.constant 10 : i32
      %parallel_loop3A_422 = vector.broadcast %parallel_loop3A_421 : i32 to vector<16xi32>
      %parallel_loop3A_423 = arith.constant 11 : i32
      %parallel_loop3A_424 = vector.broadcast %parallel_loop3A_423 : i32 to vector<16xi32>
      %parallel_loop3A_425 = arith.constant 12 : i32
      %parallel_loop3A_426 = vector.broadcast %parallel_loop3A_425 : i32 to vector<16xi32>
      %parallel_loop3A_427 = arith.constant 13 : i32
      %parallel_loop3A_428 = vector.broadcast %parallel_loop3A_427 : i32 to vector<16xi32>
      %parallel_loop3A_429 = arith.constant 14 : i32
      %parallel_loop3A_430 = vector.broadcast %parallel_loop3A_429 : i32 to vector<16xi32>
      %parallel_loop3A_431 = arith.constant 15 : i32
      %parallel_loop3A_432 = vector.broadcast %parallel_loop3A_431 : i32 to vector<16xi32>
      %parallel_loop3A_433 = arith.cmpf oge, %parallel_loop3A_325, %parallel_loop3A_330 : vector<16xf32>
      %parallel_loop3A_434 = arith.select %parallel_loop3A_433, %parallel_loop3A_325, %parallel_loop3A_330 : vector<16xi1>, vector<16xf32>
      %parallel_loop3A_435 = arith.select %parallel_loop3A_433, %parallel_loop3A_402, %parallel_loop3A_404 : vector<16xi1>, vector<16xi32>
      %parallel_loop3A_436 = arith.cmpf oge, %parallel_loop3A_335, %parallel_loop3A_340 : vector<16xf32>
      %parallel_loop3A_437 = arith.select %parallel_loop3A_436, %parallel_loop3A_335, %parallel_loop3A_340 : vector<16xi1>, vector<16xf32>
      %parallel_loop3A_438 = arith.select %parallel_loop3A_436, %parallel_loop3A_406, %parallel_loop3A_408 : vector<16xi1>, vector<16xi32>
      %parallel_loop3A_439 = arith.cmpf oge, %parallel_loop3A_345, %parallel_loop3A_350 : vector<16xf32>
      %parallel_loop3A_440 = arith.select %parallel_loop3A_439, %parallel_loop3A_345, %parallel_loop3A_350 : vector<16xi1>, vector<16xf32>
      %parallel_loop3A_441 = arith.select %parallel_loop3A_439, %parallel_loop3A_410, %parallel_loop3A_412 : vector<16xi1>, vector<16xi32>
      %parallel_loop3A_442 = arith.cmpf oge, %parallel_loop3A_355, %parallel_loop3A_360 : vector<16xf32>
      %parallel_loop3A_443 = arith.select %parallel_loop3A_442, %parallel_loop3A_355, %parallel_loop3A_360 : vector<16xi1>, vector<16xf32>
      %parallel_loop3A_444 = arith.select %parallel_loop3A_442, %parallel_loop3A_414, %parallel_loop3A_416 : vector<16xi1>, vector<16xi32>
      %parallel_loop3A_445 = arith.cmpf oge, %parallel_loop3A_365, %parallel_loop3A_370 : vector<16xf32>
      %parallel_loop3A_446 = arith.select %parallel_loop3A_445, %parallel_loop3A_365, %parallel_loop3A_370 : vector<16xi1>, vector<16xf32>
      %parallel_loop3A_447 = arith.select %parallel_loop3A_445, %parallel_loop3A_418, %parallel_loop3A_420 : vector<16xi1>, vector<16xi32>
      %parallel_loop3A_448 = arith.cmpf oge, %parallel_loop3A_375, %parallel_loop3A_380 : vector<16xf32>
      %parallel_loop3A_449 = arith.select %parallel_loop3A_448, %parallel_loop3A_375, %parallel_loop3A_380 : vector<16xi1>, vector<16xf32>
      %parallel_loop3A_450 = arith.select %parallel_loop3A_448, %parallel_loop3A_422, %parallel_loop3A_424 : vector<16xi1>, vector<16xi32>
      %parallel_loop3A_451 = arith.cmpf oge, %parallel_loop3A_385, %parallel_loop3A_390 : vector<16xf32>
      %parallel_loop3A_452 = arith.select %parallel_loop3A_451, %parallel_loop3A_385, %parallel_loop3A_390 : vector<16xi1>, vector<16xf32>
      %parallel_loop3A_453 = arith.select %parallel_loop3A_451, %parallel_loop3A_426, %parallel_loop3A_428 : vector<16xi1>, vector<16xi32>
      %parallel_loop3A_454 = arith.cmpf oge, %parallel_loop3A_395, %parallel_loop3A_400 : vector<16xf32>
      %parallel_loop3A_455 = arith.select %parallel_loop3A_454, %parallel_loop3A_395, %parallel_loop3A_400 : vector<16xi1>, vector<16xf32>
      %parallel_loop3A_456 = arith.select %parallel_loop3A_454, %parallel_loop3A_430, %parallel_loop3A_432 : vector<16xi1>, vector<16xi32>
      %parallel_loop3A_457 = arith.cmpf oge, %parallel_loop3A_434, %parallel_loop3A_437 : vector<16xf32>
      %parallel_loop3A_458 = arith.select %parallel_loop3A_457, %parallel_loop3A_434, %parallel_loop3A_437 : vector<16xi1>, vector<16xf32>
      %parallel_loop3A_459 = arith.select %parallel_loop3A_457, %parallel_loop3A_435, %parallel_loop3A_438 : vector<16xi1>, vector<16xi32>
      %parallel_loop3A_460 = arith.cmpf oge, %parallel_loop3A_440, %parallel_loop3A_443 : vector<16xf32>
      %parallel_loop3A_461 = arith.select %parallel_loop3A_460, %parallel_loop3A_440, %parallel_loop3A_443 : vector<16xi1>, vector<16xf32>
      %parallel_loop3A_462 = arith.select %parallel_loop3A_460, %parallel_loop3A_441, %parallel_loop3A_444 : vector<16xi1>, vector<16xi32>
      %parallel_loop3A_463 = arith.cmpf oge, %parallel_loop3A_446, %parallel_loop3A_449 : vector<16xf32>
      %parallel_loop3A_464 = arith.select %parallel_loop3A_463, %parallel_loop3A_446, %parallel_loop3A_449 : vector<16xi1>, vector<16xf32>
      %parallel_loop3A_465 = arith.select %parallel_loop3A_463, %parallel_loop3A_447, %parallel_loop3A_450 : vector<16xi1>, vector<16xi32>
      %parallel_loop3A_466 = arith.cmpf oge, %parallel_loop3A_452, %parallel_loop3A_455 : vector<16xf32>
      %parallel_loop3A_467 = arith.select %parallel_loop3A_466, %parallel_loop3A_452, %parallel_loop3A_455 : vector<16xi1>, vector<16xf32>
      %parallel_loop3A_468 = arith.select %parallel_loop3A_466, %parallel_loop3A_453, %parallel_loop3A_456 : vector<16xi1>, vector<16xi32>
      %parallel_loop3A_469 = arith.cmpf oge, %parallel_loop3A_458, %parallel_loop3A_461 : vector<16xf32>
      %parallel_loop3A_470 = arith.select %parallel_loop3A_469, %parallel_loop3A_458, %parallel_loop3A_461 : vector<16xi1>, vector<16xf32>
      %parallel_loop3A_471 = arith.select %parallel_loop3A_469, %parallel_loop3A_459, %parallel_loop3A_462 : vector<16xi1>, vector<16xi32>
      %parallel_loop3A_472 = arith.cmpf oge, %parallel_loop3A_464, %parallel_loop3A_467 : vector<16xf32>
      %parallel_loop3A_473 = arith.select %parallel_loop3A_472, %parallel_loop3A_464, %parallel_loop3A_467 : vector<16xi1>, vector<16xf32>
      %parallel_loop3A_474 = arith.select %parallel_loop3A_472, %parallel_loop3A_465, %parallel_loop3A_468 : vector<16xi1>, vector<16xi32>
      %parallel_loop3A_475 = arith.cmpf oge, %parallel_loop3A_470, %parallel_loop3A_473 : vector<16xf32>
      %parallel_loop3A_476 = arith.select %parallel_loop3A_475, %parallel_loop3A_470, %parallel_loop3A_473 : vector<16xi1>, vector<16xf32>
      %parallel_loop3A_477 = arith.select %parallel_loop3A_475, %parallel_loop3A_471, %parallel_loop3A_474 : vector<16xi1>, vector<16xi32>
      %parallel_loop3A_478 = arith.constant 0 : i32
      %parallel_loop3A_479 = vector.broadcast %parallel_loop3A_478 : i32 to vector<16xi32>
      %parallel_loop3A_480 = arith.cmpi eq, %parallel_loop3A_477, %parallel_loop3A_479 : vector<16xi32>
      %parallel_loop3A_481 = vector.broadcast %parallel_loop3A_3 : f32 to vector<16xf32>
      %parallel_loop3A_482 = arith.select %parallel_loop3A_480, %parallel_loop3A_481, %parallel_loop3A_325 : vector<16xi1>, vector<16xf32>
      %parallel_loop3A_483 = arith.constant 1 : i32
      %parallel_loop3A_484 = vector.broadcast %parallel_loop3A_483 : i32 to vector<16xi32>
      %parallel_loop3A_485 = arith.cmpi eq, %parallel_loop3A_477, %parallel_loop3A_484 : vector<16xi32>
      %parallel_loop3A_486 = vector.broadcast %parallel_loop3A_3 : f32 to vector<16xf32>
      %parallel_loop3A_487 = arith.select %parallel_loop3A_485, %parallel_loop3A_486, %parallel_loop3A_330 : vector<16xi1>, vector<16xf32>
      %parallel_loop3A_488 = arith.constant 2 : i32
      %parallel_loop3A_489 = vector.broadcast %parallel_loop3A_488 : i32 to vector<16xi32>
      %parallel_loop3A_490 = arith.cmpi eq, %parallel_loop3A_477, %parallel_loop3A_489 : vector<16xi32>
      %parallel_loop3A_491 = vector.broadcast %parallel_loop3A_3 : f32 to vector<16xf32>
      %parallel_loop3A_492 = arith.select %parallel_loop3A_490, %parallel_loop3A_491, %parallel_loop3A_335 : vector<16xi1>, vector<16xf32>
      %parallel_loop3A_493 = arith.constant 3 : i32
      %parallel_loop3A_494 = vector.broadcast %parallel_loop3A_493 : i32 to vector<16xi32>
      %parallel_loop3A_495 = arith.cmpi eq, %parallel_loop3A_477, %parallel_loop3A_494 : vector<16xi32>
      %parallel_loop3A_496 = vector.broadcast %parallel_loop3A_3 : f32 to vector<16xf32>
      %parallel_loop3A_497 = arith.select %parallel_loop3A_495, %parallel_loop3A_496, %parallel_loop3A_340 : vector<16xi1>, vector<16xf32>
      %parallel_loop3A_498 = arith.constant 4 : i32
      %parallel_loop3A_499 = vector.broadcast %parallel_loop3A_498 : i32 to vector<16xi32>
      %parallel_loop3A_500 = arith.cmpi eq, %parallel_loop3A_477, %parallel_loop3A_499 : vector<16xi32>
      %parallel_loop3A_501 = vector.broadcast %parallel_loop3A_3 : f32 to vector<16xf32>
      %parallel_loop3A_502 = arith.select %parallel_loop3A_500, %parallel_loop3A_501, %parallel_loop3A_345 : vector<16xi1>, vector<16xf32>
      %parallel_loop3A_503 = arith.constant 5 : i32
      %parallel_loop3A_504 = vector.broadcast %parallel_loop3A_503 : i32 to vector<16xi32>
      %parallel_loop3A_505 = arith.cmpi eq, %parallel_loop3A_477, %parallel_loop3A_504 : vector<16xi32>
      %parallel_loop3A_506 = vector.broadcast %parallel_loop3A_3 : f32 to vector<16xf32>
      %parallel_loop3A_507 = arith.select %parallel_loop3A_505, %parallel_loop3A_506, %parallel_loop3A_350 : vector<16xi1>, vector<16xf32>
      %parallel_loop3A_508 = arith.constant 6 : i32
      %parallel_loop3A_509 = vector.broadcast %parallel_loop3A_508 : i32 to vector<16xi32>
      %parallel_loop3A_510 = arith.cmpi eq, %parallel_loop3A_477, %parallel_loop3A_509 : vector<16xi32>
      %parallel_loop3A_511 = vector.broadcast %parallel_loop3A_3 : f32 to vector<16xf32>
      %parallel_loop3A_512 = arith.select %parallel_loop3A_510, %parallel_loop3A_511, %parallel_loop3A_355 : vector<16xi1>, vector<16xf32>
      %parallel_loop3A_513 = arith.constant 7 : i32
      %parallel_loop3A_514 = vector.broadcast %parallel_loop3A_513 : i32 to vector<16xi32>
      %parallel_loop3A_515 = arith.cmpi eq, %parallel_loop3A_477, %parallel_loop3A_514 : vector<16xi32>
      %parallel_loop3A_516 = vector.broadcast %parallel_loop3A_3 : f32 to vector<16xf32>
      %parallel_loop3A_517 = arith.select %parallel_loop3A_515, %parallel_loop3A_516, %parallel_loop3A_360 : vector<16xi1>, vector<16xf32>
      %parallel_loop3A_518 = arith.constant 8 : i32
      %parallel_loop3A_519 = vector.broadcast %parallel_loop3A_518 : i32 to vector<16xi32>
      %parallel_loop3A_520 = arith.cmpi eq, %parallel_loop3A_477, %parallel_loop3A_519 : vector<16xi32>
      %parallel_loop3A_521 = vector.broadcast %parallel_loop3A_3 : f32 to vector<16xf32>
      %parallel_loop3A_522 = arith.select %parallel_loop3A_520, %parallel_loop3A_521, %parallel_loop3A_365 : vector<16xi1>, vector<16xf32>
      %parallel_loop3A_523 = arith.constant 9 : i32
      %parallel_loop3A_524 = vector.broadcast %parallel_loop3A_523 : i32 to vector<16xi32>
      %parallel_loop3A_525 = arith.cmpi eq, %parallel_loop3A_477, %parallel_loop3A_524 : vector<16xi32>
      %parallel_loop3A_526 = vector.broadcast %parallel_loop3A_3 : f32 to vector<16xf32>
      %parallel_loop3A_527 = arith.select %parallel_loop3A_525, %parallel_loop3A_526, %parallel_loop3A_370 : vector<16xi1>, vector<16xf32>
      %parallel_loop3A_528 = arith.constant 10 : i32
      %parallel_loop3A_529 = vector.broadcast %parallel_loop3A_528 : i32 to vector<16xi32>
      %parallel_loop3A_530 = arith.cmpi eq, %parallel_loop3A_477, %parallel_loop3A_529 : vector<16xi32>
      %parallel_loop3A_531 = vector.broadcast %parallel_loop3A_3 : f32 to vector<16xf32>
      %parallel_loop3A_532 = arith.select %parallel_loop3A_530, %parallel_loop3A_531, %parallel_loop3A_375 : vector<16xi1>, vector<16xf32>
      %parallel_loop3A_533 = arith.constant 11 : i32
      %parallel_loop3A_534 = vector.broadcast %parallel_loop3A_533 : i32 to vector<16xi32>
      %parallel_loop3A_535 = arith.cmpi eq, %parallel_loop3A_477, %parallel_loop3A_534 : vector<16xi32>
      %parallel_loop3A_536 = vector.broadcast %parallel_loop3A_3 : f32 to vector<16xf32>
      %parallel_loop3A_537 = arith.select %parallel_loop3A_535, %parallel_loop3A_536, %parallel_loop3A_380 : vector<16xi1>, vector<16xf32>
      %parallel_loop3A_538 = arith.constant 12 : i32
      %parallel_loop3A_539 = vector.broadcast %parallel_loop3A_538 : i32 to vector<16xi32>
      %parallel_loop3A_540 = arith.cmpi eq, %parallel_loop3A_477, %parallel_loop3A_539 : vector<16xi32>
      %parallel_loop3A_541 = vector.broadcast %parallel_loop3A_3 : f32 to vector<16xf32>
      %parallel_loop3A_542 = arith.select %parallel_loop3A_540, %parallel_loop3A_541, %parallel_loop3A_385 : vector<16xi1>, vector<16xf32>
      %parallel_loop3A_543 = arith.constant 13 : i32
      %parallel_loop3A_544 = vector.broadcast %parallel_loop3A_543 : i32 to vector<16xi32>
      %parallel_loop3A_545 = arith.cmpi eq, %parallel_loop3A_477, %parallel_loop3A_544 : vector<16xi32>
      %parallel_loop3A_546 = vector.broadcast %parallel_loop3A_3 : f32 to vector<16xf32>
      %parallel_loop3A_547 = arith.select %parallel_loop3A_545, %parallel_loop3A_546, %parallel_loop3A_390 : vector<16xi1>, vector<16xf32>
      %parallel_loop3A_548 = arith.constant 14 : i32
      %parallel_loop3A_549 = vector.broadcast %parallel_loop3A_548 : i32 to vector<16xi32>
      %parallel_loop3A_550 = arith.cmpi eq, %parallel_loop3A_477, %parallel_loop3A_549 : vector<16xi32>
      %parallel_loop3A_551 = vector.broadcast %parallel_loop3A_3 : f32 to vector<16xf32>
      %parallel_loop3A_552 = arith.select %parallel_loop3A_550, %parallel_loop3A_551, %parallel_loop3A_395 : vector<16xi1>, vector<16xf32>
      %parallel_loop3A_553 = arith.constant 15 : i32
      %parallel_loop3A_554 = vector.broadcast %parallel_loop3A_553 : i32 to vector<16xi32>
      %parallel_loop3A_555 = arith.cmpi eq, %parallel_loop3A_477, %parallel_loop3A_554 : vector<16xi32>
      %parallel_loop3A_556 = vector.broadcast %parallel_loop3A_3 : f32 to vector<16xf32>
      %parallel_loop3A_557 = arith.select %parallel_loop3A_555, %parallel_loop3A_556, %parallel_loop3A_400 : vector<16xi1>, vector<16xf32>
      %parallel_loop3A_558 = arith.constant 0 : i32
      %parallel_loop3A_559 = vector.broadcast %parallel_loop3A_558 : i32 to vector<16xi32>
      %parallel_loop3A_560 = arith.constant 1 : i32
      %parallel_loop3A_561 = vector.broadcast %parallel_loop3A_560 : i32 to vector<16xi32>
      %parallel_loop3A_562 = arith.constant 2 : i32
      %parallel_loop3A_563 = vector.broadcast %parallel_loop3A_562 : i32 to vector<16xi32>
      %parallel_loop3A_564 = arith.constant 3 : i32
      %parallel_loop3A_565 = vector.broadcast %parallel_loop3A_564 : i32 to vector<16xi32>
      %parallel_loop3A_566 = arith.constant 4 : i32
      %parallel_loop3A_567 = vector.broadcast %parallel_loop3A_566 : i32 to vector<16xi32>
      %parallel_loop3A_568 = arith.constant 5 : i32
      %parallel_loop3A_569 = vector.broadcast %parallel_loop3A_568 : i32 to vector<16xi32>
      %parallel_loop3A_570 = arith.constant 6 : i32
      %parallel_loop3A_571 = vector.broadcast %parallel_loop3A_570 : i32 to vector<16xi32>
      %parallel_loop3A_572 = arith.constant 7 : i32
      %parallel_loop3A_573 = vector.broadcast %parallel_loop3A_572 : i32 to vector<16xi32>
      %parallel_loop3A_574 = arith.constant 8 : i32
      %parallel_loop3A_575 = vector.broadcast %parallel_loop3A_574 : i32 to vector<16xi32>
      %parallel_loop3A_576 = arith.constant 9 : i32
      %parallel_loop3A_577 = vector.broadcast %parallel_loop3A_576 : i32 to vector<16xi32>
      %parallel_loop3A_578 = arith.constant 10 : i32
      %parallel_loop3A_579 = vector.broadcast %parallel_loop3A_578 : i32 to vector<16xi32>
      %parallel_loop3A_580 = arith.constant 11 : i32
      %parallel_loop3A_581 = vector.broadcast %parallel_loop3A_580 : i32 to vector<16xi32>
      %parallel_loop3A_582 = arith.constant 12 : i32
      %parallel_loop3A_583 = vector.broadcast %parallel_loop3A_582 : i32 to vector<16xi32>
      %parallel_loop3A_584 = arith.constant 13 : i32
      %parallel_loop3A_585 = vector.broadcast %parallel_loop3A_584 : i32 to vector<16xi32>
      %parallel_loop3A_586 = arith.constant 14 : i32
      %parallel_loop3A_587 = vector.broadcast %parallel_loop3A_586 : i32 to vector<16xi32>
      %parallel_loop3A_588 = arith.constant 15 : i32
      %parallel_loop3A_589 = vector.broadcast %parallel_loop3A_588 : i32 to vector<16xi32>
      %parallel_loop3A_590 = arith.cmpf oge, %parallel_loop3A_482, %parallel_loop3A_487 : vector<16xf32>
      %parallel_loop3A_591 = arith.select %parallel_loop3A_590, %parallel_loop3A_482, %parallel_loop3A_487 : vector<16xi1>, vector<16xf32>
      %parallel_loop3A_592 = arith.select %parallel_loop3A_590, %parallel_loop3A_559, %parallel_loop3A_561 : vector<16xi1>, vector<16xi32>
      %parallel_loop3A_593 = arith.cmpf oge, %parallel_loop3A_492, %parallel_loop3A_497 : vector<16xf32>
      %parallel_loop3A_594 = arith.select %parallel_loop3A_593, %parallel_loop3A_492, %parallel_loop3A_497 : vector<16xi1>, vector<16xf32>
      %parallel_loop3A_595 = arith.select %parallel_loop3A_593, %parallel_loop3A_563, %parallel_loop3A_565 : vector<16xi1>, vector<16xi32>
      %parallel_loop3A_596 = arith.cmpf oge, %parallel_loop3A_502, %parallel_loop3A_507 : vector<16xf32>
      %parallel_loop3A_597 = arith.select %parallel_loop3A_596, %parallel_loop3A_502, %parallel_loop3A_507 : vector<16xi1>, vector<16xf32>
      %parallel_loop3A_598 = arith.select %parallel_loop3A_596, %parallel_loop3A_567, %parallel_loop3A_569 : vector<16xi1>, vector<16xi32>
      %parallel_loop3A_599 = arith.cmpf oge, %parallel_loop3A_512, %parallel_loop3A_517 : vector<16xf32>
      %parallel_loop3A_600 = arith.select %parallel_loop3A_599, %parallel_loop3A_512, %parallel_loop3A_517 : vector<16xi1>, vector<16xf32>
      %parallel_loop3A_601 = arith.select %parallel_loop3A_599, %parallel_loop3A_571, %parallel_loop3A_573 : vector<16xi1>, vector<16xi32>
      %parallel_loop3A_602 = arith.cmpf oge, %parallel_loop3A_522, %parallel_loop3A_527 : vector<16xf32>
      %parallel_loop3A_603 = arith.select %parallel_loop3A_602, %parallel_loop3A_522, %parallel_loop3A_527 : vector<16xi1>, vector<16xf32>
      %parallel_loop3A_604 = arith.select %parallel_loop3A_602, %parallel_loop3A_575, %parallel_loop3A_577 : vector<16xi1>, vector<16xi32>
      %parallel_loop3A_605 = arith.cmpf oge, %parallel_loop3A_532, %parallel_loop3A_537 : vector<16xf32>
      %parallel_loop3A_606 = arith.select %parallel_loop3A_605, %parallel_loop3A_532, %parallel_loop3A_537 : vector<16xi1>, vector<16xf32>
      %parallel_loop3A_607 = arith.select %parallel_loop3A_605, %parallel_loop3A_579, %parallel_loop3A_581 : vector<16xi1>, vector<16xi32>
      %parallel_loop3A_608 = arith.cmpf oge, %parallel_loop3A_542, %parallel_loop3A_547 : vector<16xf32>
      %parallel_loop3A_609 = arith.select %parallel_loop3A_608, %parallel_loop3A_542, %parallel_loop3A_547 : vector<16xi1>, vector<16xf32>
      %parallel_loop3A_610 = arith.select %parallel_loop3A_608, %parallel_loop3A_583, %parallel_loop3A_585 : vector<16xi1>, vector<16xi32>
      %parallel_loop3A_611 = arith.cmpf oge, %parallel_loop3A_552, %parallel_loop3A_557 : vector<16xf32>
      %parallel_loop3A_612 = arith.select %parallel_loop3A_611, %parallel_loop3A_552, %parallel_loop3A_557 : vector<16xi1>, vector<16xf32>
      %parallel_loop3A_613 = arith.select %parallel_loop3A_611, %parallel_loop3A_587, %parallel_loop3A_589 : vector<16xi1>, vector<16xi32>
      %parallel_loop3A_614 = arith.cmpf oge, %parallel_loop3A_591, %parallel_loop3A_594 : vector<16xf32>
      %parallel_loop3A_615 = arith.select %parallel_loop3A_614, %parallel_loop3A_591, %parallel_loop3A_594 : vector<16xi1>, vector<16xf32>
      %parallel_loop3A_616 = arith.select %parallel_loop3A_614, %parallel_loop3A_592, %parallel_loop3A_595 : vector<16xi1>, vector<16xi32>
      %parallel_loop3A_617 = arith.cmpf oge, %parallel_loop3A_597, %parallel_loop3A_600 : vector<16xf32>
      %parallel_loop3A_618 = arith.select %parallel_loop3A_617, %parallel_loop3A_597, %parallel_loop3A_600 : vector<16xi1>, vector<16xf32>
      %parallel_loop3A_619 = arith.select %parallel_loop3A_617, %parallel_loop3A_598, %parallel_loop3A_601 : vector<16xi1>, vector<16xi32>
      %parallel_loop3A_620 = arith.cmpf oge, %parallel_loop3A_603, %parallel_loop3A_606 : vector<16xf32>
      %parallel_loop3A_621 = arith.select %parallel_loop3A_620, %parallel_loop3A_603, %parallel_loop3A_606 : vector<16xi1>, vector<16xf32>
      %parallel_loop3A_622 = arith.select %parallel_loop3A_620, %parallel_loop3A_604, %parallel_loop3A_607 : vector<16xi1>, vector<16xi32>
      %parallel_loop3A_623 = arith.cmpf oge, %parallel_loop3A_609, %parallel_loop3A_612 : vector<16xf32>
      %parallel_loop3A_624 = arith.select %parallel_loop3A_623, %parallel_loop3A_609, %parallel_loop3A_612 : vector<16xi1>, vector<16xf32>
      %parallel_loop3A_625 = arith.select %parallel_loop3A_623, %parallel_loop3A_610, %parallel_loop3A_613 : vector<16xi1>, vector<16xi32>
      %parallel_loop3A_626 = arith.cmpf oge, %parallel_loop3A_615, %parallel_loop3A_618 : vector<16xf32>
      %parallel_loop3A_627 = arith.select %parallel_loop3A_626, %parallel_loop3A_615, %parallel_loop3A_618 : vector<16xi1>, vector<16xf32>
      %parallel_loop3A_628 = arith.select %parallel_loop3A_626, %parallel_loop3A_616, %parallel_loop3A_619 : vector<16xi1>, vector<16xi32>
      %parallel_loop3A_629 = arith.cmpf oge, %parallel_loop3A_621, %parallel_loop3A_624 : vector<16xf32>
      %parallel_loop3A_630 = arith.select %parallel_loop3A_629, %parallel_loop3A_621, %parallel_loop3A_624 : vector<16xi1>, vector<16xf32>
      %parallel_loop3A_631 = arith.select %parallel_loop3A_629, %parallel_loop3A_622, %parallel_loop3A_625 : vector<16xi1>, vector<16xi32>
      %parallel_loop3A_632 = arith.cmpf oge, %parallel_loop3A_627, %parallel_loop3A_630 : vector<16xf32>
      %parallel_loop3A_633 = arith.select %parallel_loop3A_632, %parallel_loop3A_627, %parallel_loop3A_630 : vector<16xi1>, vector<16xf32>
      %parallel_loop3A_634 = arith.select %parallel_loop3A_632, %parallel_loop3A_628, %parallel_loop3A_631 : vector<16xi1>, vector<16xi32>
      %parallel_loop3A_635 = arith.constant 0 : i32
      %parallel_loop3A_636 = vector.broadcast %parallel_loop3A_635 : i32 to vector<16xi32>
      %parallel_loop3A_637 = arith.cmpi eq, %parallel_loop3A_634, %parallel_loop3A_636 : vector<16xi32>
      %parallel_loop3A_638 = vector.broadcast %parallel_loop3A_3 : f32 to vector<16xf32>
      %parallel_loop3A_639 = arith.select %parallel_loop3A_637, %parallel_loop3A_638, %parallel_loop3A_482 : vector<16xi1>, vector<16xf32>
      %parallel_loop3A_640 = arith.constant 1 : i32
      %parallel_loop3A_641 = vector.broadcast %parallel_loop3A_640 : i32 to vector<16xi32>
      %parallel_loop3A_642 = arith.cmpi eq, %parallel_loop3A_634, %parallel_loop3A_641 : vector<16xi32>
      %parallel_loop3A_643 = vector.broadcast %parallel_loop3A_3 : f32 to vector<16xf32>
      %parallel_loop3A_644 = arith.select %parallel_loop3A_642, %parallel_loop3A_643, %parallel_loop3A_487 : vector<16xi1>, vector<16xf32>
      %parallel_loop3A_645 = arith.constant 2 : i32
      %parallel_loop3A_646 = vector.broadcast %parallel_loop3A_645 : i32 to vector<16xi32>
      %parallel_loop3A_647 = arith.cmpi eq, %parallel_loop3A_634, %parallel_loop3A_646 : vector<16xi32>
      %parallel_loop3A_648 = vector.broadcast %parallel_loop3A_3 : f32 to vector<16xf32>
      %parallel_loop3A_649 = arith.select %parallel_loop3A_647, %parallel_loop3A_648, %parallel_loop3A_492 : vector<16xi1>, vector<16xf32>
      %parallel_loop3A_650 = arith.constant 3 : i32
      %parallel_loop3A_651 = vector.broadcast %parallel_loop3A_650 : i32 to vector<16xi32>
      %parallel_loop3A_652 = arith.cmpi eq, %parallel_loop3A_634, %parallel_loop3A_651 : vector<16xi32>
      %parallel_loop3A_653 = vector.broadcast %parallel_loop3A_3 : f32 to vector<16xf32>
      %parallel_loop3A_654 = arith.select %parallel_loop3A_652, %parallel_loop3A_653, %parallel_loop3A_497 : vector<16xi1>, vector<16xf32>
      %parallel_loop3A_655 = arith.constant 4 : i32
      %parallel_loop3A_656 = vector.broadcast %parallel_loop3A_655 : i32 to vector<16xi32>
      %parallel_loop3A_657 = arith.cmpi eq, %parallel_loop3A_634, %parallel_loop3A_656 : vector<16xi32>
      %parallel_loop3A_658 = vector.broadcast %parallel_loop3A_3 : f32 to vector<16xf32>
      %parallel_loop3A_659 = arith.select %parallel_loop3A_657, %parallel_loop3A_658, %parallel_loop3A_502 : vector<16xi1>, vector<16xf32>
      %parallel_loop3A_660 = arith.constant 5 : i32
      %parallel_loop3A_661 = vector.broadcast %parallel_loop3A_660 : i32 to vector<16xi32>
      %parallel_loop3A_662 = arith.cmpi eq, %parallel_loop3A_634, %parallel_loop3A_661 : vector<16xi32>
      %parallel_loop3A_663 = vector.broadcast %parallel_loop3A_3 : f32 to vector<16xf32>
      %parallel_loop3A_664 = arith.select %parallel_loop3A_662, %parallel_loop3A_663, %parallel_loop3A_507 : vector<16xi1>, vector<16xf32>
      %parallel_loop3A_665 = arith.constant 6 : i32
      %parallel_loop3A_666 = vector.broadcast %parallel_loop3A_665 : i32 to vector<16xi32>
      %parallel_loop3A_667 = arith.cmpi eq, %parallel_loop3A_634, %parallel_loop3A_666 : vector<16xi32>
      %parallel_loop3A_668 = vector.broadcast %parallel_loop3A_3 : f32 to vector<16xf32>
      %parallel_loop3A_669 = arith.select %parallel_loop3A_667, %parallel_loop3A_668, %parallel_loop3A_512 : vector<16xi1>, vector<16xf32>
      %parallel_loop3A_670 = arith.constant 7 : i32
      %parallel_loop3A_671 = vector.broadcast %parallel_loop3A_670 : i32 to vector<16xi32>
      %parallel_loop3A_672 = arith.cmpi eq, %parallel_loop3A_634, %parallel_loop3A_671 : vector<16xi32>
      %parallel_loop3A_673 = vector.broadcast %parallel_loop3A_3 : f32 to vector<16xf32>
      %parallel_loop3A_674 = arith.select %parallel_loop3A_672, %parallel_loop3A_673, %parallel_loop3A_517 : vector<16xi1>, vector<16xf32>
      %parallel_loop3A_675 = arith.constant 8 : i32
      %parallel_loop3A_676 = vector.broadcast %parallel_loop3A_675 : i32 to vector<16xi32>
      %parallel_loop3A_677 = arith.cmpi eq, %parallel_loop3A_634, %parallel_loop3A_676 : vector<16xi32>
      %parallel_loop3A_678 = vector.broadcast %parallel_loop3A_3 : f32 to vector<16xf32>
      %parallel_loop3A_679 = arith.select %parallel_loop3A_677, %parallel_loop3A_678, %parallel_loop3A_522 : vector<16xi1>, vector<16xf32>
      %parallel_loop3A_680 = arith.constant 9 : i32
      %parallel_loop3A_681 = vector.broadcast %parallel_loop3A_680 : i32 to vector<16xi32>
      %parallel_loop3A_682 = arith.cmpi eq, %parallel_loop3A_634, %parallel_loop3A_681 : vector<16xi32>
      %parallel_loop3A_683 = vector.broadcast %parallel_loop3A_3 : f32 to vector<16xf32>
      %parallel_loop3A_684 = arith.select %parallel_loop3A_682, %parallel_loop3A_683, %parallel_loop3A_527 : vector<16xi1>, vector<16xf32>
      %parallel_loop3A_685 = arith.constant 10 : i32
      %parallel_loop3A_686 = vector.broadcast %parallel_loop3A_685 : i32 to vector<16xi32>
      %parallel_loop3A_687 = arith.cmpi eq, %parallel_loop3A_634, %parallel_loop3A_686 : vector<16xi32>
      %parallel_loop3A_688 = vector.broadcast %parallel_loop3A_3 : f32 to vector<16xf32>
      %parallel_loop3A_689 = arith.select %parallel_loop3A_687, %parallel_loop3A_688, %parallel_loop3A_532 : vector<16xi1>, vector<16xf32>
      %parallel_loop3A_690 = arith.constant 11 : i32
      %parallel_loop3A_691 = vector.broadcast %parallel_loop3A_690 : i32 to vector<16xi32>
      %parallel_loop3A_692 = arith.cmpi eq, %parallel_loop3A_634, %parallel_loop3A_691 : vector<16xi32>
      %parallel_loop3A_693 = vector.broadcast %parallel_loop3A_3 : f32 to vector<16xf32>
      %parallel_loop3A_694 = arith.select %parallel_loop3A_692, %parallel_loop3A_693, %parallel_loop3A_537 : vector<16xi1>, vector<16xf32>
      %parallel_loop3A_695 = arith.constant 12 : i32
      %parallel_loop3A_696 = vector.broadcast %parallel_loop3A_695 : i32 to vector<16xi32>
      %parallel_loop3A_697 = arith.cmpi eq, %parallel_loop3A_634, %parallel_loop3A_696 : vector<16xi32>
      %parallel_loop3A_698 = vector.broadcast %parallel_loop3A_3 : f32 to vector<16xf32>
      %parallel_loop3A_699 = arith.select %parallel_loop3A_697, %parallel_loop3A_698, %parallel_loop3A_542 : vector<16xi1>, vector<16xf32>
      %parallel_loop3A_700 = arith.constant 13 : i32
      %parallel_loop3A_701 = vector.broadcast %parallel_loop3A_700 : i32 to vector<16xi32>
      %parallel_loop3A_702 = arith.cmpi eq, %parallel_loop3A_634, %parallel_loop3A_701 : vector<16xi32>
      %parallel_loop3A_703 = vector.broadcast %parallel_loop3A_3 : f32 to vector<16xf32>
      %parallel_loop3A_704 = arith.select %parallel_loop3A_702, %parallel_loop3A_703, %parallel_loop3A_547 : vector<16xi1>, vector<16xf32>
      %parallel_loop3A_705 = arith.constant 14 : i32
      %parallel_loop3A_706 = vector.broadcast %parallel_loop3A_705 : i32 to vector<16xi32>
      %parallel_loop3A_707 = arith.cmpi eq, %parallel_loop3A_634, %parallel_loop3A_706 : vector<16xi32>
      %parallel_loop3A_708 = vector.broadcast %parallel_loop3A_3 : f32 to vector<16xf32>
      %parallel_loop3A_709 = arith.select %parallel_loop3A_707, %parallel_loop3A_708, %parallel_loop3A_552 : vector<16xi1>, vector<16xf32>
      %parallel_loop3A_710 = arith.constant 15 : i32
      %parallel_loop3A_711 = vector.broadcast %parallel_loop3A_710 : i32 to vector<16xi32>
      %parallel_loop3A_712 = arith.cmpi eq, %parallel_loop3A_634, %parallel_loop3A_711 : vector<16xi32>
      %parallel_loop3A_713 = vector.broadcast %parallel_loop3A_3 : f32 to vector<16xf32>
      %parallel_loop3A_714 = arith.select %parallel_loop3A_712, %parallel_loop3A_713, %parallel_loop3A_557 : vector<16xi1>, vector<16xf32>
      %parallel_loop3A_715 = vector.broadcast %parallel_loop3A_3 : f32 to vector<16xf32>
      %parallel_loop3A_716 = arith.cmpf oeq, %parallel_loop3A_639, %parallel_loop3A_715 : vector<16xf32>
      %parallel_loop3A_717 = arith.constant 1.000000e+00 : f32
      %parallel_loop3A_718 = arith.constant 0.000000e+00 : f32
      %parallel_loop3A_719 = vector.broadcast %parallel_loop3A_717 : f32 to vector<16xf32>
      %parallel_loop3A_720 = vector.broadcast %parallel_loop3A_718 : f32 to vector<16xf32>
      %parallel_loop3A_721 = arith.select %parallel_loop3A_716, %parallel_loop3A_719, %parallel_loop3A_720 : vector<16xi1>, vector<16xf32>
      %parallel_loop3A_722 = arith.constant 0 : i32
      %parallel_loop3A_723 = arith.index_cast %parallel_loop3A_722 : i32 to index
      %parallel_loop3A_724 = arith.index_cast %parallel_loop3A_6 : i32 to index
      %parallel_loop3A_725 = tpu.vector_load %arg5[%parallel_loop3A_723, %parallel_loop3A_724] {strides = array<i32>} : memref<16x1024xf32, #tpu.memory_space<vmem>>, vector<1x16xf32>,
      %parallel_loop3A_726 = vector.shape_cast %parallel_loop3A_725 : vector<1x16xf32> to vector<16xf32>
      %parallel_loop3A_727 = vector.shape_cast %parallel_loop3A_721 : vector<16xf32> to vector<1x16xf32>
      tpu.vector_store %arg5[%parallel_loop3A_723, %parallel_loop3A_724], %parallel_loop3A_727 {strides = array<i32>} : memref<16x1024xf32, #tpu.memory_space<vmem>>, vector<1x16xf32>,
      %parallel_loop3A_728 = vector.broadcast %parallel_loop3A_3 : f32 to vector<16xf32>
      %parallel_loop3A_729 = arith.cmpf oeq, %parallel_loop3A_644, %parallel_loop3A_728 : vector<16xf32>
      %parallel_loop3A_730 = arith.constant 1.000000e+00 : f32
      %parallel_loop3A_731 = arith.constant 0.000000e+00 : f32
      %parallel_loop3A_732 = vector.broadcast %parallel_loop3A_730 : f32 to vector<16xf32>
      %parallel_loop3A_733 = vector.broadcast %parallel_loop3A_731 : f32 to vector<16xf32>
      %parallel_loop3A_734 = arith.select %parallel_loop3A_729, %parallel_loop3A_732, %parallel_loop3A_733 : vector<16xi1>, vector<16xf32>
      %parallel_loop3A_735 = arith.constant 1 : i32
      %parallel_loop3A_736 = arith.index_cast %parallel_loop3A_735 : i32 to index
      %parallel_loop3A_737 = arith.index_cast %parallel_loop3A_6 : i32 to index
      %parallel_loop3A_738 = tpu.vector_load %arg5[%parallel_loop3A_736, %parallel_loop3A_737] {strides = array<i32>} : memref<16x1024xf32, #tpu.memory_space<vmem>>, vector<1x16xf32>,
      %parallel_loop3A_739 = vector.shape_cast %parallel_loop3A_738 : vector<1x16xf32> to vector<16xf32>
      %parallel_loop3A_740 = vector.shape_cast %parallel_loop3A_734 : vector<16xf32> to vector<1x16xf32>
      tpu.vector_store %arg5[%parallel_loop3A_736, %parallel_loop3A_737], %parallel_loop3A_740 {strides = array<i32>} : memref<16x1024xf32, #tpu.memory_space<vmem>>, vector<1x16xf32>,
      %parallel_loop3A_741 = vector.broadcast %parallel_loop3A_3 : f32 to vector<16xf32>
      %parallel_loop3A_742 = arith.cmpf oeq, %parallel_loop3A_649, %parallel_loop3A_741 : vector<16xf32>
      %parallel_loop3A_743 = arith.constant 1.000000e+00 : f32
      %parallel_loop3A_744 = arith.constant 0.000000e+00 : f32
      %parallel_loop3A_745 = vector.broadcast %parallel_loop3A_743 : f32 to vector<16xf32>
      %parallel_loop3A_746 = vector.broadcast %parallel_loop3A_744 : f32 to vector<16xf32>
      %parallel_loop3A_747 = arith.select %parallel_loop3A_742, %parallel_loop3A_745, %parallel_loop3A_746 : vector<16xi1>, vector<16xf32>
      %parallel_loop3A_748 = arith.constant 2 : i32
      %parallel_loop3A_749 = arith.index_cast %parallel_loop3A_748 : i32 to index
      %parallel_loop3A_750 = arith.index_cast %parallel_loop3A_6 : i32 to index
      %parallel_loop3A_751 = tpu.vector_load %arg5[%parallel_loop3A_749, %parallel_loop3A_750] {strides = array<i32>} : memref<16x1024xf32, #tpu.memory_space<vmem>>, vector<1x16xf32>,
      %parallel_loop3A_752 = vector.shape_cast %parallel_loop3A_751 : vector<1x16xf32> to vector<16xf32>
      %parallel_loop3A_753 = vector.shape_cast %parallel_loop3A_747 : vector<16xf32> to vector<1x16xf32>
      tpu.vector_store %arg5[%parallel_loop3A_749, %parallel_loop3A_750], %parallel_loop3A_753 {strides = array<i32>} : memref<16x1024xf32, #tpu.memory_space<vmem>>, vector<1x16xf32>,
      %parallel_loop3A_754 = vector.broadcast %parallel_loop3A_3 : f32 to vector<16xf32>
      %parallel_loop3A_755 = arith.cmpf oeq, %parallel_loop3A_654, %parallel_loop3A_754 : vector<16xf32>
      %parallel_loop3A_756 = arith.constant 1.000000e+00 : f32
      %parallel_loop3A_757 = arith.constant 0.000000e+00 : f32
      %parallel_loop3A_758 = vector.broadcast %parallel_loop3A_756 : f32 to vector<16xf32>
      %parallel_loop3A_759 = vector.broadcast %parallel_loop3A_757 : f32 to vector<16xf32>
      %parallel_loop3A_760 = arith.select %parallel_loop3A_755, %parallel_loop3A_758, %parallel_loop3A_759 : vector<16xi1>, vector<16xf32>
      %parallel_loop3A_761 = arith.constant 3 : i32
      %parallel_loop3A_762 = arith.index_cast %parallel_loop3A_761 : i32 to index
      %parallel_loop3A_763 = arith.index_cast %parallel_loop3A_6 : i32 to index
      %parallel_loop3A_764 = tpu.vector_load %arg5[%parallel_loop3A_762, %parallel_loop3A_763] {strides = array<i32>} : memref<16x1024xf32, #tpu.memory_space<vmem>>, vector<1x16xf32>,
      %parallel_loop3A_765 = vector.shape_cast %parallel_loop3A_764 : vector<1x16xf32> to vector<16xf32>
      %parallel_loop3A_766 = vector.shape_cast %parallel_loop3A_760 : vector<16xf32> to vector<1x16xf32>
      tpu.vector_store %arg5[%parallel_loop3A_762, %parallel_loop3A_763], %parallel_loop3A_766 {strides = array<i32>} : memref<16x1024xf32, #tpu.memory_space<vmem>>, vector<1x16xf32>,
      %parallel_loop3A_767 = vector.broadcast %parallel_loop3A_3 : f32 to vector<16xf32>
      %parallel_loop3A_768 = arith.cmpf oeq, %parallel_loop3A_659, %parallel_loop3A_767 : vector<16xf32>
      %parallel_loop3A_769 = arith.constant 1.000000e+00 : f32
      %parallel_loop3A_770 = arith.constant 0.000000e+00 : f32
      %parallel_loop3A_771 = vector.broadcast %parallel_loop3A_769 : f32 to vector<16xf32>
      %parallel_loop3A_772 = vector.broadcast %parallel_loop3A_770 : f32 to vector<16xf32>
      %parallel_loop3A_773 = arith.select %parallel_loop3A_768, %parallel_loop3A_771, %parallel_loop3A_772 : vector<16xi1>, vector<16xf32>
      %parallel_loop3A_774 = arith.constant 4 : i32
      %parallel_loop3A_775 = arith.index_cast %parallel_loop3A_774 : i32 to index
      %parallel_loop3A_776 = arith.index_cast %parallel_loop3A_6 : i32 to index
      %parallel_loop3A_777 = tpu.vector_load %arg5[%parallel_loop3A_775, %parallel_loop3A_776] {strides = array<i32>} : memref<16x1024xf32, #tpu.memory_space<vmem>>, vector<1x16xf32>,
      %parallel_loop3A_778 = vector.shape_cast %parallel_loop3A_777 : vector<1x16xf32> to vector<16xf32>
      %parallel_loop3A_779 = vector.shape_cast %parallel_loop3A_773 : vector<16xf32> to vector<1x16xf32>
      tpu.vector_store %arg5[%parallel_loop3A_775, %parallel_loop3A_776], %parallel_loop3A_779 {strides = array<i32>} : memref<16x1024xf32, #tpu.memory_space<vmem>>, vector<1x16xf32>,
      %parallel_loop3A_780 = vector.broadcast %parallel_loop3A_3 : f32 to vector<16xf32>
      %parallel_loop3A_781 = arith.cmpf oeq, %parallel_loop3A_664, %parallel_loop3A_780 : vector<16xf32>
      %parallel_loop3A_782 = arith.constant 1.000000e+00 : f32
      %parallel_loop3A_783 = arith.constant 0.000000e+00 : f32
      %parallel_loop3A_784 = vector.broadcast %parallel_loop3A_782 : f32 to vector<16xf32>
      %parallel_loop3A_785 = vector.broadcast %parallel_loop3A_783 : f32 to vector<16xf32>
      %parallel_loop3A_786 = arith.select %parallel_loop3A_781, %parallel_loop3A_784, %parallel_loop3A_785 : vector<16xi1>, vector<16xf32>
      %parallel_loop3A_787 = arith.constant 5 : i32
      %parallel_loop3A_788 = arith.index_cast %parallel_loop3A_787 : i32 to index
      %parallel_loop3A_789 = arith.index_cast %parallel_loop3A_6 : i32 to index
      %parallel_loop3A_790 = tpu.vector_load %arg5[%parallel_loop3A_788, %parallel_loop3A_789] {strides = array<i32>} : memref<16x1024xf32, #tpu.memory_space<vmem>>, vector<1x16xf32>,
      %parallel_loop3A_791 = vector.shape_cast %parallel_loop3A_790 : vector<1x16xf32> to vector<16xf32>
      %parallel_loop3A_792 = vector.shape_cast %parallel_loop3A_786 : vector<16xf32> to vector<1x16xf32>
      tpu.vector_store %arg5[%parallel_loop3A_788, %parallel_loop3A_789], %parallel_loop3A_792 {strides = array<i32>} : memref<16x1024xf32, #tpu.memory_space<vmem>>, vector<1x16xf32>,
      %parallel_loop3A_793 = vector.broadcast %parallel_loop3A_3 : f32 to vector<16xf32>
      %parallel_loop3A_794 = arith.cmpf oeq, %parallel_loop3A_669, %parallel_loop3A_793 : vector<16xf32>
      %parallel_loop3A_795 = arith.constant 1.000000e+00 : f32
      %parallel_loop3A_796 = arith.constant 0.000000e+00 : f32
      %parallel_loop3A_797 = vector.broadcast %parallel_loop3A_795 : f32 to vector<16xf32>
      %parallel_loop3A_798 = vector.broadcast %parallel_loop3A_796 : f32 to vector<16xf32>
      %parallel_loop3A_799 = arith.select %parallel_loop3A_794, %parallel_loop3A_797, %parallel_loop3A_798 : vector<16xi1>, vector<16xf32>
      %parallel_loop3A_800 = arith.constant 6 : i32
      %parallel_loop3A_801 = arith.index_cast %parallel_loop3A_800 : i32 to index
      %parallel_loop3A_802 = arith.index_cast %parallel_loop3A_6 : i32 to index
      %parallel_loop3A_803 = tpu.vector_load %arg5[%parallel_loop3A_801, %parallel_loop3A_802] {strides = array<i32>} : memref<16x1024xf32, #tpu.memory_space<vmem>>, vector<1x16xf32>,
      %parallel_loop3A_804 = vector.shape_cast %parallel_loop3A_803 : vector<1x16xf32> to vector<16xf32>
      %parallel_loop3A_805 = vector.shape_cast %parallel_loop3A_799 : vector<16xf32> to vector<1x16xf32>
      tpu.vector_store %arg5[%parallel_loop3A_801, %parallel_loop3A_802], %parallel_loop3A_805 {strides = array<i32>} : memref<16x1024xf32, #tpu.memory_space<vmem>>, vector<1x16xf32>,
      %parallel_loop3A_806 = vector.broadcast %parallel_loop3A_3 : f32 to vector<16xf32>
      %parallel_loop3A_807 = arith.cmpf oeq, %parallel_loop3A_674, %parallel_loop3A_806 : vector<16xf32>
      %parallel_loop3A_808 = arith.constant 1.000000e+00 : f32
      %parallel_loop3A_809 = arith.constant 0.000000e+00 : f32
      %parallel_loop3A_810 = vector.broadcast %parallel_loop3A_808 : f32 to vector<16xf32>
      %parallel_loop3A_811 = vector.broadcast %parallel_loop3A_809 : f32 to vector<16xf32>
      %parallel_loop3A_812 = arith.select %parallel_loop3A_807, %parallel_loop3A_810, %parallel_loop3A_811 : vector<16xi1>, vector<16xf32>
      %parallel_loop3A_813 = arith.constant 7 : i32
      %parallel_loop3A_814 = arith.index_cast %parallel_loop3A_813 : i32 to index
      %parallel_loop3A_815 = arith.index_cast %parallel_loop3A_6 : i32 to index
      %parallel_loop3A_816 = tpu.vector_load %arg5[%parallel_loop3A_814, %parallel_loop3A_815] {strides = array<i32>} : memref<16x1024xf32, #tpu.memory_space<vmem>>, vector<1x16xf32>,
      %parallel_loop3A_817 = vector.shape_cast %parallel_loop3A_816 : vector<1x16xf32> to vector<16xf32>
      %parallel_loop3A_818 = vector.shape_cast %parallel_loop3A_812 : vector<16xf32> to vector<1x16xf32>
      tpu.vector_store %arg5[%parallel_loop3A_814, %parallel_loop3A_815], %parallel_loop3A_818 {strides = array<i32>} : memref<16x1024xf32, #tpu.memory_space<vmem>>, vector<1x16xf32>,
      %parallel_loop3A_819 = vector.broadcast %parallel_loop3A_3 : f32 to vector<16xf32>
      %parallel_loop3A_820 = arith.cmpf oeq, %parallel_loop3A_679, %parallel_loop3A_819 : vector<16xf32>
      %parallel_loop3A_821 = arith.constant 1.000000e+00 : f32
      %parallel_loop3A_822 = arith.constant 0.000000e+00 : f32
      %parallel_loop3A_823 = vector.broadcast %parallel_loop3A_821 : f32 to vector<16xf32>
      %parallel_loop3A_824 = vector.broadcast %parallel_loop3A_822 : f32 to vector<16xf32>
      %parallel_loop3A_825 = arith.select %parallel_loop3A_820, %parallel_loop3A_823, %parallel_loop3A_824 : vector<16xi1>, vector<16xf32>
      %parallel_loop3A_826 = arith.constant 8 : i32
      %parallel_loop3A_827 = arith.index_cast %parallel_loop3A_826 : i32 to index
      %parallel_loop3A_828 = arith.index_cast %parallel_loop3A_6 : i32 to index
      %parallel_loop3A_829 = tpu.vector_load %arg5[%parallel_loop3A_827, %parallel_loop3A_828] {strides = array<i32>} : memref<16x1024xf32, #tpu.memory_space<vmem>>, vector<1x16xf32>,
      %parallel_loop3A_830 = vector.shape_cast %parallel_loop3A_829 : vector<1x16xf32> to vector<16xf32>
      %parallel_loop3A_831 = vector.shape_cast %parallel_loop3A_825 : vector<16xf32> to vector<1x16xf32>
      tpu.vector_store %arg5[%parallel_loop3A_827, %parallel_loop3A_828], %parallel_loop3A_831 {strides = array<i32>} : memref<16x1024xf32, #tpu.memory_space<vmem>>, vector<1x16xf32>,
      %parallel_loop3A_832 = vector.broadcast %parallel_loop3A_3 : f32 to vector<16xf32>
      %parallel_loop3A_833 = arith.cmpf oeq, %parallel_loop3A_684, %parallel_loop3A_832 : vector<16xf32>
      %parallel_loop3A_834 = arith.constant 1.000000e+00 : f32
      %parallel_loop3A_835 = arith.constant 0.000000e+00 : f32
      %parallel_loop3A_836 = vector.broadcast %parallel_loop3A_834 : f32 to vector<16xf32>
      %parallel_loop3A_837 = vector.broadcast %parallel_loop3A_835 : f32 to vector<16xf32>
      %parallel_loop3A_838 = arith.select %parallel_loop3A_833, %parallel_loop3A_836, %parallel_loop3A_837 : vector<16xi1>, vector<16xf32>
      %parallel_loop3A_839 = arith.constant 9 : i32
      %parallel_loop3A_840 = arith.index_cast %parallel_loop3A_839 : i32 to index
      %parallel_loop3A_841 = arith.index_cast %parallel_loop3A_6 : i32 to index
      %parallel_loop3A_842 = tpu.vector_load %arg5[%parallel_loop3A_840, %parallel_loop3A_841] {strides = array<i32>} : memref<16x1024xf32, #tpu.memory_space<vmem>>, vector<1x16xf32>,
      %parallel_loop3A_843 = vector.shape_cast %parallel_loop3A_842 : vector<1x16xf32> to vector<16xf32>
      %parallel_loop3A_844 = vector.shape_cast %parallel_loop3A_838 : vector<16xf32> to vector<1x16xf32>
      tpu.vector_store %arg5[%parallel_loop3A_840, %parallel_loop3A_841], %parallel_loop3A_844 {strides = array<i32>} : memref<16x1024xf32, #tpu.memory_space<vmem>>, vector<1x16xf32>,
      %parallel_loop3A_845 = vector.broadcast %parallel_loop3A_3 : f32 to vector<16xf32>
      %parallel_loop3A_846 = arith.cmpf oeq, %parallel_loop3A_689, %parallel_loop3A_845 : vector<16xf32>
      %parallel_loop3A_847 = arith.constant 1.000000e+00 : f32
      %parallel_loop3A_848 = arith.constant 0.000000e+00 : f32
      %parallel_loop3A_849 = vector.broadcast %parallel_loop3A_847 : f32 to vector<16xf32>
      %parallel_loop3A_850 = vector.broadcast %parallel_loop3A_848 : f32 to vector<16xf32>
      %parallel_loop3A_851 = arith.select %parallel_loop3A_846, %parallel_loop3A_849, %parallel_loop3A_850 : vector<16xi1>, vector<16xf32>
      %parallel_loop3A_852 = arith.constant 10 : i32
      %parallel_loop3A_853 = arith.index_cast %parallel_loop3A_852 : i32 to index
      %parallel_loop3A_854 = arith.index_cast %parallel_loop3A_6 : i32 to index
      %parallel_loop3A_855 = tpu.vector_load %arg5[%parallel_loop3A_853, %parallel_loop3A_854] {strides = array<i32>} : memref<16x1024xf32, #tpu.memory_space<vmem>>, vector<1x16xf32>,
      %parallel_loop3A_856 = vector.shape_cast %parallel_loop3A_855 : vector<1x16xf32> to vector<16xf32>
      %parallel_loop3A_857 = vector.shape_cast %parallel_loop3A_851 : vector<16xf32> to vector<1x16xf32>
      tpu.vector_store %arg5[%parallel_loop3A_853, %parallel_loop3A_854], %parallel_loop3A_857 {strides = array<i32>} : memref<16x1024xf32, #tpu.memory_space<vmem>>, vector<1x16xf32>,
      %parallel_loop3A_858 = vector.broadcast %parallel_loop3A_3 : f32 to vector<16xf32>
      %parallel_loop3A_859 = arith.cmpf oeq, %parallel_loop3A_694, %parallel_loop3A_858 : vector<16xf32>
      %parallel_loop3A_860 = arith.constant 1.000000e+00 : f32
      %parallel_loop3A_861 = arith.constant 0.000000e+00 : f32
      %parallel_loop3A_862 = vector.broadcast %parallel_loop3A_860 : f32 to vector<16xf32>
      %parallel_loop3A_863 = vector.broadcast %parallel_loop3A_861 : f32 to vector<16xf32>
      %parallel_loop3A_864 = arith.select %parallel_loop3A_859, %parallel_loop3A_862, %parallel_loop3A_863 : vector<16xi1>, vector<16xf32>
      %parallel_loop3A_865 = arith.constant 11 : i32
      %parallel_loop3A_866 = arith.index_cast %parallel_loop3A_865 : i32 to index
      %parallel_loop3A_867 = arith.index_cast %parallel_loop3A_6 : i32 to index
      %parallel_loop3A_868 = tpu.vector_load %arg5[%parallel_loop3A_866, %parallel_loop3A_867] {strides = array<i32>} : memref<16x1024xf32, #tpu.memory_space<vmem>>, vector<1x16xf32>,
      %parallel_loop3A_869 = vector.shape_cast %parallel_loop3A_868 : vector<1x16xf32> to vector<16xf32>
      %parallel_loop3A_870 = vector.shape_cast %parallel_loop3A_864 : vector<16xf32> to vector<1x16xf32>
      tpu.vector_store %arg5[%parallel_loop3A_866, %parallel_loop3A_867], %parallel_loop3A_870 {strides = array<i32>} : memref<16x1024xf32, #tpu.memory_space<vmem>>, vector<1x16xf32>,
      %parallel_loop3A_871 = vector.broadcast %parallel_loop3A_3 : f32 to vector<16xf32>
      %parallel_loop3A_872 = arith.cmpf oeq, %parallel_loop3A_699, %parallel_loop3A_871 : vector<16xf32>
      %parallel_loop3A_873 = arith.constant 1.000000e+00 : f32
      %parallel_loop3A_874 = arith.constant 0.000000e+00 : f32
      %parallel_loop3A_875 = vector.broadcast %parallel_loop3A_873 : f32 to vector<16xf32>
      %parallel_loop3A_876 = vector.broadcast %parallel_loop3A_874 : f32 to vector<16xf32>
      %parallel_loop3A_877 = arith.select %parallel_loop3A_872, %parallel_loop3A_875, %parallel_loop3A_876 : vector<16xi1>, vector<16xf32>
      %parallel_loop3A_878 = arith.constant 12 : i32
      %parallel_loop3A_879 = arith.index_cast %parallel_loop3A_878 : i32 to index
      %parallel_loop3A_880 = arith.index_cast %parallel_loop3A_6 : i32 to index
      %parallel_loop3A_881 = tpu.vector_load %arg5[%parallel_loop3A_879, %parallel_loop3A_880] {strides = array<i32>} : memref<16x1024xf32, #tpu.memory_space<vmem>>, vector<1x16xf32>,
      %parallel_loop3A_882 = vector.shape_cast %parallel_loop3A_881 : vector<1x16xf32> to vector<16xf32>
      %parallel_loop3A_883 = vector.shape_cast %parallel_loop3A_877 : vector<16xf32> to vector<1x16xf32>
      tpu.vector_store %arg5[%parallel_loop3A_879, %parallel_loop3A_880], %parallel_loop3A_883 {strides = array<i32>} : memref<16x1024xf32, #tpu.memory_space<vmem>>, vector<1x16xf32>,
      %parallel_loop3A_884 = vector.broadcast %parallel_loop3A_3 : f32 to vector<16xf32>
      %parallel_loop3A_885 = arith.cmpf oeq, %parallel_loop3A_704, %parallel_loop3A_884 : vector<16xf32>
      %parallel_loop3A_886 = arith.constant 1.000000e+00 : f32
      %parallel_loop3A_887 = arith.constant 0.000000e+00 : f32
      %parallel_loop3A_888 = vector.broadcast %parallel_loop3A_886 : f32 to vector<16xf32>
      %parallel_loop3A_889 = vector.broadcast %parallel_loop3A_887 : f32 to vector<16xf32>
      %parallel_loop3A_890 = arith.select %parallel_loop3A_885, %parallel_loop3A_888, %parallel_loop3A_889 : vector<16xi1>, vector<16xf32>
      %parallel_loop3A_891 = arith.constant 13 : i32
      %parallel_loop3A_892 = arith.index_cast %parallel_loop3A_891 : i32 to index
      %parallel_loop3A_893 = arith.index_cast %parallel_loop3A_6 : i32 to index
      %parallel_loop3A_894 = tpu.vector_load %arg5[%parallel_loop3A_892, %parallel_loop3A_893] {strides = array<i32>} : memref<16x1024xf32, #tpu.memory_space<vmem>>, vector<1x16xf32>,
      %parallel_loop3A_895 = vector.shape_cast %parallel_loop3A_894 : vector<1x16xf32> to vector<16xf32>
      %parallel_loop3A_896 = vector.shape_cast %parallel_loop3A_890 : vector<16xf32> to vector<1x16xf32>
      tpu.vector_store %arg5[%parallel_loop3A_892, %parallel_loop3A_893], %parallel_loop3A_896 {strides = array<i32>} : memref<16x1024xf32, #tpu.memory_space<vmem>>, vector<1x16xf32>,
      %parallel_loop3A_897 = vector.broadcast %parallel_loop3A_3 : f32 to vector<16xf32>
      %parallel_loop3A_898 = arith.cmpf oeq, %parallel_loop3A_709, %parallel_loop3A_897 : vector<16xf32>
      %parallel_loop3A_899 = arith.constant 1.000000e+00 : f32
      %parallel_loop3A_900 = arith.constant 0.000000e+00 : f32
      %parallel_loop3A_901 = vector.broadcast %parallel_loop3A_899 : f32 to vector<16xf32>
      %parallel_loop3A_902 = vector.broadcast %parallel_loop3A_900 : f32 to vector<16xf32>
      %parallel_loop3A_903 = arith.select %parallel_loop3A_898, %parallel_loop3A_901, %parallel_loop3A_902 : vector<16xi1>, vector<16xf32>
      %parallel_loop3A_904 = arith.constant 14 : i32
      %parallel_loop3A_905 = arith.index_cast %parallel_loop3A_904 : i32 to index
      %parallel_loop3A_906 = arith.index_cast %parallel_loop3A_6 : i32 to index
      %parallel_loop3A_907 = tpu.vector_load %arg5[%parallel_loop3A_905, %parallel_loop3A_906] {strides = array<i32>} : memref<16x1024xf32, #tpu.memory_space<vmem>>, vector<1x16xf32>,
      %parallel_loop3A_908 = vector.shape_cast %parallel_loop3A_907 : vector<1x16xf32> to vector<16xf32>
      %parallel_loop3A_909 = vector.shape_cast %parallel_loop3A_903 : vector<16xf32> to vector<1x16xf32>
      tpu.vector_store %arg5[%parallel_loop3A_905, %parallel_loop3A_906], %parallel_loop3A_909 {strides = array<i32>} : memref<16x1024xf32, #tpu.memory_space<vmem>>, vector<1x16xf32>,
      %parallel_loop3A_910 = vector.broadcast %parallel_loop3A_3 : f32 to vector<16xf32>
      %parallel_loop3A_911 = arith.cmpf oeq, %parallel_loop3A_714, %parallel_loop3A_910 : vector<16xf32>
      %parallel_loop3A_912 = arith.constant 1.000000e+00 : f32
      %parallel_loop3A_913 = arith.constant 0.000000e+00 : f32
      %parallel_loop3A_914 = vector.broadcast %parallel_loop3A_912 : f32 to vector<16xf32>
      %parallel_loop3A_915 = vector.broadcast %parallel_loop3A_913 : f32 to vector<16xf32>
      %parallel_loop3A_916 = arith.select %parallel_loop3A_911, %parallel_loop3A_914, %parallel_loop3A_915 : vector<16xi1>, vector<16xf32>
      %parallel_loop3A_917 = arith.constant 15 : i32
      %parallel_loop3A_918 = arith.index_cast %parallel_loop3A_917 : i32 to index
      %parallel_loop3A_919 = arith.index_cast %parallel_loop3A_6 : i32 to index
      %parallel_loop3A_920 = tpu.vector_load %arg5[%parallel_loop3A_918, %parallel_loop3A_919] {strides = array<i32>} : memref<16x1024xf32, #tpu.memory_space<vmem>>, vector<1x16xf32>,
      %parallel_loop3A_921 = vector.shape_cast %parallel_loop3A_920 : vector<1x16xf32> to vector<16xf32>
      %parallel_loop3A_922 = vector.shape_cast %parallel_loop3A_916 : vector<16xf32> to vector<1x16xf32>
      tpu.vector_store %arg5[%parallel_loop3A_918, %parallel_loop3A_919], %parallel_loop3A_922 {strides = array<i32>} : memref<16x1024xf32, #tpu.memory_space<vmem>>, vector<1x16xf32>,
    } {sc.loop_unroll_factor = 4 : i64, sc.parallel_access}
    "tpu.region"() ({
      %run_scoped3A = tpu.sem_alloc : memref<!tpu.dma_semaphore, #tpu.memory_space<semaphore_mem>>
      %dma_start3A = arith.constant 0 : i32
      %dma_start3A_4 = arith.constant 0 : i32
      %dma_start3A_5 = tpu.memref_slice %arg3[%add3A, %dma_start3A, %dma_start3A_4] : memref<32x16x1024xf32, #tpu.memory_space<hbm>> -> memref<1x16x1024xf32, #tpu.memory_space<hbm>>
      %dma_start3A_6 = tpu.memref_squeeze %dma_start3A_5 : memref<1x16x1024xf32, #tpu.memory_space<hbm>> -> memref<16x1024xf32, #tpu.memory_space<hbm>>
      %dma_start3A_7 = arith.constant 0 : i32
      %dma_start3A_8 = arith.constant 0 : i32
      %dma_start3A_9 = tpu.memref_slice %arg3[%add3A, %dma_start3A_7, %dma_start3A_8] : memref<32x16x1024xf32, #tpu.memory_space<hbm>> -> memref<1x16x1024xf32, #tpu.memory_space<hbm>>
      %dma_start3A_10 = tpu.memref_squeeze %dma_start3A_9 : memref<1x16x1024xf32, #tpu.memory_space<hbm>> -> memref<16x1024xf32, #tpu.memory_space<hbm>>
      tpu.enqueue_dma source(%arg5 : memref<16x1024xf32, #tpu.memory_space<vmem>>) target(%dma_start3A_10 : memref<16x1024xf32, #tpu.memory_space<hbm>>) target_semaphore(%run_scoped3A : memref<!tpu.dma_semaphore, #tpu.memory_space<semaphore_mem>>)
      %dma_wait3A = arith.constant 0 : i32
      %dma_wait3A_11 = arith.constant 0 : i32
      %dma_wait3A_12 = tpu.memref_slice %arg3[%add3A, %dma_wait3A, %dma_wait3A_11] : memref<32x16x1024xf32, #tpu.memory_space<hbm>> -> memref<1x16x1024xf32, #tpu.memory_space<hbm>>
      %dma_wait3A_13 = tpu.memref_squeeze %dma_wait3A_12 : memref<1x16x1024xf32, #tpu.memory_space<hbm>> -> memref<16x1024xf32, #tpu.memory_space<hbm>>
      %dma_wait3A_14 = arith.constant 0 : i32
      %dma_wait3A_15 = arith.constant 0 : i32
      %dma_wait3A_16 = tpu.memref_slice %arg3[%add3A, %dma_wait3A_14, %dma_wait3A_15] : memref<32x16x1024xf32, #tpu.memory_space<hbm>> -> memref<1x16x1024xf32, #tpu.memory_space<hbm>>
      %dma_wait3A_17 = tpu.memref_squeeze %dma_wait3A_16 : memref<1x16x1024xf32, #tpu.memory_space<hbm>> -> memref<16x1024xf32, #tpu.memory_space<hbm>>
      tpu.wait_dma2 semaphore(%run_scoped3A : memref<!tpu.dma_semaphore, #tpu.memory_space<semaphore_mem>>) src(%arg5 : memref<16x1024xf32, #tpu.memory_space<vmem>>) dst(%dma_wait3A_17 : memref<16x1024xf32, #tpu.memory_space<hbm>>)
      tpu.yield
    }) : () -> ()
    return
  }
}

module attributes {stable_mosaic.version = 14 : i64} {
  func.func @_tc_body(%arg0: i32, %arg1: memref<16x16x128xf32, #tpu.memory_space<vmem>>, %arg2: memref<16x16x1024xf32, #tpu.memory_space<vmem>>, %arg3: memref<128x128xf32, #tpu.memory_space<vmem>>, %arg4: memref<1x128xf32, #tpu.memory_space<vmem>>, %arg5: memref<1024x128xf32, #tpu.memory_space<vmem>>, %arg6: memref<128x128xf32, #tpu.memory_space<vmem>>, %arg7: memref<128x1xf32, #tpu.memory_space<vmem>>, %arg8: memref<16x96x1024xf32, #tpu.memory_space<vmem>>, %arg9: memref<16x16x1024xf32, #tpu.memory_space<vmem>>, %arg10: memref<128x1024xf32, #tpu.memory_space<vmem>>) attributes {dimension_semantics = [#tpu.dimension_semantics<arbitrary>], iteration_bounds = array<i64: 2>, scalar_prefetch = 0 : i64, scratch_operands = 1 : i64, tpu.core_type = #tpu.core_type<tc>, window_params = [{transform_indices = @transform_0, window_bounds = array<i64: 16, 16, 128>}, {transform_indices = @transform_1, window_bounds = array<i64: 16, 16, 1024>}, {pipeline_mode = #tpu.pipeline_mode<synchronous>, transform_indices = @transform_2, window_bounds = array<i64: 128, 128>}, {pipeline_mode = #tpu.pipeline_mode<synchronous>, transform_indices = @transform_3, window_bounds = array<i64: 1, 128>}, {pipeline_mode = #tpu.pipeline_mode<synchronous>, transform_indices = @transform_4, window_bounds = array<i64: 1024, 128>}, {pipeline_mode = #tpu.pipeline_mode<synchronous>, transform_indices = @transform_5, window_bounds = array<i64: 128, 128>}, {pipeline_mode = #tpu.pipeline_mode<synchronous>, transform_indices = @transform_6, window_bounds = array<i64: 128, 1>}, {transform_indices = @transform_7, window_bounds = array<i64: 16, 96, 1024>}, {transform_indices = @transform_8, window_bounds = array<i64: 16, 16, 1024>}]} {
    %eq3A = arith.constant 0 : i32
    %eq3A_0 = arith.cmpi eq, %arg0, %eq3A : i32
    %convert_element_type3A = arith.extui %eq3A_0 : i1 to i32
    %cond3A = arith.constant 0 : i32
    %cond3A_1 = arith.cmpi ne, %convert_element_type3A, %cond3A : i32
    scf.if %cond3A_1 {
      %get3A_233 = arith.constant 0 : index
      %get3A_234 = arith.constant 0 : index
      %get3A_235 = vector.load %arg6[%get3A_233, %get3A_234] : memref<128x128xf32, #tpu.memory_space<vmem>>, vector<128x128xf32>
      %get3A_236 = arith.constant 0 : index
      %get3A_237 = arith.constant 0 : index
      %get3A_238 = vector.load %arg5[%get3A_236, %get3A_237] : memref<1024x128xf32, #tpu.memory_space<vmem>>, vector<1024x128xf32>
      %dot_general3A_239 = arith.constant dense<0.000000e+00> : vector<128x1024xf32>
      %dot_general3A_240 = tpu.matmul %get3A_235, %get3A_238, %dot_general3A_239 {dimension_numbers = #tpu.dot_dimension_numbers<[1], [1], [0], [0], [0, 0, 1, 0], [], []>, transpose_lhs_hint = false} : vector<128x128xf32>, vector<1024x128xf32>, vector<128x1024xf32> -> vector<128x1024xf32>
      %get3A_241 = arith.constant 0 : index
      %get3A_242 = arith.constant 0 : index
      %get3A_243 = vector.load %arg7[%get3A_241, %get3A_242] : memref<128x1xf32, #tpu.memory_space<vmem>>, vector<128x1xf32>
      %add3A_244 = vector.broadcast %get3A_243 : vector<128x1xf32> to vector<128x1024xf32>
      %add3A_245 = arith.addf %dot_general3A_240, %add3A_244 : vector<128x1024xf32>
      %swap3A_246 = arith.constant 0 : index
      %swap3A_247 = arith.constant 0 : index
      %swap3A_248 = vector.load %arg10[%swap3A_246, %swap3A_247] : memref<128x1024xf32, #tpu.memory_space<vmem>>, vector<128x1024xf32>
      tpu.vector_store %arg10[%swap3A_246, %swap3A_247], %add3A_245 {strides = array<i32>} : memref<128x1024xf32, #tpu.memory_space<vmem>>, vector<128x1024xf32>,
    } else {
    }
    %get3A = arith.constant 0 : index
    %get3A_2 = arith.constant 0 : index
    %get3A_3 = arith.constant 0 : index
    %get3A_4 = vector.load %arg1[%get3A, %get3A_2, %get3A_3] : memref<16x16x128xf32, #tpu.memory_space<vmem>>, vector<16x16x128xf32>
    %reshape3A = vector.shape_cast %get3A_4 : vector<16x16x128xf32> to vector<256x128xf32>
    %get3A_5 = arith.constant 0 : index
    %get3A_6 = arith.constant 0 : index
    %get3A_7 = vector.load %arg3[%get3A_5, %get3A_6] : memref<128x128xf32, #tpu.memory_space<vmem>>, vector<128x128xf32>
    %dot_general3A = arith.constant dense<0.000000e+00> : vector<256x128xf32>
    %dot_general3A_8 = tpu.matmul %reshape3A, %get3A_7, %dot_general3A {dimension_numbers = #tpu.dot_dimension_numbers<[1], [1], [0], [0], [0, 0, 1, 0], [], []>, transpose_lhs_hint = false} : vector<256x128xf32>, vector<128x128xf32>, vector<256x128xf32> -> vector<256x128xf32>
    %get3A_9 = arith.constant 0 : index
    %get3A_10 = arith.constant 0 : index
    %get3A_11 = vector.load %arg4[%get3A_9, %get3A_10] : memref<1x128xf32, #tpu.memory_space<vmem>>, vector<1x128xf32>
    %add3A = vector.broadcast %get3A_11 : vector<1x128xf32> to vector<256x128xf32>
    %add3A_12 = arith.addf %dot_general3A_8, %add3A : vector<256x128xf32>
    %get3A_13 = arith.constant 0 : index
    %get3A_14 = arith.constant 0 : index
    %get3A_15 = vector.load %arg6[%get3A_13, %get3A_14] : memref<128x128xf32, #tpu.memory_space<vmem>>, vector<128x128xf32>
    %dot_general3A_16 = arith.constant dense<0.000000e+00> : vector<256x128xf32>
    %dot_general3A_17 = tpu.matmul %add3A_12, %get3A_15, %dot_general3A_16 {dimension_numbers = #tpu.dot_dimension_numbers<[1], [1], [0], [0], [0, 0, 1, 0], [], []>, transpose_lhs_hint = false} : vector<256x128xf32>, vector<128x128xf32>, vector<256x128xf32> -> vector<256x128xf32>
    %slice3A = vector.extract_strided_slice %dot_general3A_17 {offsets = [0, 96], sizes = [256, 1], strides = [1, 1]} : vector<256x128xf32> to vector<256x1xf32>
    %reshape3A_18 = vector.shape_cast %slice3A : vector<256x1xf32> to vector<16x16x1xf32>
    %get3A_19 = arith.constant 0 : index
    %get3A_20 = arith.constant 0 : index
    %get3A_21 = arith.constant 0 : index
    %get3A_22 = vector.load %arg2[%get3A_19, %get3A_20, %get3A_21] : memref<16x16x1024xf32, #tpu.memory_space<vmem>>, vector<16x16x1024xf32>
    %gt3A = arith.constant 5.000000e-01 : f32
    %gt3A_23 = vector.broadcast %gt3A : f32 to vector<16x16x1024xf32>
    %gt3A_24 = arith.cmpf ogt, %get3A_22, %gt3A_23 : vector<16x16x1024xf32>
    %broadcast_in_dim3A = vector.shape_cast %reshape3A_18 : vector<16x16x1xf32> to vector<16x16x1xf32>
    %broadcast_in_dim3A_25 = vector.broadcast %broadcast_in_dim3A : vector<16x16x1xf32> to vector<16x16x1024xf32>
    %jit3A = arith.constant 0xFF800000 : f32
    %broadcast_in_dim3A_26 = vector.broadcast %jit3A : f32 to vector<16x16x1024xf32>
    %select_n3A = arith.select %gt3A_24, %broadcast_in_dim3A_25, %broadcast_in_dim3A_26 : vector<16x16x1024xi1>, vector<16x16x1024xf32>
    %reduce_max3A = arith.constant dense<0xFF800000> : vector<16x1024xf32>
    %reduce_max3A_27 = vector.multi_reduction <maximumf>, %select_n3A, %reduce_max3A [1] : vector<16x16x1024xf32> to vector<16x1024xf32>
    %broadcast_in_dim3A_28 = vector.shape_cast %reduce_max3A_27 : vector<16x1024xf32> to vector<16x1x1024xf32>
    %sub3A = vector.broadcast %broadcast_in_dim3A_28 : vector<16x1x1024xf32> to vector<16x16x1024xf32>
    %sub3A_29 = arith.subf %broadcast_in_dim3A_25, %sub3A : vector<16x16x1024xf32>
    %exp3A = math.exp %sub3A_29 : vector<16x16x1024xf32>
    %jit3A_30 = arith.constant 0.000000e+00 : f32
    %broadcast_in_dim3A_31 = vector.broadcast %jit3A_30 : f32 to vector<16x16x1024xf32>
    %select_n3A_32 = arith.select %gt3A_24, %exp3A, %broadcast_in_dim3A_31 : vector<16x16x1024xi1>, vector<16x16x1024xf32>
    %reduce_sum3A = arith.constant dense<0.000000e+00> : vector<16x1024xf32>
    %reduce_sum3A_33 = vector.multi_reduction <add>, %select_n3A_32, %reduce_sum3A [1] : vector<16x16x1024xf32> to vector<16x1024xf32>
    %broadcast_in_dim3A_34 = vector.shape_cast %reduce_sum3A_33 : vector<16x1024xf32> to vector<16x1x1024xf32>
    %div3A = vector.broadcast %broadcast_in_dim3A_34 : vector<16x1x1024xf32> to vector<16x16x1024xf32>
    %div3A_35 = arith.divf %select_n3A_32, %div3A : vector<16x16x1024xf32>
    %swap3A = arith.constant 0 : index
    %swap3A_36 = arith.constant 0 : index
    %swap3A_37 = arith.constant 0 : index
    %swap3A_38 = vector.load %arg9[%swap3A, %swap3A_36, %swap3A_37] : memref<16x16x1024xf32, #tpu.memory_space<vmem>>, vector<16x16x1024xf32>
    tpu.vector_store %arg9[%swap3A, %swap3A_36, %swap3A_37], %div3A_35 {strides = array<i32>} : memref<16x16x1024xf32, #tpu.memory_space<vmem>>, vector<16x16x1024xf32>,
    %get3A_39 = arith.constant 0 : index
    %get3A_40 = arith.constant 0 : index
    %get3A_41 = vector.load %arg10[%get3A_39, %get3A_40] : memref<128x1024xf32, #tpu.memory_space<vmem>>, vector<96x1024xf32>
    %slice3A_42 = vector.extract_strided_slice %dot_general3A_17 {offsets = [0, 0], sizes = [16, 96], strides = [1, 1]} : vector<256x128xf32> to vector<16x96xf32>
    %slice3A_43 = vector.extract_strided_slice %div3A_35 {offsets = [0, 0, 0], sizes = [1, 16, 1024], strides = [1, 1, 1]} : vector<16x16x1024xf32> to vector<1x16x1024xf32>
    %squeeze3A = vector.shape_cast %slice3A_43 : vector<1x16x1024xf32> to vector<16x1024xf32>
    %dot_general3A_44 = arith.constant dense<0.000000e+00> : vector<96x1024xf32>
    %dot_general3A_45 = tpu.matmul %slice3A_42, %squeeze3A, %dot_general3A_44 {dimension_numbers = #tpu.dot_dimension_numbers<[0], [0], [1], [1], [0, 1, 1, 1], [], []>, transpose_lhs_hint = false} : vector<16x96xf32>, vector<16x1024xf32>, vector<96x1024xf32> -> vector<96x1024xf32>
    %add3A_46 = arith.addf %dot_general3A_45, %get3A_41 : vector<96x1024xf32>
    %swap3A_47 = arith.constant 0 : index
    %swap3A_48 = arith.constant 0 : index
    %swap3A_49 = arith.constant 0 : index
    %swap3A_50 = vector.load %arg8[%swap3A_47, %swap3A_48, %swap3A_49] : memref<16x96x1024xf32, #tpu.memory_space<vmem>>, vector<1x96x1024xf32>
    %swap3A_51 = vector.shape_cast %swap3A_50 : vector<1x96x1024xf32> to vector<96x1024xf32>
    %swap3A_52 = vector.shape_cast %add3A_46 : vector<96x1024xf32> to vector<1x96x1024xf32>
    tpu.vector_store %arg8[%swap3A_47, %swap3A_48, %swap3A_49], %swap3A_52 {strides = array<i32>} : memref<16x96x1024xf32, #tpu.memory_space<vmem>>, vector<1x96x1024xf32>,
    %slice3A_53 = vector.extract_strided_slice %dot_general3A_17 {offsets = [16, 0], sizes = [16, 96], strides = [1, 1]} : vector<256x128xf32> to vector<16x96xf32>
    %slice3A_54 = vector.extract_strided_slice %div3A_35 {offsets = [1, 0, 0], sizes = [1, 16, 1024], strides = [1, 1, 1]} : vector<16x16x1024xf32> to vector<1x16x1024xf32>
    %squeeze3A_55 = vector.shape_cast %slice3A_54 : vector<1x16x1024xf32> to vector<16x1024xf32>
    %dot_general3A_56 = arith.constant dense<0.000000e+00> : vector<96x1024xf32>
    %dot_general3A_57 = tpu.matmul %slice3A_53, %squeeze3A_55, %dot_general3A_56 {dimension_numbers = #tpu.dot_dimension_numbers<[0], [0], [1], [1], [0, 1, 1, 1], [], []>, transpose_lhs_hint = false} : vector<16x96xf32>, vector<16x1024xf32>, vector<96x1024xf32> -> vector<96x1024xf32>
    %add3A_58 = arith.addf %dot_general3A_57, %get3A_41 : vector<96x1024xf32>
    %swap3A_59 = arith.constant 1 : index
    %swap3A_60 = arith.constant 0 : index
    %swap3A_61 = arith.constant 0 : index
    %swap3A_62 = vector.load %arg8[%swap3A_59, %swap3A_60, %swap3A_61] : memref<16x96x1024xf32, #tpu.memory_space<vmem>>, vector<1x96x1024xf32>
    %swap3A_63 = vector.shape_cast %swap3A_62 : vector<1x96x1024xf32> to vector<96x1024xf32>
    %swap3A_64 = vector.shape_cast %add3A_58 : vector<96x1024xf32> to vector<1x96x1024xf32>
    tpu.vector_store %arg8[%swap3A_59, %swap3A_60, %swap3A_61], %swap3A_64 {strides = array<i32>} : memref<16x96x1024xf32, #tpu.memory_space<vmem>>, vector<1x96x1024xf32>,
    %slice3A_65 = vector.extract_strided_slice %dot_general3A_17 {offsets = [32, 0], sizes = [16, 96], strides = [1, 1]} : vector<256x128xf32> to vector<16x96xf32>
    %slice3A_66 = vector.extract_strided_slice %div3A_35 {offsets = [2, 0, 0], sizes = [1, 16, 1024], strides = [1, 1, 1]} : vector<16x16x1024xf32> to vector<1x16x1024xf32>
    %squeeze3A_67 = vector.shape_cast %slice3A_66 : vector<1x16x1024xf32> to vector<16x1024xf32>
    %dot_general3A_68 = arith.constant dense<0.000000e+00> : vector<96x1024xf32>
    %dot_general3A_69 = tpu.matmul %slice3A_65, %squeeze3A_67, %dot_general3A_68 {dimension_numbers = #tpu.dot_dimension_numbers<[0], [0], [1], [1], [0, 1, 1, 1], [], []>, transpose_lhs_hint = false} : vector<16x96xf32>, vector<16x1024xf32>, vector<96x1024xf32> -> vector<96x1024xf32>
    %add3A_70 = arith.addf %dot_general3A_69, %get3A_41 : vector<96x1024xf32>
    %swap3A_71 = arith.constant 2 : index
    %swap3A_72 = arith.constant 0 : index
    %swap3A_73 = arith.constant 0 : index
    %swap3A_74 = vector.load %arg8[%swap3A_71, %swap3A_72, %swap3A_73] : memref<16x96x1024xf32, #tpu.memory_space<vmem>>, vector<1x96x1024xf32>
    %swap3A_75 = vector.shape_cast %swap3A_74 : vector<1x96x1024xf32> to vector<96x1024xf32>
    %swap3A_76 = vector.shape_cast %add3A_70 : vector<96x1024xf32> to vector<1x96x1024xf32>
    tpu.vector_store %arg8[%swap3A_71, %swap3A_72, %swap3A_73], %swap3A_76 {strides = array<i32>} : memref<16x96x1024xf32, #tpu.memory_space<vmem>>, vector<1x96x1024xf32>,
    %slice3A_77 = vector.extract_strided_slice %dot_general3A_17 {offsets = [48, 0], sizes = [16, 96], strides = [1, 1]} : vector<256x128xf32> to vector<16x96xf32>
    %slice3A_78 = vector.extract_strided_slice %div3A_35 {offsets = [3, 0, 0], sizes = [1, 16, 1024], strides = [1, 1, 1]} : vector<16x16x1024xf32> to vector<1x16x1024xf32>
    %squeeze3A_79 = vector.shape_cast %slice3A_78 : vector<1x16x1024xf32> to vector<16x1024xf32>
    %dot_general3A_80 = arith.constant dense<0.000000e+00> : vector<96x1024xf32>
    %dot_general3A_81 = tpu.matmul %slice3A_77, %squeeze3A_79, %dot_general3A_80 {dimension_numbers = #tpu.dot_dimension_numbers<[0], [0], [1], [1], [0, 1, 1, 1], [], []>, transpose_lhs_hint = false} : vector<16x96xf32>, vector<16x1024xf32>, vector<96x1024xf32> -> vector<96x1024xf32>
    %add3A_82 = arith.addf %dot_general3A_81, %get3A_41 : vector<96x1024xf32>
    %swap3A_83 = arith.constant 3 : index
    %swap3A_84 = arith.constant 0 : index
    %swap3A_85 = arith.constant 0 : index
    %swap3A_86 = vector.load %arg8[%swap3A_83, %swap3A_84, %swap3A_85] : memref<16x96x1024xf32, #tpu.memory_space<vmem>>, vector<1x96x1024xf32>
    %swap3A_87 = vector.shape_cast %swap3A_86 : vector<1x96x1024xf32> to vector<96x1024xf32>
    %swap3A_88 = vector.shape_cast %add3A_82 : vector<96x1024xf32> to vector<1x96x1024xf32>
    tpu.vector_store %arg8[%swap3A_83, %swap3A_84, %swap3A_85], %swap3A_88 {strides = array<i32>} : memref<16x96x1024xf32, #tpu.memory_space<vmem>>, vector<1x96x1024xf32>,
    %slice3A_89 = vector.extract_strided_slice %dot_general3A_17 {offsets = [64, 0], sizes = [16, 96], strides = [1, 1]} : vector<256x128xf32> to vector<16x96xf32>
    %slice3A_90 = vector.extract_strided_slice %div3A_35 {offsets = [4, 0, 0], sizes = [1, 16, 1024], strides = [1, 1, 1]} : vector<16x16x1024xf32> to vector<1x16x1024xf32>
    %squeeze3A_91 = vector.shape_cast %slice3A_90 : vector<1x16x1024xf32> to vector<16x1024xf32>
    %dot_general3A_92 = arith.constant dense<0.000000e+00> : vector<96x1024xf32>
    %dot_general3A_93 = tpu.matmul %slice3A_89, %squeeze3A_91, %dot_general3A_92 {dimension_numbers = #tpu.dot_dimension_numbers<[0], [0], [1], [1], [0, 1, 1, 1], [], []>, transpose_lhs_hint = false} : vector<16x96xf32>, vector<16x1024xf32>, vector<96x1024xf32> -> vector<96x1024xf32>
    %add3A_94 = arith.addf %dot_general3A_93, %get3A_41 : vector<96x1024xf32>
    %swap3A_95 = arith.constant 4 : index
    %swap3A_96 = arith.constant 0 : index
    %swap3A_97 = arith.constant 0 : index
    %swap3A_98 = vector.load %arg8[%swap3A_95, %swap3A_96, %swap3A_97] : memref<16x96x1024xf32, #tpu.memory_space<vmem>>, vector<1x96x1024xf32>
    %swap3A_99 = vector.shape_cast %swap3A_98 : vector<1x96x1024xf32> to vector<96x1024xf32>
    %swap3A_100 = vector.shape_cast %add3A_94 : vector<96x1024xf32> to vector<1x96x1024xf32>
    tpu.vector_store %arg8[%swap3A_95, %swap3A_96, %swap3A_97], %swap3A_100 {strides = array<i32>} : memref<16x96x1024xf32, #tpu.memory_space<vmem>>, vector<1x96x1024xf32>,
    %slice3A_101 = vector.extract_strided_slice %dot_general3A_17 {offsets = [80, 0], sizes = [16, 96], strides = [1, 1]} : vector<256x128xf32> to vector<16x96xf32>
    %slice3A_102 = vector.extract_strided_slice %div3A_35 {offsets = [5, 0, 0], sizes = [1, 16, 1024], strides = [1, 1, 1]} : vector<16x16x1024xf32> to vector<1x16x1024xf32>
    %squeeze3A_103 = vector.shape_cast %slice3A_102 : vector<1x16x1024xf32> to vector<16x1024xf32>
    %dot_general3A_104 = arith.constant dense<0.000000e+00> : vector<96x1024xf32>
    %dot_general3A_105 = tpu.matmul %slice3A_101, %squeeze3A_103, %dot_general3A_104 {dimension_numbers = #tpu.dot_dimension_numbers<[0], [0], [1], [1], [0, 1, 1, 1], [], []>, transpose_lhs_hint = false} : vector<16x96xf32>, vector<16x1024xf32>, vector<96x1024xf32> -> vector<96x1024xf32>
    %add3A_106 = arith.addf %dot_general3A_105, %get3A_41 : vector<96x1024xf32>
    %swap3A_107 = arith.constant 5 : index
    %swap3A_108 = arith.constant 0 : index
    %swap3A_109 = arith.constant 0 : index
    %swap3A_110 = vector.load %arg8[%swap3A_107, %swap3A_108, %swap3A_109] : memref<16x96x1024xf32, #tpu.memory_space<vmem>>, vector<1x96x1024xf32>
    %swap3A_111 = vector.shape_cast %swap3A_110 : vector<1x96x1024xf32> to vector<96x1024xf32>
    %swap3A_112 = vector.shape_cast %add3A_106 : vector<96x1024xf32> to vector<1x96x1024xf32>
    tpu.vector_store %arg8[%swap3A_107, %swap3A_108, %swap3A_109], %swap3A_112 {strides = array<i32>} : memref<16x96x1024xf32, #tpu.memory_space<vmem>>, vector<1x96x1024xf32>,
    %slice3A_113 = vector.extract_strided_slice %dot_general3A_17 {offsets = [96, 0], sizes = [16, 96], strides = [1, 1]} : vector<256x128xf32> to vector<16x96xf32>
    %slice3A_114 = vector.extract_strided_slice %div3A_35 {offsets = [6, 0, 0], sizes = [1, 16, 1024], strides = [1, 1, 1]} : vector<16x16x1024xf32> to vector<1x16x1024xf32>
    %squeeze3A_115 = vector.shape_cast %slice3A_114 : vector<1x16x1024xf32> to vector<16x1024xf32>
    %dot_general3A_116 = arith.constant dense<0.000000e+00> : vector<96x1024xf32>
    %dot_general3A_117 = tpu.matmul %slice3A_113, %squeeze3A_115, %dot_general3A_116 {dimension_numbers = #tpu.dot_dimension_numbers<[0], [0], [1], [1], [0, 1, 1, 1], [], []>, transpose_lhs_hint = false} : vector<16x96xf32>, vector<16x1024xf32>, vector<96x1024xf32> -> vector<96x1024xf32>
    %add3A_118 = arith.addf %dot_general3A_117, %get3A_41 : vector<96x1024xf32>
    %swap3A_119 = arith.constant 6 : index
    %swap3A_120 = arith.constant 0 : index
    %swap3A_121 = arith.constant 0 : index
    %swap3A_122 = vector.load %arg8[%swap3A_119, %swap3A_120, %swap3A_121] : memref<16x96x1024xf32, #tpu.memory_space<vmem>>, vector<1x96x1024xf32>
    %swap3A_123 = vector.shape_cast %swap3A_122 : vector<1x96x1024xf32> to vector<96x1024xf32>
    %swap3A_124 = vector.shape_cast %add3A_118 : vector<96x1024xf32> to vector<1x96x1024xf32>
    tpu.vector_store %arg8[%swap3A_119, %swap3A_120, %swap3A_121], %swap3A_124 {strides = array<i32>} : memref<16x96x1024xf32, #tpu.memory_space<vmem>>, vector<1x96x1024xf32>,
    %slice3A_125 = vector.extract_strided_slice %dot_general3A_17 {offsets = [112, 0], sizes = [16, 96], strides = [1, 1]} : vector<256x128xf32> to vector<16x96xf32>
    %slice3A_126 = vector.extract_strided_slice %div3A_35 {offsets = [7, 0, 0], sizes = [1, 16, 1024], strides = [1, 1, 1]} : vector<16x16x1024xf32> to vector<1x16x1024xf32>
    %squeeze3A_127 = vector.shape_cast %slice3A_126 : vector<1x16x1024xf32> to vector<16x1024xf32>
    %dot_general3A_128 = arith.constant dense<0.000000e+00> : vector<96x1024xf32>
    %dot_general3A_129 = tpu.matmul %slice3A_125, %squeeze3A_127, %dot_general3A_128 {dimension_numbers = #tpu.dot_dimension_numbers<[0], [0], [1], [1], [0, 1, 1, 1], [], []>, transpose_lhs_hint = false} : vector<16x96xf32>, vector<16x1024xf32>, vector<96x1024xf32> -> vector<96x1024xf32>
    %add3A_130 = arith.addf %dot_general3A_129, %get3A_41 : vector<96x1024xf32>
    %swap3A_131 = arith.constant 7 : index
    %swap3A_132 = arith.constant 0 : index
    %swap3A_133 = arith.constant 0 : index
    %swap3A_134 = vector.load %arg8[%swap3A_131, %swap3A_132, %swap3A_133] : memref<16x96x1024xf32, #tpu.memory_space<vmem>>, vector<1x96x1024xf32>
    %swap3A_135 = vector.shape_cast %swap3A_134 : vector<1x96x1024xf32> to vector<96x1024xf32>
    %swap3A_136 = vector.shape_cast %add3A_130 : vector<96x1024xf32> to vector<1x96x1024xf32>
    tpu.vector_store %arg8[%swap3A_131, %swap3A_132, %swap3A_133], %swap3A_136 {strides = array<i32>} : memref<16x96x1024xf32, #tpu.memory_space<vmem>>, vector<1x96x1024xf32>,
    %slice3A_137 = vector.extract_strided_slice %dot_general3A_17 {offsets = [128, 0], sizes = [16, 96], strides = [1, 1]} : vector<256x128xf32> to vector<16x96xf32>
    %slice3A_138 = vector.extract_strided_slice %div3A_35 {offsets = [8, 0, 0], sizes = [1, 16, 1024], strides = [1, 1, 1]} : vector<16x16x1024xf32> to vector<1x16x1024xf32>
    %squeeze3A_139 = vector.shape_cast %slice3A_138 : vector<1x16x1024xf32> to vector<16x1024xf32>
    %dot_general3A_140 = arith.constant dense<0.000000e+00> : vector<96x1024xf32>
    %dot_general3A_141 = tpu.matmul %slice3A_137, %squeeze3A_139, %dot_general3A_140 {dimension_numbers = #tpu.dot_dimension_numbers<[0], [0], [1], [1], [0, 1, 1, 1], [], []>, transpose_lhs_hint = false} : vector<16x96xf32>, vector<16x1024xf32>, vector<96x1024xf32> -> vector<96x1024xf32>
    %add3A_142 = arith.addf %dot_general3A_141, %get3A_41 : vector<96x1024xf32>
    %swap3A_143 = arith.constant 8 : index
    %swap3A_144 = arith.constant 0 : index
    %swap3A_145 = arith.constant 0 : index
    %swap3A_146 = vector.load %arg8[%swap3A_143, %swap3A_144, %swap3A_145] : memref<16x96x1024xf32, #tpu.memory_space<vmem>>, vector<1x96x1024xf32>
    %swap3A_147 = vector.shape_cast %swap3A_146 : vector<1x96x1024xf32> to vector<96x1024xf32>
    %swap3A_148 = vector.shape_cast %add3A_142 : vector<96x1024xf32> to vector<1x96x1024xf32>
    tpu.vector_store %arg8[%swap3A_143, %swap3A_144, %swap3A_145], %swap3A_148 {strides = array<i32>} : memref<16x96x1024xf32, #tpu.memory_space<vmem>>, vector<1x96x1024xf32>,
    %slice3A_149 = vector.extract_strided_slice %dot_general3A_17 {offsets = [144, 0], sizes = [16, 96], strides = [1, 1]} : vector<256x128xf32> to vector<16x96xf32>
    %slice3A_150 = vector.extract_strided_slice %div3A_35 {offsets = [9, 0, 0], sizes = [1, 16, 1024], strides = [1, 1, 1]} : vector<16x16x1024xf32> to vector<1x16x1024xf32>
    %squeeze3A_151 = vector.shape_cast %slice3A_150 : vector<1x16x1024xf32> to vector<16x1024xf32>
    %dot_general3A_152 = arith.constant dense<0.000000e+00> : vector<96x1024xf32>
    %dot_general3A_153 = tpu.matmul %slice3A_149, %squeeze3A_151, %dot_general3A_152 {dimension_numbers = #tpu.dot_dimension_numbers<[0], [0], [1], [1], [0, 1, 1, 1], [], []>, transpose_lhs_hint = false} : vector<16x96xf32>, vector<16x1024xf32>, vector<96x1024xf32> -> vector<96x1024xf32>
    %add3A_154 = arith.addf %dot_general3A_153, %get3A_41 : vector<96x1024xf32>
    %swap3A_155 = arith.constant 9 : index
    %swap3A_156 = arith.constant 0 : index
    %swap3A_157 = arith.constant 0 : index
    %swap3A_158 = vector.load %arg8[%swap3A_155, %swap3A_156, %swap3A_157] : memref<16x96x1024xf32, #tpu.memory_space<vmem>>, vector<1x96x1024xf32>
    %swap3A_159 = vector.shape_cast %swap3A_158 : vector<1x96x1024xf32> to vector<96x1024xf32>
    %swap3A_160 = vector.shape_cast %add3A_154 : vector<96x1024xf32> to vector<1x96x1024xf32>
    tpu.vector_store %arg8[%swap3A_155, %swap3A_156, %swap3A_157], %swap3A_160 {strides = array<i32>} : memref<16x96x1024xf32, #tpu.memory_space<vmem>>, vector<1x96x1024xf32>,
    %slice3A_161 = vector.extract_strided_slice %dot_general3A_17 {offsets = [160, 0], sizes = [16, 96], strides = [1, 1]} : vector<256x128xf32> to vector<16x96xf32>
    %slice3A_162 = vector.extract_strided_slice %div3A_35 {offsets = [10, 0, 0], sizes = [1, 16, 1024], strides = [1, 1, 1]} : vector<16x16x1024xf32> to vector<1x16x1024xf32>
    %squeeze3A_163 = vector.shape_cast %slice3A_162 : vector<1x16x1024xf32> to vector<16x1024xf32>
    %dot_general3A_164 = arith.constant dense<0.000000e+00> : vector<96x1024xf32>
    %dot_general3A_165 = tpu.matmul %slice3A_161, %squeeze3A_163, %dot_general3A_164 {dimension_numbers = #tpu.dot_dimension_numbers<[0], [0], [1], [1], [0, 1, 1, 1], [], []>, transpose_lhs_hint = false} : vector<16x96xf32>, vector<16x1024xf32>, vector<96x1024xf32> -> vector<96x1024xf32>
    %add3A_166 = arith.addf %dot_general3A_165, %get3A_41 : vector<96x1024xf32>
    %swap3A_167 = arith.constant 10 : index
    %swap3A_168 = arith.constant 0 : index
    %swap3A_169 = arith.constant 0 : index
    %swap3A_170 = vector.load %arg8[%swap3A_167, %swap3A_168, %swap3A_169] : memref<16x96x1024xf32, #tpu.memory_space<vmem>>, vector<1x96x1024xf32>
    %swap3A_171 = vector.shape_cast %swap3A_170 : vector<1x96x1024xf32> to vector<96x1024xf32>
    %swap3A_172 = vector.shape_cast %add3A_166 : vector<96x1024xf32> to vector<1x96x1024xf32>
    tpu.vector_store %arg8[%swap3A_167, %swap3A_168, %swap3A_169], %swap3A_172 {strides = array<i32>} : memref<16x96x1024xf32, #tpu.memory_space<vmem>>, vector<1x96x1024xf32>,
    %slice3A_173 = vector.extract_strided_slice %dot_general3A_17 {offsets = [176, 0], sizes = [16, 96], strides = [1, 1]} : vector<256x128xf32> to vector<16x96xf32>
    %slice3A_174 = vector.extract_strided_slice %div3A_35 {offsets = [11, 0, 0], sizes = [1, 16, 1024], strides = [1, 1, 1]} : vector<16x16x1024xf32> to vector<1x16x1024xf32>
    %squeeze3A_175 = vector.shape_cast %slice3A_174 : vector<1x16x1024xf32> to vector<16x1024xf32>
    %dot_general3A_176 = arith.constant dense<0.000000e+00> : vector<96x1024xf32>
    %dot_general3A_177 = tpu.matmul %slice3A_173, %squeeze3A_175, %dot_general3A_176 {dimension_numbers = #tpu.dot_dimension_numbers<[0], [0], [1], [1], [0, 1, 1, 1], [], []>, transpose_lhs_hint = false} : vector<16x96xf32>, vector<16x1024xf32>, vector<96x1024xf32> -> vector<96x1024xf32>
    %add3A_178 = arith.addf %dot_general3A_177, %get3A_41 : vector<96x1024xf32>
    %swap3A_179 = arith.constant 11 : index
    %swap3A_180 = arith.constant 0 : index
    %swap3A_181 = arith.constant 0 : index
    %swap3A_182 = vector.load %arg8[%swap3A_179, %swap3A_180, %swap3A_181] : memref<16x96x1024xf32, #tpu.memory_space<vmem>>, vector<1x96x1024xf32>
    %swap3A_183 = vector.shape_cast %swap3A_182 : vector<1x96x1024xf32> to vector<96x1024xf32>
    %swap3A_184 = vector.shape_cast %add3A_178 : vector<96x1024xf32> to vector<1x96x1024xf32>
    tpu.vector_store %arg8[%swap3A_179, %swap3A_180, %swap3A_181], %swap3A_184 {strides = array<i32>} : memref<16x96x1024xf32, #tpu.memory_space<vmem>>, vector<1x96x1024xf32>,
    %slice3A_185 = vector.extract_strided_slice %dot_general3A_17 {offsets = [192, 0], sizes = [16, 96], strides = [1, 1]} : vector<256x128xf32> to vector<16x96xf32>
    %slice3A_186 = vector.extract_strided_slice %div3A_35 {offsets = [12, 0, 0], sizes = [1, 16, 1024], strides = [1, 1, 1]} : vector<16x16x1024xf32> to vector<1x16x1024xf32>
    %squeeze3A_187 = vector.shape_cast %slice3A_186 : vector<1x16x1024xf32> to vector<16x1024xf32>
    %dot_general3A_188 = arith.constant dense<0.000000e+00> : vector<96x1024xf32>
    %dot_general3A_189 = tpu.matmul %slice3A_185, %squeeze3A_187, %dot_general3A_188 {dimension_numbers = #tpu.dot_dimension_numbers<[0], [0], [1], [1], [0, 1, 1, 1], [], []>, transpose_lhs_hint = false} : vector<16x96xf32>, vector<16x1024xf32>, vector<96x1024xf32> -> vector<96x1024xf32>
    %add3A_190 = arith.addf %dot_general3A_189, %get3A_41 : vector<96x1024xf32>
    %swap3A_191 = arith.constant 12 : index
    %swap3A_192 = arith.constant 0 : index
    %swap3A_193 = arith.constant 0 : index
    %swap3A_194 = vector.load %arg8[%swap3A_191, %swap3A_192, %swap3A_193] : memref<16x96x1024xf32, #tpu.memory_space<vmem>>, vector<1x96x1024xf32>
    %swap3A_195 = vector.shape_cast %swap3A_194 : vector<1x96x1024xf32> to vector<96x1024xf32>
    %swap3A_196 = vector.shape_cast %add3A_190 : vector<96x1024xf32> to vector<1x96x1024xf32>
    tpu.vector_store %arg8[%swap3A_191, %swap3A_192, %swap3A_193], %swap3A_196 {strides = array<i32>} : memref<16x96x1024xf32, #tpu.memory_space<vmem>>, vector<1x96x1024xf32>,
    %slice3A_197 = vector.extract_strided_slice %dot_general3A_17 {offsets = [208, 0], sizes = [16, 96], strides = [1, 1]} : vector<256x128xf32> to vector<16x96xf32>
    %slice3A_198 = vector.extract_strided_slice %div3A_35 {offsets = [13, 0, 0], sizes = [1, 16, 1024], strides = [1, 1, 1]} : vector<16x16x1024xf32> to vector<1x16x1024xf32>
    %squeeze3A_199 = vector.shape_cast %slice3A_198 : vector<1x16x1024xf32> to vector<16x1024xf32>
    %dot_general3A_200 = arith.constant dense<0.000000e+00> : vector<96x1024xf32>
    %dot_general3A_201 = tpu.matmul %slice3A_197, %squeeze3A_199, %dot_general3A_200 {dimension_numbers = #tpu.dot_dimension_numbers<[0], [0], [1], [1], [0, 1, 1, 1], [], []>, transpose_lhs_hint = false} : vector<16x96xf32>, vector<16x1024xf32>, vector<96x1024xf32> -> vector<96x1024xf32>
    %add3A_202 = arith.addf %dot_general3A_201, %get3A_41 : vector<96x1024xf32>
    %swap3A_203 = arith.constant 13 : index
    %swap3A_204 = arith.constant 0 : index
    %swap3A_205 = arith.constant 0 : index
    %swap3A_206 = vector.load %arg8[%swap3A_203, %swap3A_204, %swap3A_205] : memref<16x96x1024xf32, #tpu.memory_space<vmem>>, vector<1x96x1024xf32>
    %swap3A_207 = vector.shape_cast %swap3A_206 : vector<1x96x1024xf32> to vector<96x1024xf32>
    %swap3A_208 = vector.shape_cast %add3A_202 : vector<96x1024xf32> to vector<1x96x1024xf32>
    tpu.vector_store %arg8[%swap3A_203, %swap3A_204, %swap3A_205], %swap3A_208 {strides = array<i32>} : memref<16x96x1024xf32, #tpu.memory_space<vmem>>, vector<1x96x1024xf32>,
    %slice3A_209 = vector.extract_strided_slice %dot_general3A_17 {offsets = [224, 0], sizes = [16, 96], strides = [1, 1]} : vector<256x128xf32> to vector<16x96xf32>
    %slice3A_210 = vector.extract_strided_slice %div3A_35 {offsets = [14, 0, 0], sizes = [1, 16, 1024], strides = [1, 1, 1]} : vector<16x16x1024xf32> to vector<1x16x1024xf32>
    %squeeze3A_211 = vector.shape_cast %slice3A_210 : vector<1x16x1024xf32> to vector<16x1024xf32>
    %dot_general3A_212 = arith.constant dense<0.000000e+00> : vector<96x1024xf32>
    %dot_general3A_213 = tpu.matmul %slice3A_209, %squeeze3A_211, %dot_general3A_212 {dimension_numbers = #tpu.dot_dimension_numbers<[0], [0], [1], [1], [0, 1, 1, 1], [], []>, transpose_lhs_hint = false} : vector<16x96xf32>, vector<16x1024xf32>, vector<96x1024xf32> -> vector<96x1024xf32>
    %add3A_214 = arith.addf %dot_general3A_213, %get3A_41 : vector<96x1024xf32>
    %swap3A_215 = arith.constant 14 : index
    %swap3A_216 = arith.constant 0 : index
    %swap3A_217 = arith.constant 0 : index
    %swap3A_218 = vector.load %arg8[%swap3A_215, %swap3A_216, %swap3A_217] : memref<16x96x1024xf32, #tpu.memory_space<vmem>>, vector<1x96x1024xf32>
    %swap3A_219 = vector.shape_cast %swap3A_218 : vector<1x96x1024xf32> to vector<96x1024xf32>
    %swap3A_220 = vector.shape_cast %add3A_214 : vector<96x1024xf32> to vector<1x96x1024xf32>
    tpu.vector_store %arg8[%swap3A_215, %swap3A_216, %swap3A_217], %swap3A_220 {strides = array<i32>} : memref<16x96x1024xf32, #tpu.memory_space<vmem>>, vector<1x96x1024xf32>,
    %slice3A_221 = vector.extract_strided_slice %dot_general3A_17 {offsets = [240, 0], sizes = [16, 96], strides = [1, 1]} : vector<256x128xf32> to vector<16x96xf32>
    %slice3A_222 = vector.extract_strided_slice %div3A_35 {offsets = [15, 0, 0], sizes = [1, 16, 1024], strides = [1, 1, 1]} : vector<16x16x1024xf32> to vector<1x16x1024xf32>
    %squeeze3A_223 = vector.shape_cast %slice3A_222 : vector<1x16x1024xf32> to vector<16x1024xf32>
    %dot_general3A_224 = arith.constant dense<0.000000e+00> : vector<96x1024xf32>
    %dot_general3A_225 = tpu.matmul %slice3A_221, %squeeze3A_223, %dot_general3A_224 {dimension_numbers = #tpu.dot_dimension_numbers<[0], [0], [1], [1], [0, 1, 1, 1], [], []>, transpose_lhs_hint = false} : vector<16x96xf32>, vector<16x1024xf32>, vector<96x1024xf32> -> vector<96x1024xf32>
    %add3A_226 = arith.addf %dot_general3A_225, %get3A_41 : vector<96x1024xf32>
    %swap3A_227 = arith.constant 15 : index
    %swap3A_228 = arith.constant 0 : index
    %swap3A_229 = arith.constant 0 : index
    %swap3A_230 = vector.load %arg8[%swap3A_227, %swap3A_228, %swap3A_229] : memref<16x96x1024xf32, #tpu.memory_space<vmem>>, vector<1x96x1024xf32>
    %swap3A_231 = vector.shape_cast %swap3A_230 : vector<1x96x1024xf32> to vector<96x1024xf32>
    %swap3A_232 = vector.shape_cast %add3A_226 : vector<96x1024xf32> to vector<1x96x1024xf32>
    tpu.vector_store %arg8[%swap3A_227, %swap3A_228, %swap3A_229], %swap3A_232 {strides = array<i32>} : memref<16x96x1024xf32, #tpu.memory_space<vmem>>, vector<1x96x1024xf32>,
    return
  }
  func.func @transform_0(%arg0: i32) -> (i32, i32, i32) {
    %c0_i32 = arith.constant 0 : i32
    %c0_i32_0 = arith.constant 0 : i32
    %c0_i32_1 = arith.constant 0 : i32
    return %arg0, %c0_i32, %c0_i32_0 : i32, i32, i32
  }
  func.func @transform_1(%arg0: i32) -> (i32, i32, i32) {
    %c0_i32 = arith.constant 0 : i32
    %c0_i32_0 = arith.constant 0 : i32
    %c0_i32_1 = arith.constant 0 : i32
    return %arg0, %c0_i32, %c0_i32_0 : i32, i32, i32
  }
  func.func @transform_2(%arg0: i32) -> (i32, i32) {
    %c0_i32 = arith.constant 0 : i32
    %c0_i32_0 = arith.constant 0 : i32
    %c0_i32_1 = arith.constant 0 : i32
    return %c0_i32, %c0_i32_0 : i32, i32
  }
  func.func @transform_3(%arg0: i32) -> (i32, i32) {
    %c0_i32 = arith.constant 0 : i32
    %c0_i32_0 = arith.constant 0 : i32
    %c0_i32_1 = arith.constant 0 : i32
    return %c0_i32, %c0_i32_0 : i32, i32
  }
  func.func @transform_4(%arg0: i32) -> (i32, i32) {
    %c0_i32 = arith.constant 0 : i32
    %c0_i32_0 = arith.constant 0 : i32
    %c0_i32_1 = arith.constant 0 : i32
    return %c0_i32, %c0_i32_0 : i32, i32
  }
  func.func @transform_5(%arg0: i32) -> (i32, i32) {
    %c0_i32 = arith.constant 0 : i32
    %c0_i32_0 = arith.constant 0 : i32
    %c0_i32_1 = arith.constant 0 : i32
    return %c0_i32, %c0_i32_0 : i32, i32
  }
  func.func @transform_6(%arg0: i32) -> (i32, i32) {
    %c0_i32 = arith.constant 0 : i32
    %c0_i32_0 = arith.constant 0 : i32
    %c0_i32_1 = arith.constant 0 : i32
    return %c0_i32, %c0_i32_0 : i32, i32
  }
  func.func @transform_7(%arg0: i32) -> (i32, i32, i32) {
    %c0_i32 = arith.constant 0 : i32
    %c0_i32_0 = arith.constant 0 : i32
    %c0_i32_1 = arith.constant 0 : i32
    return %arg0, %c0_i32, %c0_i32_0 : i32, i32, i32
  }
  func.func @transform_8(%arg0: i32) -> (i32, i32, i32) {
    %c0_i32 = arith.constant 0 : i32
    %c0_i32_0 = arith.constant 0 : i32
    %c0_i32_1 = arith.constant 0 : i32
    return %arg0, %c0_i32, %c0_i32_0 : i32, i32, i32
  }
}

</mosaic_0001>

<sc_bundles>
// kernel: kernel.4.cloned.1.call-start
scs
__scs_entry_jumppad:
0x0: {  	(pc) =	sbr.rel $0x88, $3  }
0x1: {  	(tag) =	ssettag $0x0;
	lr =	simm.s32 $0x1  }
0x2: {  	[smem:$0x3F9A] =	sst lr;
	_ =	strace $0xD0000000  }
0x3: {  	_ = 	snop  }
0x4: {  	_ = 	snop  }
0x5: {  	_ = 	snop  }
0x6: {  	_ = 	snop  }
0x7: {  	_ = 	snop  }
__scs_overlays_trampoline_lowered:
0x8: {  	[smem:$0x3FA9] =	sst s0  }
0x9: {  	[smem:$0x3FAA] =	sst s1  }
0xa: {  	[smem:$0x3FAB] =	sst s2  }
0xb: {  	[smem:$0x3FAC] =	sst s3  }
0xc: {  	[smem:$0x3FAD] =	sst s4  }
0xd: {  	[smem:$0x3FAE] =	sst s5  }
0xe: {  	[smem:$0x3FAF] =	sst s6  }
0xf: {  	[smem:$0x3FB0] =	sst s7  }
0x10: {  	[smem:$0x3FB1] =	sst s8  }
0x11: {  	[smem:$0x3FB2] =	sst s9;
	s0 =	simm.s32 @!p0 $0x0  }
0x12: {  	s1 =	sld [smem:$0x3F98];
	s0 =	simm.s32 @p0 $0x1  }
0x13: {  	[smem:$0x3FB3] =	sst s0;
	s0 =	simm.s32 @!p1 $0x0  }
0x14: {  	s2 =	sld [smem:$0x3F97];
	s0 =	simm.s32 @p1 $0x1  }
0x15: {  	[smem:$0x3FB4] =	sst s0;
	s0 =	simm.s32 @!p2 $0x0  }
0x16: {  	s3 =	sld [smem:$0x3FDB];
	s0 =	simm.s32 @p2 $0x1  }
0x17: {  	s4 =	simm.s32 $0x1BF5;
	[smem:$0x3FB6] =	sst s0  }
0x18: {  	s0 =	sld [smem:$0x3F99];
	_ =	swait.ge [sflag:s4], $0x0  }
0x19: {  	s7 =	sld [smem:$0x3F9A]  }
0x1a: {  	s8 =	sadd.s32 $0xFFFFE003, lr  }
0x1b: {  	s9 =	sadd.s32 $0xFFFFFEF7, lr;
	s5 =	simm.s32 $0xFFFFFFFF;
	p2 =	slt.u32 s8, $0xFFFFF086  }
0x1c: {  	p1 =	slt.u32 s9, $0xF7A;
	s5 =	simm.s32 @!p2 $0x0  }
0x1d: {  	s5 =	simm.s32 @p1 $0x1;
	p0 =	seq.s32 s7, s2  }
0x1e: {  	s7 =	smul.u32 @!p0 $0xF7A, s2;
	p2 =	seq.s32 @!p0 s5, $0x0  }
0x1f: {  	s9 =	smul.u32 $0xF7A, s1;
	s8 =	simm.s32 @!p0 $0x1BF5;
	p2 =	por !p2, p0  }
0x20: {  	[sflag:s8] =	ssyncset.s32 @!p0 $0xFFFFF086;
	s6 =	sadd.s32 @!p0 s3, s7;
	s7 =	simm.s32 @!p0 $0x108  }
0x21: {  	s3 =	sadd.s32 s3, s9;
	s6 =	sadd.s32 @!p0 $0x88, s6;
	s7 =	simm.s32 @p2 $0x1082  }
0x22: {  	[simem:s7], [sflag:s8] =	dma.local @!p0 [hbm:s6], $0xF7A  }
0x23: {  	s9 =	sor.u32 $0xD0000000, s2;
	s6 =	simm.s32 $0x108;
	_ =	swait.ge @!p0 [sflag:s8], $0x0  }
0x24: {  	s3 =	sadd.s32 $0x88, s3;
	s6 =	simm.s32 @!p1 $0x1082;
	[sflag:s4] =	ssyncset.s32 $0xFFFFF086  }
0x25: {  	[simem:s6], [sflag:s4] =	dma.local [hbm:s3], $0xF7A  }
0x26: {  	[smem:$0x3F9A] =	sst s1;
	(tag) =	ssettag s2;
	_ =	strace s9  }
0x27: {  	s1 =	sld [smem:$0x3FAA]  }
0x28: {  	s2 =	sld [smem:$0x3FAB]  }
0x29: {  	s4 =	sld [smem:$0x3FAD]  }
0x2a: {  	p0 =	seq.s32 s5, $0x0;
	s5 =	sld [smem:$0x3FAE]  }
0x2b: {  	s6 =	sld [smem:$0x3FAF]  }
0x2c: {  	s7 =	sld [smem:$0x3FB0]  }
0x2d: {  	s3 =	simm.s32 $0x108;
	s8 =	sld [smem:$0x3FB1]  }
0x2e: {  	s3 =	simm.s32 @!p0 $0x1082;
	s9 =	sld [smem:$0x3FB2]  }
0x2f: {  	lr =	sadd.s32 s0, s3;
	s0 =	sld [smem:$0x3FA9]  }
0x30: {  	s3 =	sld [smem:$0x3FAC]  }
0x31: {  	[smem:$0x3FB5] =	sst s10  }
0x32: {  	s10 =	sld [smem:$0x3FB3];
	_ =	sdelay $0x3  }
0x33: {  	p0 =	seq.s32 s10, $0x1;
	s10 =	sld [smem:$0x3FB5];
	_ =	sdelay $0x3  }
0x34: {  	[smem:$0x3FB5] =	sst s10  }
0x35: {  	s10 =	sld [smem:$0x3FB4];
	_ =	sdelay $0x3  }
0x36: {  	p1 =	seq.s32 s10, $0x1;
	s10 =	sld [smem:$0x3FB5];
	_ =	sdelay $0x3  }
0x37: {  	[smem:$0x3FB5] =	sst s10  }
0x38: {  	s10 =	sld [smem:$0x3FB6]  }
0x39: {  	_ = 	snop;
	(pc) =	sbr.ind lr, $3  }
0x3a: {  	_ = 	snop  }
0x3b: {  	_ = 	snop  }
0x3c: {  	p2 =	seq.s32 s10, $0x1;
	s10 =	sld [smem:$0x3FB5]  }
0x3d: {  	_ =	shalt  }
0x3e: {  	_ =	shalt  }
0x3f: {  	_ =	shalt  }
0x40: {  	_ =	shalt  }
0x41: {  	_ =	shalt  }
0x42: {  	_ =	shalt  }
0x43: {  	_ =	shalt  }
0x44: {  	_ =	shalt  }
0x45: {  	_ =	shalt  }
0x46: {  	_ =	shalt  }
0x47: {  	_ =	shalt  }
0x48: {  	_ =	shalt  }
0x49: {  	_ =	shalt  }
0x4a: {  	_ =	shalt  }
0x4b: {  	_ =	shalt  }
0x4c: {  	_ =	shalt  }
0x4d: {  	_ =	shalt  }
0x4e: {  	_ =	shalt  }
0x4f: {  	_ =	shalt  }
0x50: {  	_ =	shalt  }
0x51: {  	_ =	shalt  }
0x52: {  	_ =	shalt  }
0x53: {  	_ =	shalt  }
0x54: {  	_ =	shalt  }
0x55: {  	_ =	shalt  }
0x56: {  	_ =	shalt  }
0x57: {  	_ =	shalt  }
0x58: {  	_ =	shalt  }
0x59: {  	_ =	shalt  }
0x5a: {  	_ =	shalt  }
0x5b: {  	_ =	shalt  }
0x5c: {  	_ =	shalt  }
0x5d: {  	_ =	shalt  }
0x5e: {  	_ =	shalt  }
0x5f: {  	_ =	shalt  }
0x60: {  	_ =	shalt  }
0x61: {  	_ =	shalt  }
0x62: {  	_ =	shalt  }
0x63: {  	_ =	shalt  }
0x64: {  	_ =	shalt  }
0x65: {  	_ =	shalt  }
0x66: {  	_ =	shalt  }
0x67: {  	_ =	shalt  }
0x68: {  	_ =	shalt  }
0x69: {  	_ =	shalt  }
0x6a: {  	_ =	shalt  }
0x6b: {  	_ =	shalt  }
0x6c: {  	_ =	shalt  }
0x6d: {  	_ =	shalt  }
0x6e: {  	_ =	shalt  }
0x6f: {  	_ =	shalt  }
0x70: {  	_ =	shalt  }
0x71: {  	_ =	shalt  }
0x72: {  	_ =	shalt  }
0x73: {  	_ =	shalt  }
0x74: {  	_ =	shalt  }
0x75: {  	_ =	shalt  }
0x76: {  	_ =	shalt  }
0x77: {  	_ =	shalt  }
0x78: {  	_ =	shalt  }
0x79: {  	_ =	shalt  }
0x7a: {  	_ =	shalt  }
0x7b: {  	_ =	shalt  }
0x7c: {  	_ =	shalt  }
0x7d: {  	_ =	shalt  }
0x7e: {  	_ =	shalt  }
0x7f: {  	_ =	shalt  }
0x80: {  	_ =	shalt  }
0x81: {  	_ =	shalt  }
0x82: {  	_ =	shalt  }
0x83: {  	_ =	shalt  }
0x84: {  	_ =	shalt  }
0x85: {  	_ =	shalt  }
0x86: {  	_ =	shalt  }
0x87: {  	_ =	shalt  }
.Lfunc_end0:
.L_simem_size_0:
called_computation_lowered:
.L_overlay_start_0:
0x88: {  	s2 =	sld [smem:$0x3FD9]  }
0x89: {  	s3 =	sld [smem:$0x3FFE];
	_ =	sdelay $0x1  }
0x8a: {  	s1 =	srdreg.scid  }
0x8b: {  	s0 =	sand.u32 $0x1, s1  }
0x8c: {  	s15 =	sshll.u32 s0, $0xA;
	s2 =	sadd.s32 s3, s2  }
0x8d: {  	s2 =	sadd.s32 s2, s15  }
0x8e: {  	[smem:$0x3FC1] =	sst s2  }
0x8f: {  	_ = 	snop  }
0x90: {  	s2 =	sld [smem:$0x3FD0];
	_ =	sdelay $0x2  }
0x91: {  	s4 =	simm.s32 $0xA;
	s5 =	simm.s32 $0x10;
	s16 =	sld [smem:$0x3FC8]  }
0x92: {  	[smem:s5], [sflag:s4] =	dma.local [hbm:s2], $0x1  }
0x93: {  	_ =	swait.eq [sflag:s4], $0x1  }
0x94: {  	[sflag:s4] =	ssyncset.done $0x0  }
0x95: {  	[sflag:s4] =	ssyncadd.s32 $0xFFFFFFFF  }
0x96: {  	s17 =	sld [smem:$0x11];
	(tm) =	ssettm $0x1  }
0x97: {  	s18 =	sld [smem:$0x3FFB];
	_ =	sdelay $0x3  }
0x98: {  	_ =	strace s18  }
0x99: {  	s4 =	sld [smem:$0x3FFC];
	_ =	sdelay $0x3  }
0x9a: {  	_ =	strace s4  }
0x9b: {  	s4 =	sld [smem:$0x3FFD];
	_ =	sdelay $0x3  }
0x9c: {  	_ =	strace s4  }
0x9d: {  	_ =	strace $0x8FFFFFFF  }
0x9e: {  	s19 =	sld [smem:$0x3FDB];
	_ =	sdelay $0x1  }
0x9f: {  	s20 =	simm.s32 $_scs_section_size  }
0xa0: {  	s6 =	simm.s32 $_size__tile_overlayer_lowered;
	s7 =	simm.s32 $_tile_overlayer_lowered  }
0xa1: {  	s23 =	simm.s32 $0x1BFF;
	s22 =	sshll.u32 s7, $0x1;
	s4 =	sadd.s32 s20, s19  }
0xa2: {  	s8 =	simm.s32 $0x0;
	s21 =	sshll.u32 s6, $0x1;
	s6 =	sadd.s32 s22, s4  }
0xa3: {  	[timem:s8], [sflag:s23] =	dma.local [hbm:s6], s21  }
0xa4: {  	_ =	swait.ge [sflag:s23], s21  }
0xa5: {  	s5 =	ssub.s32 $0x0, s21;
	[sflag:s23] =	ssyncset.done $0x0  }
0xa6: {  	[sflag:s23] =	ssyncadd.s32 s5;
	_ =	sdelay $0x1  }
0xa7: {  	s24 =	simm.s32 $0x1B8B  }
0xa8: {  	_ =	swait.ge [sflag:s24], $0x1  }
0xa9: {  	[sflag:s24] =	ssyncset.done $0x0  }
0xaa: {  	s25 =	simm.s32 $0x1B8E;
	[sflag:s24] =	ssyncadd.s32 $0xFFFFFFFF  }
0xab: {  	s26 =	simm.s32 $execute0_lowered;
	[smem:$0x3FD2] =	sst s25  }
0xac: {  	s5 =	sshll.u32 s26, $0x1;
	_ =	strace $0x80000046;
	[dreg:$0x1] =	wrdreg $0xFFFFFFFF  }
0xad: {  	s28 =	simm.s32 $_size_execute0_lowered;
	s4 =	sadd.s32 s4, s5;
	[dreg:$0x0] =	wrdreg $0x0  }
0xae: {  	s5 =	sshll.u32 s28, $0x1;
	[dreg:$0x2] =	wrdreg s4  }
0xaf: {  	[dreg:$0x3] =	wrdreg s5  }
0xb0: {  	[dreg:$0x4] =	wrdreg $0xC0  }
0xb1: {  	_ =	task [dreg:s8], $0x5FFFF  }
0xb2: {  	[dreg:$0x1] =	wrdreg $0xFFFFFFFF  }
0xb3: {  	[dreg:$0x0] =	wrdreg $0x60  }
0xb4: {  	[dreg:$0x2] =	wrdreg s16  }
0xb5: {  	[dreg:$0x3] =	wrdreg s17  }
0xb6: {  	[dreg:$0x4] =	wrdreg $0x9  }
0xb7: {  	_ =	task.clear_ibuf [dreg:s8], $0x5FFFF;
	_ =	strace $0x90000046  }
0xb8: {  	s29 =	simm.s32 $0x9;
	_ =	strace $0x80000048  }
0xb9: {  	_ =	swait.ge [sflag:s29], $0x1  }
0xba: {  	[sflag:s29] =	ssyncadd.s32 $0xFFFFFFFF  }
0xbb: {  	_ =	strace $0x90000048  }
0xbc: {  	_ =	sfence  }
0xbd: {  	s30 =	sld [smem:$0x0];
	_ =	sdelay $0x2  }
0xbe: {  	s31 =	sshll.u32 s1, $0xD;
	s1 =	sshrl.u32 s1, $0x2  }
0xbf: {  	s3 =	sand.u32 $0x4000, s31;
	s1 =	sadd.s32 s1, s30  }
0xc0: {  	s0 =	sor.u32 s3, s0;
	s1 =	sshll.u32 s1, $0x11  }
0xc1: {  	s0 =	sor.u32 s1, s0  }
0xc2: {  	s0 =	sadd.s32 $0x8F2B, s0  }
0xc3: {  	[sflag:s0] =	ssyncadd.remote.s32 $0x1  }
0xc4: {  	_ =	sfence.sel $0xFFFF  }
0xc5: {  	[dreg:$0x0] =	wrdreg $0xFFFFFFFF;
	(pc) =	sbr.abs _section_cstart, $3  }
0xc6: {  	[dreg:$0x1] =	wrdreg $0xFFFFFFFF  }
0xc7: {  	_ =	task.clear_ibuf [dreg:s8], $0x2FFFF;
	_ =	strace $0x9FFFFFFF  }
0xc8: {  	(tm) =	ssettm $0x7FFFFFFF  }
0xc9: {  	_ =	shalt  }
tec
execute0_lowered:
.L_overlay_start_1:
0x0: {  	(tag) =	ssettag $0x1  }
0x1: {  	s0 =	rddreg [dreg:$0x0]  }
0x2: {  	s1 =	rddreg [dreg:$0x1];
	s2 =	srdreg.scid  }
0x3: {  	s6 =	simm.s32 $0x0;
	s5 =	stileid.u32;
	s2 =	sand.u32 $0x1, s2  }
0x4: {  	s5 =	sshll.u32 s5, $0xC;
	s3 =	ssub.s32 $0x2, s2;
	s2 =	sshll.u32 s2, $0xB  }
0x5: {  	[smem:$0x7FF] =	sst s6;
	s2 =	sor.u32 s2, s5  }
0x6: {  	_ =	strace $0x80000047;
	s4 =	sshrl.u32 s3, $0x1;
	s0 =	sadd.s32 s0, s2  }
0x7: {  	v55 =	vimm.s32 $0x0;
	v57 =	vimm.s32 $0x3;
	s3 =	ssub.s32 s3, s4;
	s30 =	sadd.s32 s1, s2;
	[dreg:$0x3] =	wrdreg s0  }
0x8: {  	v58 =	vimm.s32 $0x5;
	v59 =	vimm.s32 $0x7;
	v60 =	vimm.s32 $0x9;
	[dreg:$0x4] =	wrdreg s30;
	s31 =	smax.u32 s3, $0x1  }
0x9: {  	v61 =	vimm.s32 $0xB;
	v37 =	vimm.s32 $0xD;
	v38 =	vimm.s32 $0xF;
	s1 =	simm.s32 $0x1;
	s2 =	simm.s32 $0x0;
	[dreg:$0x5] =	wrdreg s31  }
.LBB2_1:
0xa: {  	[dreg:$0x6] =	wrdreg s2  }
0xb: {  	s0 =	rddreg [dreg:$0x3]  }
0xc: {  	[tilespmem:s6], [sflag:$0x1] =	stream.linear.gather [hbm4b:s0+s6], $0x4000, $0x38;
	[tilespmem:$0x8000] =	vst v63  }
0xd: {  	_ =	swait.ge [sflag:s1], $0x4000  }
0xe: {  	s9 =	simm.s32 $0xFFFFFFFC;
	p0 =	por $0x0, $0x0;
	[sflag:s1] =	ssyncset.done $0x0  }
0xf: {  	s10 =	simm.s32 $0x0;
	s11 =	simm.s32 $0x0;
	[sflag:s1] =	ssyncadd.s32 $0xFFFFC000  }
.LBB2_2:
0x10: {  	s0 =	sand.u32 $0x40, s10;
	s1 =	sand.u32 $0x1C00, s11  }
0x11: {  	s12 =	sor.u32 s0, s1  }
0x12: {  	v0 =	vld [tilespmem:s12+$0x0]  }
0x13: {  	v1 =	vld [tilespmem:s12+$0x80]  }
0x14: {  	v2 =	vld [tilespmem:s12+$0x100]  }
0x15: {  	v3 =	vld [tilespmem:s12+$0x180]  }
0x16: {  	s2 =	simm.s32 $0x1;
	v8 =	vld [tilespmem:s12+$0x2000]  }
0x17: {  	s2 =	simm.s32 @!p0 $0x0;
	v9 =	vld [tilespmem:s12+$0x2080]  }
0x18: {  	s1 =	sshll.u32 s2, $0x6;
	s2 =	sor.u32 s10, s11;
	v10 =	vld [tilespmem:s12+$0x2100]  }
0x19: {  	v11 =	vld [tilespmem:s12+$0x2180];
	s3 =	sor.u32 $0x380, s2  }
0x1a: {  	s5 =	sadd.s32 s1, s11;
	s0 =	sor.u32 $0x2380, s2;
	v7 =	vld [tilespmem:s3+$0x0]  }
0x1b: {  	s20 =	sor.u32 $0x200, s5;
	v17 =	vld [tilespmem:s0+$0x0]  }
0x1c: {  	s19 =	sor.u32 $0x280, s5;
	v4 =	vld [tilespmem:s20+$0x0]  }
0x1d: {  	s18 =	sor.u32 $0x300, s5;
	v5 =	vld [tilespmem:s19+$0x0]  }
0x1e: {  	s4 =	sor.u32 $0x2200, s5;
	v6 =	vld [tilespmem:s18+$0x0]  }
0x1f: {  	s6 =	sor.u32 $0x2280, s5;
	v12 =	vld [tilespmem:s4+$0x0]  }
0x20: {  	s7 =	sor.u32 $0x2300, s5;
	v13 =	vld [tilespmem:s6+$0x0];
	vm0 =	vge.f32 v0, v1;
	vm14 =	vge.f32 v2, v3  }
0x21: {  	v14 =	vld [tilespmem:s7+$0x0];
	vm5 =	vge.f32 v8, v9;
	vm6 =	vge.f32 v10, v11;
	vm0 =	vmneg vm0  }
0x22: {  	v18 =	vsel vm14, v2, v3;
	v19 =	vsel vm14, $0x2, v57;
	v24 =	vsel vm5, v8, v9  }
0x23: {  	v25 =	vsel vm5, $0x8, v60;
	v26 =	vsel vm6, v10, v11;
	v27 =	vsel vm6, $0xA, v61  }
0x24: {  	v15 =	vsel vm0, v1, v0;
	v16 =	vsel vm0, $0x1, v55;
	vm1 =	vge.f32 v24, v26  }
0x25: {  	vm15 =	vge.f32 v4, v5;
	vm4 =	vge.f32 v6, v7;
	vm7 =	vge.f32 v12, v13  }
0x26: {  	vm8 =	vge.f32 v14, v17;
	vm9 =	vge.f32 v15, v18;
	v34 =	vsel vm1, v24, v26  }
0x27: {  	v36 =	vsel vm1, v25, v27;
	v20 =	vsel vm15, v4, v5;
	v21 =	vsel vm15, $0x4, v58  }
0x28: {  	v22 =	vsel vm4, v6, v7;
	v23 =	vsel vm4, $0x6, v59;
	v28 =	vsel vm7, v12, v13  }
0x29: {  	v29 =	vsel vm7, $0xC, v37;
	v30 =	vsel vm8, v14, v17;
	v31 =	vsel vm8, $0xE, v38  }
0x2a: {  	v15 =	vsel vm9, v15, v18;
	vm10 =	vge.f32 v20, v22;
	vm2 =	vge.f32 v28, v30  }
0x2b: {  	v16 =	vsel vm9, v16, v19;
	v32 =	vsel vm10, v20, v22;
	v35 =	vsel vm2, v28, v30  }
0x2c: {  	v33 =	vsel vm10, v21, v23;
	vm11 =	vge.f32 v15, v32;
	vm12 =	vge.f32 v34, v35  }
0x2d: {  	v39 =	vsel vm2, v29, v31;
	v15 =	vsel vm11, v15, v32;
	v40 =	vsel vm12, v34, v35  }
0x2e: {  	v16 =	vsel vm11, v16, v33;
	v41 =	vsel vm12, v36, v39;
	vm13 =	vge.f32 v15, v40  }
0x2f: {  	v15 =	vsel vm13, v16, v41  }
0x30: {  	vm0 =	veq.s32 v15, $0x0  }
0x31: {  	vm14 =	veq.s32 v15, $0x1;
	vm15 =	veq.s32 v15, $0x2;
	vm4 =	veq.s32 v15, $0x3  }
0x32: {  	vm5 =	veq.s32 v15, $0x4;
	vm6 =	veq.s32 v15, $0x5;
	vm7 =	veq.s32 v15, $0x6  }
0x33: {  	vm8 =	veq.s32 v15, $0x7;
	vm9 =	veq.s32 v15, $0x8;
	vm10 =	veq.s32 v15, $0x9  }
0x34: {  	vm11 =	veq.s32 v15, $0xA;
	vm12 =	veq.s32 v15, $0xB;
	vm13 =	veq.s32 v15, $0xC  }
0x35: {  	v0 =	vsel vm0, $0xFF800000, v0;
	v1 =	vsel vm14, $0xFF800000, v1;
	v2 =	vsel vm15, $0xFF800000, v2  }
0x36: {  	v3 =	vsel vm4, $0xFF800000, v3;
	v4 =	vsel vm5, $0xFF800000, v4;
	v5 =	vsel vm6, $0xFF800000, v5  }
0x37: {  	v6 =	vsel vm7, $0xFF800000, v6;
	v7 =	vsel vm8, $0xFF800000, v7;
	v8 =	vsel vm9, $0xFF800000, v8  }
0x38: {  	v9 =	vsel vm10, $0xFF800000, v9;
	v10 =	vsel vm11, $0xFF800000, v10;
	vm14 =	veq.s32 v15, $0xD  }
0x39: {  	v11 =	vsel vm12, $0xFF800000, v11;
	v12 =	vsel vm13, $0xFF800000, v12;
	vm15 =	veq.s32 v15, $0xE  }
0x3a: {  	vm4 =	veq.s32 v15, $0xF;
	v13 =	vsel vm14, $0xFF800000, v13;
	vm5 =	vge.f32 v0, v1  }
0x3b: {  	v14 =	vsel vm15, $0xFF800000, v14;
	v15 =	vsel vm4, $0xFF800000, v17;
	vm7 =	vge.f32 v2, v3  }
0x3c: {  	vm8 =	vge.f32 v4, v5;
	vm9 =	vge.f32 v6, v7;
	vm10 =	vge.f32 v8, v9  }
0x3d: {  	vm11 =	vge.f32 v10, v11;
	vm6 =	vmneg vm5;
	v44 =	vsel vm7, v2, v3  }
0x3e: {  	v45 =	vsel vm7, $0x2, v57;
	v46 =	vsel vm8, v4, v5;
	v47 =	vsel vm8, $0x4, v58  }
0x3f: {  	v48 =	vsel vm9, v6, v7;
	v49 =	vsel vm9, $0x6, v59;
	v50 =	vsel vm10, v8, v9  }
0x40: {  	v51 =	vsel vm10, $0x8, v60;
	v52 =	vsel vm11, v10, v11;
	v53 =	vsel vm11, $0xA, v61  }
0x41: {  	vm12 =	vge.f32 v12, v13;
	vm13 =	vge.f32 v14, v15;
	v42 =	vsel vm6, v1, v0  }
0x42: {  	v43 =	vsel vm6, $0x1, v55;
	v54 =	vsel vm12, v12, v13;
	v56 =	vsel vm12, $0xC, v37  }
0x43: {  	v62 =	vsel vm13, v14, v15;
	v63 =	vsel vm13, $0xE, v38;
	vm15 =	vge.f32 v46, v48  }
0x44: {  	vm4 =	vge.f32 v50, v52;
	vm14 =	vge.f32 v42, v44;
	v32 =	vsel vm15, v46, v48  }
0x45: {  	vm5 =	vge.f32 v54, v62;
	v33 =	vsel vm15, v47, v49;
	v34 =	vsel vm4, v50, v52  }
0x46: {  	v36 =	vsel vm4, v51, v53;
	v16 =	vsel vm14, v42, v44;
	v35 =	vsel vm5, v54, v62  }
0x47: {  	v17 =	vsel vm14, v43, v45;
	vm6 =	vge.f32 v16, v32;
	vm7 =	vge.f32 v34, v35  }
0x48: {  	v39 =	vsel vm5, v56, v63;
	v16 =	vsel vm6, v16, v32;
	v40 =	vsel vm7, v34, v35  }
0x49: {  	v17 =	vsel vm6, v17, v33;
	v41 =	vsel vm7, v36, v39;
	vm8 =	vge.f32 v16, v40  }
0x4a: {  	v16 =	vsel vm8, v17, v41  }
0x4b: {  	vm0 =	veq.s32 v16, $0x0  }
0x4c: {  	vm9 =	veq.s32 v16, $0x1;
	vm10 =	veq.s32 v16, $0x2;
	vm11 =	veq.s32 v16, $0x3  }
0x4d: {  	vm12 =	veq.s32 v16, $0x4;
	vm13 =	veq.s32 v16, $0x5;
	vm14 =	veq.s32 v16, $0x6  }
0x4e: {  	vm15 =	veq.s32 v16, $0x7;
	vm4 =	veq.s32 v16, $0x8;
	vm5 =	veq.s32 v16, $0x9  }
0x4f: {  	vm6 =	veq.s32 v16, $0xA;
	vm7 =	veq.s32 v16, $0xB;
	vm8 =	veq.s32 v16, $0xC  }
0x50: {  	v0 =	vsel vm0, $0xFF800000, v0;
	v1 =	vsel vm9, $0xFF800000, v1;
	v2 =	vsel vm10, $0xFF800000, v2  }
0x51: {  	v3 =	vsel vm11, $0xFF800000, v3;
	v4 =	vsel vm12, $0xFF800000, v4;
	v5 =	vsel vm13, $0xFF800000, v5  }
0x52: {  	v6 =	vsel vm14, $0xFF800000, v6;
	v7 =	vsel vm15, $0xFF800000, v7;
	v8 =	vsel vm4, $0xFF800000, v8  }
0x53: {  	v9 =	vsel vm5, $0xFF800000, v9;
	v10 =	vsel vm6, $0xFF800000, v10;
	vm9 =	veq.s32 v16, $0xD  }
0x54: {  	v11 =	vsel vm7, $0xFF800000, v11;
	v12 =	vsel vm8, $0xFF800000, v12;
	vm10 =	veq.s32 v16, $0xE  }
0x55: {  	vm11 =	veq.s32 v16, $0xF;
	v25 =	vsel vm9, $0xFF800000, v13;
	vm12 =	vge.f32 v0, v1  }
0x56: {  	v26 =	vsel vm10, $0xFF800000, v14;
	v27 =	vsel vm11, $0xFF800000, v15;
	vm14 =	vge.f32 v2, v3  }
0x57: {  	vm15 =	vge.f32 v4, v5;
	vm4 =	vge.f32 v6, v7;
	vm5 =	vge.f32 v8, v9  }
0x58: {  	vm6 =	vge.f32 v10, v11;
	vm13 =	vmneg vm12;
	v44 =	vsel vm14, v2, v3  }
0x59: {  	v45 =	vsel vm14, $0x2, v57;
	v46 =	vsel vm15, v4, v5;
	v47 =	vsel vm15, $0x4, v58  }
0x5a: {  	v48 =	vsel vm4, v6, v7;
	v49 =	vsel vm4, $0x6, v59;
	v50 =	vsel vm5, v8, v9  }
0x5b: {  	v51 =	vsel vm5, $0x8, v60;
	v52 =	vsel vm6, v10, v11;
	v53 =	vsel vm6, $0xA, v61  }
0x5c: {  	vm7 =	vge.f32 v12, v25;
	vm8 =	vge.f32 v26, v27;
	v42 =	vsel vm13, v1, v0  }
0x5d: {  	v43 =	vsel vm13, $0x1, v55;
	v54 =	vsel vm7, v12, v25;
	v56 =	vsel vm7, $0xC, v37  }
0x5e: {  	v62 =	vsel vm8, v26, v27;
	v63 =	vsel vm8, $0xE, v38;
	vm10 =	vge.f32 v46, v48  }
0x5f: {  	vm11 =	vge.f32 v50, v52;
	vm9 =	vge.f32 v42, v44;
	v33 =	vsel vm10, v46, v48  }
0x60: {  	vm12 =	vge.f32 v54, v62;
	v34 =	vsel vm10, v47, v49;
	v35 =	vsel vm11, v50, v52  }
0x61: {  	v37 =	vsel vm11, v51, v53;
	v13 =	vsel vm9, v42, v44;
	v36 =	vsel vm12, v54, v62  }
0x62: {  	v14 =	vsel vm9, v43, v45;
	vm13 =	vge.f32 v13, v33;
	vm14 =	vge.f32 v35, v36  }
0x63: {  	v38 =	vsel vm12, v56, v63;
	v13 =	vsel vm13, v13, v33;
	v39 =	vsel vm14, v35, v36  }
0x64: {  	v14 =	vsel vm13, v14, v34;
	v40 =	vsel vm14, v37, v38;
	vm15 =	vge.f32 v13, v39  }
0x65: {  	v17 =	vimm.s32 $0xF;
	v41 =	vsel vm15, v14, v40  }
0x66: {  	v16 =	vimm.s32 $0xD;
	vm0 =	veq.s32 v41, $0x0;
	vm4 =	veq.s32 v41, $0x1  }
0x67: {  	vm5 =	veq.s32 v41, $0x2;
	vm6 =	veq.s32 v41, $0x3;
	vm7 =	veq.s32 v41, $0x4  }
0x68: {  	vm8 =	veq.s32 v41, $0x5;
	vm9 =	veq.s32 v41, $0x6;
	vm10 =	veq.s32 v41, $0x7  }
0x69: {  	vm11 =	veq.s32 v41, $0x8;
	vm12 =	veq.s32 v41, $0x9;
	vm13 =	veq.s32 v41, $0xA  }
0x6a: {  	vm14 =	veq.s32 v41, $0xB;
	vm15 =	veq.s32 v41, $0xC;
	v24 =	vsel vm0, $0xFF800000, v0  }
0x6b: {  	v18 =	vsel vm4, $0xFF800000, v1;
	v22 =	vsel vm5, $0xFF800000, v2;
	v3 =	vsel vm6, $0xFF800000, v3  }
0x6c: {  	v42 =	vsel vm7, $0xFF800000, v4;
	v23 =	vsel vm8, $0xFF800000, v5;
	v19 =	vsel vm9, $0xFF800000, v6  }
0x6d: {  	s8 =	sadd.s32 $0x10, s5;
	v20 =	vsel vm10, $0xFF800000, v7;
	v43 =	vsel vm11, $0xFF800000, v8;
	v44 =	vsel vm12, $0xFF800000, v9  }
0x6e: {  	s25 =	sor.u32 $0x300, s8;
	v45 =	vsel vm13, $0xFF800000, v10;
	v46 =	vsel vm14, $0xFF800000, v11;
	v47 =	vsel vm15, $0xFF800000, v12  }
0x6f: {  	s26 =	sor.u32 $0x380, s8;
	v31 =	vld [tilespmem:s25+$0x0];
	vm4 =	veq.s32 v41, $0xD;
	vm5 =	veq.s32 v41, $0xE;
	vm7 =	veq.s32 v41, $0xF  }
0x70: {  	v32 =	vld [tilespmem:s26+$0x0];
	v48 =	vsel vm4, $0xFF800000, v25;
	vm6 =	vge.f32 v24, v18;
	v49 =	vsel vm5, $0xFF800000, v26  }
0x71: {  	v36 =	vld [tilespmem:s12+$0x2010];
	v50 =	vsel vm7, $0xFF800000, v27;
	vm8 =	vge.f32 v22, v3;
	vm9 =	vge.f32 v42, v23  }
0x72: {  	s22 =	sor.u32 $0x280, s8;
	v39 =	vld [tilespmem:s12+$0x2090];
	v51 =	vmovc v3;
	vm10 =	vge.f32 v19, v20;
	vm11 =	vge.f32 v43, v44;
	vm12 =	vge.f32 v45, v46  }
0x73: {  	v30 =	vld [tilespmem:s22+$0x0];
	vm1 =	vmneg vm6;
	v8 =	vsel vm8, v22, v51;
	v53 =	vsel vm8, $0x2, v57  }
0x74: {  	v4 =	vld [tilespmem:s12+$0x10];
	v54 =	vsel vm9, v42, v23;
	v56 =	vsel vm9, $0x4, v58;
	v62 =	vsel vm10, v19, v20  }
0x75: {  	v5 =	vld [tilespmem:s12+$0x90];
	v63 =	vsel vm10, $0x6, v59;
	v29 =	vsel vm11, v43, v44;
	v33 =	vsel vm11, $0x8, v60  }
0x76: {  	v6 =	vld [tilespmem:s12+$0x110];
	v35 =	vsel vm12, v45, v46;
	vm13 =	vge.f32 v47, v48;
	v37 =	vsel vm12, $0xA, v61  }
0x77: {  	s21 =	sor.u32 $0x200, s8;
	v7 =	vld [tilespmem:s12+$0x190];
	[tilespmem:$0x1FE10] =	vst v3;
	vm14 =	vge.f32 v49, v50;
	vm8 =	vge.f32 v31, v32;
	vm9 =	vge.f32 v36, v39  }
0x78: {  	s23 =	sor.u32 $0x2200, s8;
	v9 =	vld [tilespmem:s21+$0x0];
	[tilespmem:$0x1FE20] =	vst v42;
	v1 =	vsel vm1, v18, v24;
	v52 =	vsel vm1, $0x1, v55;
	v38 =	vsel vm13, v47, v48  }
0x79: {  	s24 =	sor.u32 $0x2280, s8;
	v10 =	vld [tilespmem:s23+$0x0];
	[tilespmem:$0x1FE80] =	vst v48;
	v0 =	vsel vm13, $0xC, v16;
	v40 =	vsel vm14, v49, v50;
	v2 =	vsel vm14, $0xE, v17  }
0x7a: {  	v11 =	vld [tilespmem:s24+$0x0];
	[tilespmem:$0x1FEF0] =	vst v50;
	vm4 =	vge.f32 v54, v62;
	vm0 =	vge.f32 v29, v35;
	v48 =	vsel vm8, v31, v32  }
0x7b: {  	s28 =	sor.u32 $0x2300, s8;
	[tilespmem:$0x1FEE0] =	vst v49;
	v49 =	vsel vm8, $0x6, v59;
	v50 =	vsel vm9, v36, v39;
	v51 =	vsel vm9, $0x8, v60  }
0x7c: {  	s29 =	sor.u32 $0x2380, s8;
	[tilespmem:$0x1FE40] =	vst v44;
	v42 =	vld [tilespmem:s28+$0x0];
	vm15 =	vge.f32 v1, v8;
	v3 =	vsel vm4, v54, v62;
	v26 =	vsel vm4, v56, v63  }
0x7d: {  	[tilespmem:$0x1FE30] =	vst v43;
	v43 =	vld [tilespmem:s29+$0x0];
	v63 =	vimm.s32 $0xF;
	v1 =	vsel vm15, v1, v8;
	v25 =	vsel vm15, v52, v53  }
0x7e: {  	[tilespmem:$0x1FE60] =	vst v46;
	vm5 =	vge.f32 v4, v5;
	vm6 =	vge.f32 v6, v7;
	vm7 =	vge.f32 v9, v30  }
0x7f: {  	[tilespmem:$0x1FE50] =	vst v45;
	vm11 =	vge.f32 v10, v11;
	vm1 =	vmneg vm5;
	v44 =	vsel vm6, v6, v7  }
0x80: {  	v41 =	vld [tilespmem:s12+$0x2110];
	[tilespmem:$0x1FE70] =	vst v47;
	v45 =	vsel vm6, $0x2, v57;
	v46 =	vsel vm7, v9, v30;
	v47 =	vsel vm7, $0x4, v58  }
0x81: {  	v8 =	vld [tilespmem:s12+$0x2190];
	v54 =	vsel vm11, v10, v11;
	v57 =	vimm.s32 $0xD;
	v21 =	vsel vm1, v5, v4  }
0x82: {  	v34 =	vsel vm1, $0x1, v55;
	v62 =	vsel vm11, $0xC, v57;
	vm12 =	vge.f32 v42, v43  }
0x83: {  	vm14 =	vge.f32 v46, v48;
	v55 =	vimm.s32 $0x0;
	v56 =	vsel vm12, v42, v43  }
0x84: {  	v13 =	vsel vm12, $0xE, v63;
	vm13 =	vge.f32 v21, v44;
	v14 =	vsel vm14, v46, v48  }
0x85: {  	v15 =	vsel vm14, v47, v49;
	v63 =	vimm.s32 $0xD;
	v27 =	vsel vm13, v21, v44  }
0x86: {  	v28 =	vsel vm13, v34, v45;
	vm3 =	vge.f32 v54, v56;
	vm10 =	vge.f32 v41, v8  }
0x87: {  	v17 =	vsel vm3, v54, v56;
	vm6 =	vge.f32 v27, v14;
	v52 =	vsel vm10, v41, v8  }
0x88: {  	v34 =	vsel vm3, v62, v13;
	v56 =	vimm.s32 $0x3;
	vm15 =	vge.f32 v50, v52  }
0x89: {  	v53 =	vsel vm10, $0xA, v61;
	v27 =	vsel vm6, v27, v14;
	v16 =	vsel vm15, v50, v52  }
0x8a: {  	v45 =	vsel vm6, v28, v15;
	v21 =	vsel vm15, v51, v53;
	vm7 =	vge.f32 v16, v17  }
0x8b: {  	v28 =	vsel vm0, v29, v35;
	v52 =	vsel vm7, v16, v17;
	v53 =	vsel vm7, v21, v34  }
0x8c: {  	vm8 =	vge.f32 v27, v52;
	v27 =	vsel vm0, v33, v37;
	vm0 =	vge.f32 v38, v40  }
0x8d: {  	v21 =	vimm.s32 $0xF;
	v54 =	vsel vm8, v45, v53;
	v29 =	vsel vm0, v38, v40  }
0x8e: {  	v0 =	vsel vm0, v0, v2;
	vm0 =	vge.f32 v1, v3;
	v53 =	vimm.s32 $0x0  }
0x8f: {  	vm1 =	veq.s32 v54, $0x0;
	vm9 =	veq.s32 v54, $0x1;
	vm10 =	veq.s32 v54, $0x2  }
0x90: {  	vm11 =	veq.s32 v54, $0x3;
	vm12 =	veq.s32 v54, $0x4;
	vm13 =	veq.s32 v54, $0x5  }
0x91: {  	vm14 =	veq.s32 v54, $0x6;
	vm15 =	veq.s32 v54, $0x7;
	vm6 =	veq.s32 v54, $0x8  }
0x92: {  	vm7 =	veq.s32 v54, $0x9;
	vm8 =	veq.s32 v54, $0xA;
	v1 =	vsel vm0, v1, v3  }
0x93: {  	v4 =	vsel vm1, $0xFF800000, v4;
	v5 =	vsel vm9, $0xFF800000, v5;
	v6 =	vsel vm10, $0xFF800000, v6  }
0x94: {  	v7 =	vsel vm11, $0xFF800000, v7;
	v9 =	vsel vm12, $0xFF800000, v9;
	v30 =	vsel vm13, $0xFF800000, v30  }
0x95: {  	v31 =	vsel vm14, $0xFF800000, v31;
	v32 =	vsel vm15, $0xFF800000, v32;
	v35 =	vsel vm6, $0xFF800000, v36  }
0x96: {  	v36 =	vsel vm7, $0xFF800000, v39;
	v37 =	vsel vm8, $0xFF800000, v41;
	vm9 =	veq.s32 v54, $0xB  }
0x97: {  	vm10 =	veq.s32 v54, $0xC;
	vm11 =	veq.s32 v54, $0xD;
	vm12 =	veq.s32 v54, $0xE  }
0x98: {  	vm13 =	veq.s32 v54, $0xF;
	vm1 =	vge.f32 v28, v29;
	v8 =	vsel vm9, $0xFF800000, v8  }
0x99: {  	v10 =	vsel vm10, $0xFF800000, v10;
	v11 =	vsel vm11, $0xFF800000, v11;
	vm14 =	vge.f32 v4, v5  }
0x9a: {  	v33 =	vsel vm12, $0xFF800000, v42;
	v38 =	vsel vm13, $0xFF800000, v43;
	vm4 =	vge.f32 v6, v7  }
0x9b: {  	vm5 =	vge.f32 v9, v30;
	vm6 =	vge.f32 v31, v32;
	vm7 =	vge.f32 v35, v36  }
0x9c: {  	v0 =	vsel vm1, v27, v0;
	v27 =	vimm.s32 $0xD;
	vm15 =	vmneg vm14  }
0x9d: {  	v41 =	vsel vm4, v6, v7;
	v42 =	vsel vm4, $0x2, v56;
	v43 =	vsel vm5, v9, v30  }
0x9e: {  	v44 =	vsel vm5, $0x4, v58;
	v45 =	vsel vm6, v31, v32;
	v57 =	vsel vm6, $0x6, v59  }
0x9f: {  	v47 =	vsel vm7, v35, v36;
	v48 =	vsel vm7, $0x8, v60;
	vm8 =	vge.f32 v37, v8  }
0xa0: {  	vm9 =	vge.f32 v10, v11;
	vm10 =	vge.f32 v33, v38;
	v39 =	vsel vm15, v5, v4  }
0xa1: {  	v40 =	vsel vm15, $0x1, v55;
	v62 =	vsel vm8, v37, v8;
	v50 =	vsel vm8, $0xA, v61  }
0xa2: {  	v51 =	vsel vm9, v10, v11;
	v16 =	vsel vm9, $0xC, v63;
	v17 =	vsel vm10, v33, v38  }
0xa3: {  	v34 =	vsel vm10, $0xE, v21;
	vm12 =	vge.f32 v43, v45;
	v21 =	vimm.s32 $0x3  }
0xa4: {  	vm11 =	vge.f32 v39, v41;
	v56 =	vsel vm12, v43, v45;
	vm13 =	vge.f32 v47, v62  }
0xa5: {  	vm14 =	vge.f32 v51, v17;
	v57 =	vsel vm12, v44, v57;
	v39 =	vsel vm11, v39, v41  }
0xa6: {  	v40 =	vsel vm11, v40, v42;
	v62 =	vsel vm13, v47, v62;
	v63 =	vsel vm14, v51, v17  }
0xa7: {  	v12 =	vsel vm13, v48, v50;
	vm15 =	vge.f32 v39, v56;
	vm4 =	vge.f32 v62, v63  }
0xa8: {  	v13 =	vsel vm14, v16, v34;
	v39 =	vsel vm15, v39, v56;
	v14 =	vsel vm4, v62, v63  }
0xa9: {  	v40 =	vsel vm15, v40, v57;
	v15 =	vsel vm4, v12, v13;
	vm5 =	vge.f32 v39, v14  }
0xaa: {  	v55 =	vimm.s32 $0x3;
	v17 =	vimm.s32 $0x0;
	v16 =	vsel vm5, v40, v15  }
0xab: {  	v56 =	vimm.s32 $0xD;
	v62 =	vimm.s32 $0xF;
	vm6 =	veq.s32 v16, $0x0  }
0xac: {  	vm7 =	veq.s32 v16, $0x1;
	vm8 =	veq.s32 v16, $0x2;
	vm9 =	veq.s32 v16, $0x3  }
0xad: {  	vm4 =	veq.s32 v16, $0x4;
	vm10 =	veq.s32 v16, $0x5;
	vm11 =	veq.s32 v16, $0x6  }
0xae: {  	vm12 =	veq.s32 v16, $0x7;
	vm13 =	veq.s32 v16, $0x8;
	vm14 =	veq.s32 v16, $0x9  }
0xaf: {  	vm15 =	veq.s32 v16, $0xA;
	v3 =	vsel vm6, $0xFF800000, v4;
	v4 =	vsel vm7, $0xFF800000, v5  }
0xb0: {  	v5 =	vsel vm8, $0xFF800000, v6;
	v6 =	vsel vm9, $0xFF800000, v7;
	v7 =	vsel vm4, $0xFF800000, v9  }
0xb1: {  	v9 =	vsel vm10, $0xFF800000, v30;
	v30 =	vsel vm11, $0xFF800000, v31;
	v31 =	vsel vm12, $0xFF800000, v32  }
0xb2: {  	v32 =	vsel vm13, $0xFF800000, v35;
	v42 =	vsel vm14, $0xFF800000, v36;
	v43 =	vsel vm15, $0xFF800000, v37  }
0xb3: {  	vm8 =	veq.s32 v16, $0xB;
	vm9 =	veq.s32 v16, $0xC;
	vm10 =	veq.s32 v16, $0xD  }
0xb4: {  	vm11 =	veq.s32 v16, $0xE;
	vm12 =	veq.s32 v16, $0xF;
	v8 =	vsel vm8, $0xFF800000, v8  }
0xb5: {  	v44 =	vsel vm9, $0xFF800000, v10;
	v45 =	vsel vm10, $0xFF800000, v11;
	vm13 =	vge.f32 v3, v4  }
0xb6: {  	v2 =	vsel vm11, $0xFF800000, v33;
	v33 =	vsel vm12, $0xFF800000, v38;
	vm15 =	vge.f32 v5, v6  }
0xb7: {  	vm4 =	vge.f32 v7, v9;
	vm5 =	vge.f32 v30, v31;
	vm6 =	vge.f32 v32, v42  }
0xb8: {  	vm14 =	vmneg vm13;
	v35 =	vsel vm15, v5, v6;
	v36 =	vsel vm15, $0x2, v21  }
0xb9: {  	v37 =	vsel vm4, v7, v9;
	v38 =	vsel vm4, $0x4, v58;
	v34 =	vsel vm5, v30, v31  }
0xba: {  	v40 =	vsel vm5, $0x6, v59;
	v41 =	vsel vm6, v32, v42;
	v46 =	vsel vm6, $0x8, v60  }
0xbb: {  	vm7 =	vge.f32 v43, v8;
	vm8 =	vge.f32 v44, v45;
	vm9 =	vge.f32 v2, v33  }
0xbc: {  	v10 =	vsel vm14, v4, v3;
	v11 =	vsel vm14, $0x1, v17;
	v16 =	vsel vm7, v43, v8  }
0xbd: {  	v17 =	vsel vm7, $0xA, v61;
	v21 =	vsel vm8, v44, v45;
	v57 =	vsel vm8, $0xC, v56  }
0xbe: {  	v60 =	vsel vm9, v2, v33;
	v63 =	vsel vm9, $0xE, v62;
	vm11 =	vge.f32 v37, v34  }
0xbf: {  	vm10 =	vge.f32 v10, v35;
	v12 =	vsel vm11, v37, v34;
	vm12 =	vge.f32 v41, v16  }
0xc0: {  	vm13 =	vge.f32 v21, v60;
	v13 =	vsel vm11, v38, v40;
	v40 =	vsel vm0, v25, v26  }
0xc1: {  	v25 =	vimm.s32 $0x3;
	v10 =	vsel vm10, v10, v35;
	v11 =	vsel vm10, v11, v36  }
0xc2: {  	v14 =	vsel vm12, v41, v16;
	v15 =	vsel vm13, v21, v60;
	v16 =	vsel vm12, v46, v17  }
0xc3: {  	v17 =	vsel vm13, v57, v63;
	v41 =	vsel vm1, v28, v29;
	v28 =	vimm.s32 $0x5  }
0xc4: {  	v29 =	vimm.s32 $0x7;
	vm14 =	vge.f32 v10, v12;
	vm15 =	vge.f32 v14, v15  }
0xc5: {  	vm6 =	vge.f32 v1, v41;
	v10 =	vsel vm14, v10, v12;
	v21 =	vsel vm15, v14, v15  }
0xc6: {  	v11 =	vsel vm14, v11, v13;
	v34 =	vsel vm15, v16, v17;
	vm5 =	vge.f32 v10, v21  }
0xc7: {  	v41 =	vsel vm6, v40, v0;
	v21 =	vimm.s32 $0x0;
	v48 =	vsel vm5, v11, v34  }
0xc8: {  	vm7 =	veq.s32 v48, $0x0;
	vm8 =	veq.s32 v48, $0x1;
	vm9 =	veq.s32 v48, $0x2  }
0xc9: {  	vm10 =	veq.s32 v48, $0x3;
	vm11 =	veq.s32 v48, $0x4;
	vm12 =	veq.s32 v48, $0x5  }
0xca: {  	vm13 =	veq.s32 v48, $0x6;
	vm14 =	veq.s32 v48, $0x7;
	vm15 =	veq.s32 v48, $0x8  }
0xcb: {  	v47 =	vld [tilespmem:s12+$0x20A0];
	vm4 =	veq.s32 v48, $0x9;
	vm5 =	veq.s32 v48, $0xA;
	vm6 =	veq.s32 v48, $0xB  }
0xcc: {  	v36 =	vsel vm7, $0xFF800000, v3;
	v37 =	vsel vm8, $0xFF800000, v4;
	v40 =	vsel vm9, $0xFF800000, v5;
	v4 =	vld [tilespmem:s12+$0x20]  }
0xcd: {  	v38 =	vsel vm10, $0xFF800000, v6;
	v39 =	vsel vm11, $0xFF800000, v7;
	v35 =	vsel vm12, $0xFF800000, v9;
	v5 =	vld [tilespmem:s12+$0xA0]  }
0xce: {  	s13 =	sadd.s32 $0x20, s5;
	v30 =	vsel vm13, $0xFF800000, v30;
	v49 =	vsel vm14, $0xFF800000, v31;
	v50 =	vsel vm15, $0xFF800000, v32;
	v6 =	vld [tilespmem:s12+$0x120]  }
0xcf: {  	s30 =	sor.u32 $0x200, s13;
	v51 =	vsel vm4, $0xFF800000, v42;
	v11 =	vsel vm5, $0xFF800000, v43;
	vm7 =	veq.s32 v48, $0xC;
	v7 =	vld [tilespmem:s12+$0x1A0]  }
0xd0: {  	s31 =	sor.u32 $0x280, s13;
	v15 =	vsel vm6, $0xFF800000, v8;
	vm8 =	veq.s32 v48, $0xD;
	vm9 =	veq.s32 v48, $0xE;
	v8 =	vld [tilespmem:s30+$0x0]  }
0xd1: {  	s17 =	sor.u32 $0x300, s13;
	vm11 =	veq.s32 v48, $0xF;
	v31 =	vld [tilespmem:s31+$0x0];
	v12 =	vsel vm7, $0xFF800000, v44;
	v13 =	vsel vm8, $0xFF800000, v45  }
0xd2: {  	v32 =	vld [tilespmem:s17+$0x0];
	vm10 =	vge.f32 v36, v37;
	v14 =	vsel vm9, $0xFF800000, v2;
	v9 =	vsel vm11, $0xFF800000, v33  }
0xd3: {  	v43 =	vld [tilespmem:s12+$0x2020];
	vm12 =	vge.f32 v40, v38;
	vm13 =	vge.f32 v39, v35;
	vm14 =	vge.f32 v30, v49  }
0xd4: {  	s16 =	sor.u32 $0x380, s13;
	v48 =	vld [tilespmem:s12+$0x2120];
	vm0 =	vge.f32 v50, v51;
	vm1 =	vmneg vm10;
	v54 =	vsel vm12, v40, v38  }
0xd5: {  	s15 =	sor.u32 $0x2200, s13;
	v33 =	vld [tilespmem:s16+$0x0];
	v3 =	vsel vm12, $0x2, v55;
	v56 =	vsel vm13, v39, v35;
	v44 =	vsel vm13, $0x4, v58  }
0xd6: {  	[dreg:$0x7] =	wrdreg s7;
	s7 =	sor.u32 $0x2280, s13;
	v17 =	vmovc v50;
	v45 =	vld [tilespmem:s15+$0x0];
	v57 =	vsel vm14, v30, v49;
	v46 =	vsel vm14, $0x6, v59;
	v52 =	vsel vm1, v37, v36  }
0xd7: {  	s14 =	sor.u32 $0x2300, s13;
	[tilespmem:$0x1FF10] =	vst v50;
	v16 =	vmovc v51;
	v50 =	vld [tilespmem:s7+$0x0];
	v1 =	vsel vm1, $0x1, v53;
	vm2 =	vge.f32 v56, v57;
	vm1 =	vge.f32 v14, v9  }
0xd8: {  	[tilespmem:$0x1FF30] =	vst v51;
	v51 =	vld [tilespmem:s14+$0x0];
	vm15 =	vge.f32 v52, v54;
	v46 =	vsel vm2, v44, v46;
	vm6 =	vge.f32 v4, v5  }
0xd9: {  	s13 =	sor.u32 $0x2380, s13;
	[tilespmem:$0x1FF00] =	vst v49;
	v49 =	vld [tilespmem:s12+$0x21A0];
	v10 =	vsel vm15, v52, v54;
	v62 =	vsel vm15, v1, v3;
	v3 =	vsel vm2, v56, v57  }
0xda: {  	v55 =	vld [tilespmem:s13+$0x0];
	vm7 =	vge.f32 v6, v7;
	vm8 =	vge.f32 v8, v31;
	vm10 =	vge.f32 v43, v47  }
0xdb: {  	vm3 =	vmneg vm6;
	v52 =	vsel vm7, v6, v7;
	v26 =	vsel vm7, $0x2, v25  }
0xdc: {  	v54 =	vsel vm8, v8, v31;
	v56 =	vsel vm8, $0x4, v58;
	vm9 =	vge.f32 v32, v33  }
0xdd: {  	v34 =	vsel vm10, v43, v47;
	vm13 =	vge.f32 v45, v50;
	v1 =	vsel vm3, v5, v4  }
0xde: {  	v42 =	vsel vm3, $0x1, v21;
	v57 =	vsel vm9, v32, v33;
	v58 =	vsel vm9, $0x6, v59  }
0xdf: {  	v21 =	vimm.s32 $0x9;
	vm11 =	vge.f32 v48, v49;
	vm15 =	vge.f32 v51, v55  }
0xe0: {  	vm9 =	vge.f32 v11, v15;
	v60 =	vsel vm10, $0x8, v21;
	vm12 =	vge.f32 v1, v52  }
0xe1: {  	[tilespmem:$0x1FF40] =	vst v11;
	v25 =	vsel vm11, v48, v49;
	vm14 =	vge.f32 v54, v57;
	v11 =	vsel vm9, v11, v15  }
0xe2: {  	[tilespmem:$0x1FF50] =	vst v15;
	v15 =	vsel vm9, $0xA, v61;
	v1 =	vsel vm12, v1, v52;
	v42 =	vsel vm12, v42, v26  }
0xe3: {  	v26 =	vsel vm11, $0xA, v61;
	v54 =	vsel vm14, v54, v57;
	v57 =	vsel vm13, v45, v50  }
0xe4: {  	v56 =	vsel vm14, v56, v58;
	v58 =	vsel vm15, v51, v55;
	vm6 =	vge.f32 v34, v25  }
0xe5: {  	v52 =	vsel vm6, v34, v25;
	v34 =	vsel vm13, $0xC, v27;
	vm7 =	vge.f32 v57, v58  }
0xe6: {  	v53 =	vsel vm6, v60, v26;
	v25 =	vimm.s32 $0xF;
	v27 =	vsel vm0, v17, v16  }
0xe7: {  	vm8 =	vge.f32 v1, v54;
	v17 =	vsel vm1, v14, v9;
	v60 =	vimm.s32 $0x3  }
0xe8: {  	v26 =	vsel vm15, $0xE, v25;
	v57 =	vsel vm7, v57, v58;
	v1 =	vsel vm8, v1, v54  }
0xe9: {  	v42 =	vsel vm8, v42, v56;
	vm11 =	vge.f32 v27, v11;
	v59 =	vsel vm7, v34, v26  }
0xea: {  	v34 =	vsel vm0, $0x8, v21;
	vm10 =	vge.f32 v52, v57;
	vm0 =	vge.f32 v12, v13  }
0xeb: {  	v44 =	vsel vm11, v27, v11;
	v27 =	vimm.s32 $0xB;
	v52 =	vsel vm10, v52, v57  }
0xec: {  	v16 =	vsel vm0, v12, v13;
	v53 =	vsel vm10, v53, v59;
	vm12 =	vge.f32 v1, v52  }
0xed: {  	v26 =	vimm.s32 $0x0;
	vm2 =	vge.f32 v16, v17;
	v52 =	vsel vm12, v42, v53  }
0xee: {  	v42 =	vsel vm11, v34, v15;
	v1 =	vsel vm2, v16, v17;
	vm13 =	veq.s32 v52, $0x0  }
0xef: {  	vm14 =	veq.s32 v52, $0x1;
	vm15 =	veq.s32 v52, $0x2;
	vm4 =	veq.s32 v52, $0x3  }
0xf0: {  	vm7 =	veq.s32 v52, $0x4;
	vm8 =	veq.s32 v52, $0x5;
	vm9 =	veq.s32 v52, $0x6  }
0xf1: {  	vm10 =	veq.s32 v52, $0x7;
	vm11 =	veq.s32 v52, $0x8;
	vm12 =	veq.s32 v52, $0x9  }
0xf2: {  	v4 =	vsel vm13, $0xFF800000, v4;
	v5 =	vsel vm14, $0xFF800000, v5;
	v6 =	vsel vm15, $0xFF800000, v6  }
0xf3: {  	v7 =	vsel vm4, $0xFF800000, v7;
	v8 =	vsel vm7, $0xFF800000, v8;
	v31 =	vsel vm8, $0xFF800000, v31  }
0xf4: {  	v32 =	vsel vm9, $0xFF800000, v32;
	v33 =	vsel vm10, $0xFF800000, v33;
	v54 =	vsel vm11, $0xFF800000, v43  }
0xf5: {  	v47 =	vsel vm12, $0xFF800000, v47;
	vm13 =	veq.s32 v52, $0xA;
	vm14 =	veq.s32 v52, $0xB  }
0xf6: {  	vm15 =	veq.s32 v52, $0xC;
	vm7 =	veq.s32 v52, $0xD;
	vm8 =	veq.s32 v52, $0xE  }
0xf7: {  	vm10 =	veq.s32 v52, $0xF;
	v56 =	vsel vm13, $0xFF800000, v48;
	v57 =	vsel vm14, $0xFF800000, v49  }
0xf8: {  	v58 =	vsel vm15, $0xFF800000, v45;
	v61 =	vsel vm7, $0xFF800000, v50;
	vm9 =	vge.f32 v4, v5  }
0xf9: {  	v63 =	vsel vm8, $0xFF800000, v51;
	v2 =	vsel vm10, $0xFF800000, v55;
	vm11 =	vge.f32 v6, v7  }
0xfa: {  	[tilespmem:$0x1FF60] =	vst v12;
	vm12 =	vge.f32 v8, v31;
	vm13 =	vge.f32 v32, v33;
	vm15 =	vge.f32 v54, v47  }
0xfb: {  	[tilespmem:$0x1FF70] =	vst v13;
	vm4 =	vmneg vm9;
	v59 =	vsel vm11, v6, v7;
	v0 =	vsel vm11, $0x2, v60  }
0xfc: {  	[tilespmem:$0x1FFB0] =	vst v9;
	v9 =	vsel vm12, v8, v31;
	v11 =	vsel vm12, $0x4, v28;
	v12 =	vsel vm13, v32, v33  }
0xfd: {  	[tilespmem:$0x1FF80] =	vst v14;
	v13 =	vsel vm13, $0x6, v29;
	v14 =	vsel vm15, v54, v47;
	vm5 =	vge.f32 v56, v57  }
0xfe: {  	vm12 =	vge.f32 v58, v61;
	vm7 =	vge.f32 v63, v2;
	vm9 =	vge.f32 v10, v3  }
0xff: {  	v25 =	vsel vm4, v5, v4;
	v34 =	vsel vm4, $0x1, v26;
	v15 =	vsel vm5, v56, v57  }
0x100: {  	vm6 =	vge.f32 v9, v12;
	v16 =	vsel vm12, v58, v61;
	v17 =	vsel vm7, v63, v2  }
0x101: {  	v26 =	vsel vm5, $0xA, v27;
	v10 =	vsel vm9, v10, v3;
	vm14 =	vge.f32 v25, v59  }
0x102: {  	v50 =	vsel vm6, v9, v12;
	v51 =	vsel vm6, v11, v13;
	vm13 =	vge.f32 v14, v15  }
0x103: {  	vm8 =	vge.f32 v16, v17;
	v9 =	vimm.s32 $0xF;
	v12 =	vimm.s32 $0xD  }
0x104: {  	v43 =	vsel vm14, v25, v59;
	v45 =	vsel vm14, v34, v0;
	v25 =	vsel vm15, $0x8, v21  }
0x105: {  	v48 =	vsel vm13, v14, v15;
	v52 =	vsel vm8, v16, v17;
	v59 =	vimm.s32 $0xD  }
0x106: {  	v11 =	vsel vm7, $0xE, v9;
	v14 =	vimm.s32 $0xF;
	v34 =	vsel vm13, v25, v26  }
0x107: {  	v60 =	vsel vm12, $0xC, v59;
	vm14 =	vge.f32 v43, v50;
	vm15 =	vge.f32 v48, v52  }
0x108: {  	v53 =	vsel vm8, v60, v11;
	v43 =	vsel vm14, v43, v50;
	v48 =	vsel vm15, v48, v52  }
0x109: {  	v45 =	vsel vm14, v45, v51;
	v49 =	vsel vm15, v34, v53;
	vm8 =	vge.f32 v43, v48  }
0x10a: {  	v13 =	vsel vm0, $0xC, v12;
	v15 =	vsel vm1, $0xE, v14;
	v16 =	vsel vm8, v45, v49  }
0x10b: {  	v9 =	vsel vm2, v13, v15;
	v13 =	vsel vm9, v62, v46;
	vm0 =	veq.s32 v16, $0x0  }
0x10c: {  	vm10 =	veq.s32 v16, $0x1;
	vm11 =	veq.s32 v16, $0x2;
	vm12 =	veq.s32 v16, $0x3  }
0x10d: {  	vm13 =	veq.s32 v16, $0x4;
	vm14 =	veq.s32 v16, $0x5;
	vm15 =	veq.s32 v16, $0x6  }
0x10e: {  	vm4 =	veq.s32 v16, $0x7;
	vm5 =	veq.s32 v16, $0x8;
	vm6 =	veq.s32 v16, $0x9  }
0x10f: {  	vm7 =	veq.s32 v16, $0xA;
	vm8 =	veq.s32 v16, $0xB;
	vm9 =	veq.s32 v16, $0xC  }
0x110: {  	v45 =	vsel vm0, $0xFF800000, v4;
	v62 =	vsel vm10, $0xFF800000, v5;
	v46 =	vsel vm11, $0xFF800000, v6  }
0x111: {  	v50 =	vsel vm12, $0xFF800000, v7;
	v49 =	vsel vm13, $0xFF800000, v8;
	v43 =	vsel vm14, $0xFF800000, v31  }
0x112: {  	v48 =	vsel vm15, $0xFF800000, v32;
	v53 =	vsel vm4, $0xFF800000, v33;
	v51 =	vsel vm5, $0xFF800000, v54  }
0x113: {  	v52 =	vsel vm6, $0xFF800000, v47;
	v59 =	vsel vm7, $0xFF800000, v56;
	v60 =	vsel vm8, $0xFF800000, v57  }
0x114: {  	v56 =	vsel vm9, $0xFF800000, v58;
	vm10 =	veq.s32 v16, $0xD;
	vm11 =	veq.s32 v16, $0xE  }
0x115: {  	vm13 =	veq.s32 v16, $0xF;
	vm14 =	vge.f32 v44, v1;
	v47 =	vimm.s32 $0x0  }
0x116: {  	v57 =	vsel vm10, $0xFF800000, v61;
	v55 =	vsel vm11, $0xFF800000, v63;
	vm12 =	vge.f32 v45, v62  }
0x117: {  	[dreg:$0x8] =	wrdreg s0;
	s0 =	sadd.s32 $0x30, s5;
	vm0 =	vge.f32 v46, v50;
	v58 =	vsel vm13, $0xFF800000, v2;
	vm3 =	vge.f32 v49, v43  }
0x118: {  	s8 =	sor.u32 $0x300, s0;
	vm4 =	vge.f32 v48, v53;
	vm1 =	vge.f32 v51, v52;
	vm5 =	vge.f32 v59, v60  }
0x119: {  	s5 =	sor.u32 $0x280, s0;
	v12 =	vld [tilespmem:s8+$0x0];
	v44 =	vsel vm14, v44, v1;
	v9 =	vsel vm14, v42, v9;
	v63 =	vimm.s32 $0x3  }
0x11a: {  	[dreg:$0xb] =	wrdreg s3;
	s3 =	sor.u32 $0x2280, s0;
	v15 =	vld [tilespmem:s5+$0x0];
	vm2 =	vmneg vm12;
	v25 =	vsel vm0, v46, v50;
	v6 =	vsel vm3, v49, v43  }
0x11b: {  	[dreg:$0x9] =	wrdreg s6;
	s6 =	sor.u32 $0x200, s0;
	v34 =	vld [tilespmem:s3+$0x0];
	v8 =	vsel vm4, v48, v53;
	v26 =	vsel vm1, v51, v52;
	vm6 =	vge.f32 v56, v57  }
0x11c: {  	s2 =	sor.u32 $0x2200, s0;
	v54 =	vld [tilespmem:s6+$0x0];
	vm7 =	vge.f32 v55, v58;
	v3 =	vsel vm5, v59, v60;
	vm9 =	vge.f32 v10, v44  }
0x11d: {  	v33 =	vld [tilespmem:s2+$0x0];
	v16 =	vsel vm4, $0x6, v29;
	v17 =	vsel vm2, v62, v45;
	vm10 =	vge.f32 v6, v8  }
0x11e: {  	v14 =	vld [tilespmem:s12+$0x30];
	v4 =	vsel vm6, v56, v57;
	vm11 =	vge.f32 v26, v3;
	v61 =	vsel vm2, $0x1, v47  }
0x11f: {  	v11 =	vld [tilespmem:s12+$0xB0];
	vm8 =	vge.f32 v17, v25;
	v8 =	vsel vm10, v6, v8;
	v31 =	vsel vm11, v26, v3  }
0x120: {  	v5 =	vld [tilespmem:s12+$0x130];
	v3 =	vsel vm3, $0x4, v28;
	v2 =	vsel vm8, v17, v25;
	v25 =	vsel vm7, v55, v58  }
0x121: {  	[dreg:$0xa] =	wrdreg s4;
	s4 =	sor.u32 $0x380, s0;
	v7 =	vld [tilespmem:s12+$0x1B0];
	v42 =	vsel vm10, v3, v16;
	v17 =	vsel vm5, $0xA, v27;
	vm5 =	vge.f32 v54, v15  }
0x122: {  	s1 =	sor.u32 $0x2300, s0;
	s0 =	sor.u32 $0x2380, s0;
	v6 =	vld [tilespmem:s4+$0x0];
	vm3 =	vge.f32 v33, v34;
	vm12 =	vge.f32 v4, v25;
	vm15 =	vge.f32 v2, v8  }
0x123: {  	v3 =	vld [tilespmem:s0+$0x0];
	v26 =	vsel vm12, v4, v25;
	v44 =	vsel vm15, v2, v8;
	v2 =	vsel vm0, $0x2, v63  }
0x124: {  	v4 =	vld [tilespmem:s12+$0x2030];
	v25 =	vimm.s32 $0xD;
	v63 =	vimm.s32 $0xF;
	vm13 =	vge.f32 v31, v26  }
0x125: {  	v8 =	vld [tilespmem:s12+$0x20B0];
	v10 =	vsel vm8, v61, v2;
	v16 =	vsel vm7, $0xE, v63;
	v31 =	vsel vm13, v31, v26  }
0x126: {  	v63 =	vld [tilespmem:s1+$0x0];
	v26 =	vsel vm6, $0xC, v25;
	v10 =	vsel vm15, v10, v42;
	v42 =	vsel vm9, v13, v9  }
0x127: {  	vm6 =	vge.f32 v12, v6;
	vm14 =	vge.f32 v44, v31;
	v44 =	vsel vm1, $0x8, v21  }
0x128: {  	v32 =	vld [tilespmem:s12+$0x21B0];
	v9 =	vsel vm5, v54, v15;
	vm1 =	vge.f32 v5, v7;
	v44 =	vsel vm11, v44, v17  }
0x129: {  	v31 =	vld [tilespmem:s12+$0x2130];
	v17 =	vsel vm12, v26, v16;
	vm12 =	vge.f32 v14, v11;
	v26 =	vsel vm1, v5, v7  }
0x12a: {  	vm0 =	vmneg vm12;
	v44 =	vsel vm13, v44, v17;
	vm7 =	vge.f32 v4, v8  }
0x12b: {  	v25 =	vsel vm0, v11, v14;
	v61 =	vsel vm14, v10, v44;
	vm4 =	vge.f32 v63, v3  }
0x12c: {  	v10 =	vsel vm6, v12, v6;
	v16 =	vsel vm7, v4, v8;
	vm2 =	vge.f32 v25, v26  }
0x12d: {  	vm9 =	vge.f32 v9, v10;
	vm13 =	veq.s32 v61, $0x0;
	vm14 =	veq.s32 v61, $0x3  }
0x12e: {  	v1 =	vsel vm2, v25, v26;
	vm8 =	vge.f32 v31, v32;
	v25 =	vsel vm3, v33, v34  }
0x12f: {  	v26 =	vsel vm4, v63, v3;
	v9 =	vsel vm9, v9, v10;
	v47 =	vsel vm13, $0xFF800000, v45  }
0x130: {  	vm13 =	veq.s32 v61, $0x1;
	v44 =	vsel vm14, $0xFF800000, v50;
	v10 =	vimm.s32 $0x0  }
0x131: {  	v50 =	vimm.s32 $0xF;
	v17 =	vsel vm8, v31, v32;
	vm11 =	vge.f32 v25, v26  }
0x132: {  	vm12 =	vge.f32 v1, v9;
	v45 =	vsel vm13, $0xFF800000, v62;
	vm13 =	veq.s32 v61, $0x2  }
0x133: {  	v62 =	vimm.s32 $0x3;
	vm10 =	vge.f32 v16, v17;
	v0 =	vsel vm11, v25, v26  }
0x134: {  	v1 =	vsel vm12, v1, v9;
	v46 =	vsel vm13, $0xFF800000, v46;
	vm13 =	vge.f32 v47, v45  }
0x135: {  	v25 =	vimm.s32 $0x0;
	v9 =	vsel vm8, $0xA, v27;
	v13 =	vsel vm10, v16, v17  }
0x136: {  	vm13 =	vmneg vm13;
	vm14 =	vge.f32 v46, v44;
	vm15 =	vge.f32 v13, v0  }
0x137: {  	v16 =	vsel vm13, v45, v47;
	v17 =	vsel vm14, v46, v44;
	v26 =	vsel vm13, $0x1, v25  }
0x138: {  	v2 =	vsel vm14, $0x2, v62;
	v25 =	vsel vm6, $0x6, v29;
	vm6 =	veq.s32 v61, $0x6  }
0x139: {  	v0 =	vsel vm15, v13, v0;
	vm13 =	vge.f32 v16, v17;
	v13 =	vimm.s32 $0x3  }
0x13a: {  	v48 =	vsel vm6, $0xFF800000, v48;
	vm14 =	vge.f32 v1, v0;
	v16 =	vsel vm13, v16, v17  }
0x13b: {  	v62 =	vsel vm13, v26, v2;
	v2 =	vsel vm0, $0x1, v10;
	v1 =	vsel vm1, $0x2, v13  }
0x13c: {  	v17 =	vsel vm5, $0x4, v28;
	v26 =	vsel vm7, $0x8, v21;
	vm13 =	veq.s32 v61, $0x4  }
0x13d: {  	vm5 =	veq.s32 v61, $0x5;
	vm7 =	veq.s32 v61, $0x7;
	v1 =	vsel vm2, v2, v1  }
0x13e: {  	v17 =	vsel vm9, v17, v25;
	v0 =	vsel vm10, v26, v9;
	v25 =	vimm.s32 $0xD  }
0x13f: {  	v9 =	vsel vm4, $0xE, v50;
	v49 =	vsel vm13, $0xFF800000, v49;
	v50 =	vsel vm5, $0xFF800000, v43  }
0x140: {  	v43 =	vsel vm7, $0xFF800000, v53;
	v26 =	vsel vm3, $0xC, v25;
	v1 =	vsel vm12, v1, v17  }
0x141: {  	vm0 =	vge.f32 v49, v50;
	vm1 =	vge.f32 v48, v43;
	v10 =	vsel vm11, v26, v9  }
0x142: {  	v17 =	vsel vm0, v49, v50;
	v25 =	vsel vm1, v48, v43;
	v26 =	vsel vm0, $0x4, v28  }
0x143: {  	v53 =	vsel vm1, $0x6, v29;
	vm1 =	veq.s32 v61, $0xB;
	v0 =	vsel vm15, v0, v10  }
0x144: {  	vm8 =	vge.f32 v17, v25;
	vm15 =	veq.s32 v61, $0x9;
	v0 =	vsel vm14, v1, v0  }
0x145: {  	v9 =	vsel vm8, v17, v25;
	v17 =	vsel vm8, v26, v53;
	vm9 =	veq.s32 v0, $0x0  }
0x146: {  	vm10 =	veq.s32 v0, $0x1;
	vm11 =	veq.s32 v0, $0x2;
	vm12 =	veq.s32 v0, $0x3  }
0x147: {  	vm0 =	veq.s32 v0, $0x4;
	vm4 =	veq.s32 v0, $0x5;
	vm5 =	veq.s32 v0, $0x6  }
0x148: {  	vm6 =	veq.s32 v0, $0x7;
	vm7 =	veq.s32 v0, $0x8;
	vm8 =	veq.s32 v0, $0x9  }
0x149: {  	v13 =	vsel vm9, $0xFF800000, v14;
	v14 =	vsel vm10, $0xFF800000, v11;
	v53 =	vsel vm11, $0xFF800000, v5  }
0x14a: {  	v2 =	vsel vm12, $0xFF800000, v7;
	vm9 =	veq.s32 v0, $0xA;
	vm10 =	veq.s32 v0, $0xB  }
0x14b: {  	v11 =	vimm.s32 $0x0;
	vm11 =	veq.s32 v0, $0xC;
	vm12 =	veq.s32 v0, $0xD  }
0x14c: {  	v54 =	vsel vm0, $0xFF800000, v54;
	v15 =	vsel vm4, $0xFF800000, v15;
	v12 =	vsel vm5, $0xFF800000, v12  }
0x14d: {  	v5 =	vsel vm8, $0xFF800000, v8;
	vm0 =	veq.s32 v61, $0x8;
	vm13 =	vge.f32 v13, v14  }
0x14e: {  	vm14 =	vge.f32 v53, v2;
	v8 =	vsel vm11, $0xFF800000, v33;
	v10 =	vsel vm12, $0xFF800000, v34  }
0x14f: {  	vm4 =	vge.f32 v54, v15;
	vm2 =	vmneg vm13;
	v1 =	vsel vm14, $0xFFFFFFFF, v11  }
0x150: {  	v7 =	vsel vm14, v53, v2;
	vm13 =	veq.s32 v0, $0xE;
	vm14 =	veq.s32 v0, $0xF  }
0x151: {  	[tilespmem:$0x1FE00] =	vst v1;
	v25 =	vsel vm2, v14, v13;
	v1 =	vsel vm6, $0xFF800000, v6;
	v6 =	vsel vm9, $0xFF800000, v31  }
0x152: {  	v11 =	vsel vm13, $0xFF800000, v63;
	v3 =	vsel vm14, $0xFF800000, v3;
	vm3 =	vge.f32 v25, v7  }
0x153: {  	vm5 =	vge.f32 v12, v1;
	vm11 =	vge.f32 v11, v3;
	v0 =	vsel vm3, v25, v7  }
0x154: {  	v7 =	vsel vm7, $0xFF800000, v4;
	v4 =	vsel vm10, $0xFF800000, v32;
	vm10 =	vge.f32 v8, v10  }
0x155: {  	v25 =	vsel vm4, v54, v15;
	v26 =	vsel vm5, v12, v1;
	v63 =	vsel vm11, v11, v3  }
0x156: {  	vm6 =	vge.f32 v7, v5;
	vm7 =	vge.f32 v6, v4;
	vm8 =	vge.f32 v25, v26  }
0x157: {  	v34 =	vsel vm10, v8, v10;
	v32 =	vsel vm6, v7, v5;
	v33 =	vsel vm7, v6, v4  }
0x158: {  	v25 =	vsel vm8, v25, v26;
	vm13 =	vge.f32 v34, v63;
	vm9 =	vge.f32 v32, v33  }
0x159: {  	v26 =	vsel vm13, v34, v63;
	vm14 =	vge.f32 v0, v25;
	v31 =	vsel vm9, v32, v33  }
0x15a: {  	v0 =	vsel vm14, v0, v25;
	v33 =	vsel vm0, $0xFF800000, v51;
	vm12 =	vge.f32 v31, v26  }
0x15b: {  	vm0 =	veq.s32 v61, $0xA;
	v63 =	vsel vm12, v31, v26;
	v31 =	vsel vm15, $0xFF800000, v52  }
0x15c: {  	v51 =	vsel vm1, $0xFF800000, v60;
	v52 =	vsel vm0, $0xFF800000, v59;
	vm15 =	vge.f32 v33, v31  }
0x15d: {  	vm0 =	veq.f32 v24, $-Inf;
	vm1 =	vge.f32 v52, v51;
	v32 =	vsel vm15, v33, v31  }
0x15e: {  	v34 =	vsel vm15, $0x8, v21;
	vm15 =	vge.f32 v0, v63;
	v63 =	vimm.s32 $0x0  }
0x15f: {  	v59 =	vimm.s32 $0x0;
	v0 =	vsel vm1, v52, v51;
	v24 =	vsel vm0, $0xFFFFFFFF, v63;
	v63 =	vld [tilespmem:$0x1FE00]  }
0x160: {  	v59 =	vsel vm2, $0x1, v59;
	v25 =	vsel vm1, $0xA, v27;
	vm2 =	vge.f32 v32, v0  }
0x161: {  	v26 =	vsel vm2, v34, v25;
	v34 =	vld [tilespmem:$0x1FE10]  }
0x162: {  	v60 =	vimm.s32 $0x3;
	vm1 =	veq.f32 v18, $-Inf;
	[tilespmem:$0x1FE90] =	vst v24;
	v24 =	vsel vm2, v32, v0  }
0x163: {  	v25 =	vsel vm6, $0x8, v21;
	vm6 =	veq.f32 v19, $-Inf;
	v32 =	vimm.s32 $0x0  }
0x164: {  	vm2 =	veq.f32 v22, $-Inf;
	v19 =	vsel vm6, $0xFFFFFFFF, v32;
	vm0 =	vnez.u8 v63  }
0x165: {  	vm6 =	veq.s32 v61, $0xE;
	v63 =	vsel vm5, $0x6, v29;
	v60 =	vsel vm0, $0x2, v60  }
0x166: {  	vm0 =	veq.s32 v61, $0xC;
	v0 =	vsel vm3, v59, v60;
	vm3 =	veq.f32 v34, $-Inf;
	v60 =	vld [tilespmem:$0x1FE20]  }
0x167: {  	v59 =	vsel vm4, $0x4, v28;
	v34 =	vsel vm7, $0xA, v27;
	v18 =	vsel vm0, $0xFF800000, v56;
	v56 =	vld [tilespmem:$0x1FE30]  }
0x168: {  	vm7 =	veq.f32 v20, $-Inf;
	vm0 =	veq.s32 v61, $0xD;
	v20 =	vsel vm8, v59, v63;
	v59 =	vld [tilespmem:$0x1FE40]  }
0x169: {  	[tilespmem:$0x1FEA0] =	vst v19;
	vm5 =	veq.f32 v23, $-Inf;
	v22 =	vsel vm9, v25, v34;
	v19 =	vsel vm0, $0xFF800000, v57  }
0x16a: {  	vm0 =	veq.s32 v61, $0xF;
	v25 =	vsel vm6, $0xFF800000, v55;
	v57 =	vimm.s32 $0x0  }
0x16b: {  	v61 =	vimm.s32 $0xD;
	v63 =	vld [tilespmem:$0x1FE50];
	v55 =	vimm.s32 $0x0;
	v32 =	vsel vm0, $0xFF800000, v58  }
0x16c: {  	vm0 =	vge.f32 v18, v19;
	vm4 =	veq.f32 v60, $-Inf;
	vm9 =	veq.f32 v56, $-Inf  }
0x16d: {  	v60 =	vimm.s32 $0x0;
	v23 =	vsel vm9, $0xFFFFFFFF, v57;
	vm9 =	veq.f32 v59, $-Inf  }
0x16e: {  	v0 =	vsel vm14, v0, v20;
	vm6 =	vge.f32 v25, v32;
	v59 =	vld [tilespmem:$0x1FE60];
	[tilespmem:$0x1FEB0] =	vst v23;
	v23 =	vsel vm9, $0xFFFFFFFF, v60  }
0x16f: {  	v58 =	vsel vm6, v25, v32;
	v57 =	vsel vm0, v18, v19;
	[tilespmem:$0x1FEC0] =	vst v23;
	v23 =	vsel vm10, $0xC, v61;
	v61 =	vld [tilespmem:$0x1FE70]  }
0x170: {  	v56 =	vimm.s32 $0xF;
	vm8 =	vge.f32 v57, v58;
	vm10 =	veq.f32 v63, $-Inf  }
0x171: {  	v60 =	vimm.s32 $0xD;
	v63 =	vimm.s32 $0xF;
	v34 =	vsel vm10, $0xFFFFFFFF, v55  }
0x172: {  	vm9 =	vge.f32 v16, v9;
	v20 =	vsel vm6, $0xE, v63;
	[tilespmem:$0x1FED0] =	vst v34;
	v34 =	vsel vm11, $0xE, v56  }
0x173: {  	v23 =	vsel vm13, v23, v34;
	vm11 =	veq.f32 v59, $-Inf;
	v34 =	vsel vm8, v57, v58  }
0x174: {  	v22 =	vsel vm12, v22, v23;
	v23 =	vsel vm0, $0xC, v60;
	vm12 =	veq.f32 v61, $-Inf  }
0x175: {  	v56 =	vsel vm15, v0, v22;
	v55 =	vsel vm8, v23, v20;
	v20 =	vsel vm9, v16, v9  }
0x176: {  	v9 =	vsel vm9, v62, v17;
	vm10 =	veq.s32 v56, $0x0;
	vm15 =	veq.s32 v56, $0x1  }
0x177: {  	vm6 =	veq.s32 v56, $0x2;
	vm8 =	veq.s32 v56, $0x3;
	vm9 =	veq.s32 v56, $0x4  }
0x178: {  	v13 =	vsel vm10, $0xFF800000, v13;
	v22 =	vsel vm15, $0xFF800000, v14;
	v57 =	vsel vm6, $0xFF800000, v53  }
0x179: {  	v14 =	vsel vm8, $0xFF800000, v2;
	v23 =	vsel vm9, $0xFF800000, v54;
	vm10 =	veq.s32 v56, $0x5  }
0x17a: {  	vm6 =	veq.s32 v56, $0x6;
	vm9 =	veq.s32 v56, $0x7;
	v53 =	vimm.s32 $0x0  }
0x17b: {  	v54 =	vimm.s32 $0x3;
	vm15 =	veq.s32 v56, $0x8;
	v58 =	vsel vm10, $0xFF800000, v15  }
0x17c: {  	v15 =	vsel vm6, $0xFF800000, v12;
	vm8 =	vge.f32 v13, v22;
	vm10 =	vge.f32 v57, v14  }
0x17d: {  	v59 =	vsel vm9, $0xFF800000, v1;
	vm0 =	vmneg vm8;
	v17 =	vsel vm10, v57, v14  }
0x17e: {  	v12 =	vsel vm10, $0x2, v54;
	vm8 =	vge.f32 v23, v58;
	vm9 =	vge.f32 v15, v59  }
0x17f: {  	v16 =	vsel vm0, v22, v13;
	v2 =	vsel vm0, $0x1, v53;
	v60 =	vsel vm8, v23, v58  }
0x180: {  	v61 =	vsel vm9, v15, v59;
	v62 =	vsel vm8, $0x4, v28;
	v63 =	vsel vm9, $0x6, v29  }
0x181: {  	vm8 =	veq.s32 v56, $0xA;
	vm9 =	veq.s32 v56, $0xB;
	vm6 =	vge.f32 v16, v17  }
0x182: {  	vm0 =	veq.s32 v41, $0x8;
	vm10 =	vge.f32 v60, v61;
	v16 =	vsel vm6, v16, v17  }
0x183: {  	v12 =	vsel vm6, v2, v12;
	v53 =	vsel vm10, v60, v61;
	v17 =	vsel vm10, v62, v63  }
0x184: {  	v60 =	vsel vm15, $0xFF800000, v7;
	vm6 =	veq.s32 v56, $0x9;
	v62 =	vsel vm8, $0xFF800000, v6  }
0x185: {  	v29 =	vld [tilespmem:$0x1FE80];
	v63 =	vsel vm9, $0xFF800000, v4;
	vm10 =	veq.s32 v56, $0xC;
	vm8 =	veq.s32 v56, $0xE  }
0x186: {  	v61 =	vsel vm6, $0xFF800000, v5;
	vm6 =	veq.s32 v56, $0xD;
	v0 =	vsel vm10, $0xFF800000, v8  }
0x187: {  	v2 =	vsel vm8, $0xFF800000, v11;
	vm10 =	vge.f32 v62, v63;
	v1 =	vsel vm6, $0xFF800000, v10  }
0x188: {  	vm9 =	vge.f32 v60, v61;
	vm6 =	veq.s32 v56, $0xF;
	v11 =	vsel vm10, v62, v63  }
0x189: {  	v54 =	vsel vm10, $0xA, v27;
	v27 =	vimm.s32 $0xF;
	v10 =	vsel vm9, v60, v61  }
0x18a: {  	v3 =	vsel vm6, $0xFF800000, v3;
	v28 =	vsel vm9, $0x8, v21;
	vm13 =	veq.f32 v29, $-Inf  }
0x18b: {  	vm9 =	vge.f32 v0, v1;
	vm8 =	vge.f32 v10, v11;
	vm10 =	vge.f32 v2, v3  }
0x18c: {  	v56 =	vsel vm9, v0, v1;
	v4 =	vsel vm8, v10, v11;
	v5 =	vsel vm8, v28, v54  }
0x18d: {  	v11 =	vimm.s32 $0xD;
	v21 =	vsel vm10, v2, v3;
	v10 =	vsel vm10, $0xE, v27  }
0x18e: {  	vm8 =	vge.f32 v16, v53;
	vm10 =	veq.s32 v41, $0x1;
	v28 =	vld [tilespmem:$0x1FE90];
	v27 =	vimm.f32 $0.0e+00  }
0x18f: {  	v54 =	vld [tilespmem:$0x1FEC0];
	v7 =	vsel vm9, $0xC, v11;
	vm6 =	vge.f32 v56, v21;
	v8 =	vsel vm8, v16, v53  }
0x190: {  	vm9 =	veq.s32 v41, $0x0;
	vm14 =	vmor vm10, vm1;
	vm10 =	veq.s32 v41, $0x3  }
0x191: {  	v29 =	vld [tilespmem:$0x1FEA0];
	v6 =	vsel vm6, v56, v21;
	v7 =	vsel vm6, v7, v10;
	v10 =	vsel vm8, v12, v17  }
0x192: {  	vm8 =	vmor vm10, vm3;
	vm10 =	veq.s32 v41, $0x6;
	v56 =	vld [tilespmem:$0x1FED0];
	v12 =	vimm.s32 $0x0  }
0x193: {  	v17 =	vimm.s32 $0x0;
	v21 =	vimm.s32 $0x0;
	vm15 =	vnez.u8 v28  }
0x194: {  	v53 =	vld [tilespmem:$0x1FEB0];
	vm1 =	vnez.u8 v54;
	vm15 =	vmor vm9, vm15;
	vm9 =	veq.s32 v41, $0x2  }
0x195: {  	vm6 =	vmor vm9, vm2;
	vm2 =	veq.s32 v41, $0x4;
	vm9 =	veq.s32 v41, $0x5  }
0x196: {  	v54 =	vimm.f32 $0.0e+00;
	vm4 =	vmor vm2, vm4;
	vm3 =	vmor vm9, vm5  }
0x197: {  	v16 =	vld [tilespmem:$0x1FEE0];
	vm5 =	veq.s32 v41, $0x7;
	vm9 =	vnez.u8 v29;
	vm2 =	vnez.u8 v56  }
0x198: {  	v29 =	vimm.f32 $0.0e+00;
	v56 =	vimm.f32 $0.0e+00;
	vm9 =	vmor vm10, vm9  }
0x199: {  	vm5 =	vmor vm5, vm7;
	vm7 =	veq.s32 v41, $0x9;
	vm10 =	vnez.u8 v53  }
0x19a: {  	v53 =	vimm.f32 $0.0e+00;
	vm10 =	vmor vm0, vm10;
	vm0 =	veq.s32 v41, $0xA  }
0x19b: {  	v28 =	vld [tilespmem:$0x1FEF0];
	vm7 =	vmor vm7, vm1;
	vm1 =	veq.s32 v41, $0xB;
	vm0 =	vmor vm0, vm2  }
0x19c: {  	vm2 =	veq.f32 v16, $-Inf;
	vm1 =	vmor vm1, vm11;
	v16 =	vsel vm15, $0x3F800000, v27  }
0x19d: {  	vm15 =	veq.s32 v42, $0x1;
	v11 =	vsel vm0, $0xFFFFFFFF, v12;
	vm0 =	veq.s32 v41, $0xC  }
0x19e: {  	v27 =	vimm.f32 $0.0e+00;
	vm11 =	vmor vm0, vm12;
	vm12 =	veq.s32 v41, $0xD  }
0x19f: {  	v12 =	vimm.f32 $0.0e+00;
	vm0 =	veq.s32 v41, $0xE;
	vm12 =	vmor vm12, vm13  }
0x1a0: {  	vm0 =	vmor vm0, vm2;
	vm2 =	veq.f32 v28, $-Inf;
	vm13 =	veq.f32 v37, $-Inf  }
0x1a1: {  	v37 =	vsel vm8, $0x3F800000, v53;
	vm8 =	veq.f32 v40, $-Inf;
	v40 =	vsel vm4, $0x3F800000, v54  }
0x1a2: {  	[tilespmem:$0x1FF20] =	vst v11;
	v54 =	vimm.f32 $0.0e+00;
	v11 =	vsel vm12, $0xFFFFFFFF, v17;
	v17 =	vsel vm14, $0x3F800000, v29  }
0x1a3: {  	vm12 =	veq.f32 v36, $-Inf;
	vm14 =	veq.f32 v38, $-Inf;
	v38 =	vsel vm3, $0x3F800000, v56  }
0x1a4: {  	vm3 =	veq.f32 v39, $-Inf;
	v39 =	vsel vm9, $0x3F800000, v12;
	vm9 =	veq.s32 v42, $0x0  }
0x1a5: {  	vm13 =	vmor vm15, vm13;
	v29 =	vimm.f32 $0.0e+00;
	[tilespmem:s12+$0x4180] =	vst v37;
	v37 =	vimm.s32 $0xD  }
0x1a6: {  	[tilespmem:$0x1FF90] =	vst v11;
	v11 =	vsel vm0, $0xFFFFFFFF, v21;
	vm0 =	veq.s32 v41, $0xF;
	v41 =	vimm.f32 $0.0e+00  }
0x1a7: {  	v21 =	vimm.f32 $0.0e+00;
	v53 =	vsel vm7, $0x3F800000, v29;
	vm7 =	veq.s32 v42, $0x7  }
0x1a8: {  	v28 =	vld [tilespmem:$0x1FF00];
	v36 =	vsel vm6, $0x3F800000, v41;
	vm4 =	vmor vm0, vm2;
	vm6 =	vmor vm9, vm12  }
0x1a9: {  	v56 =	vld [tilespmem:$0x1FF20];
	vm2 =	veq.f32 v35, $-Inf;
	v35 =	vsel vm5, $0x3F800000, v21;
	vm9 =	veq.s32 v42, $0x2  }
0x1aa: {  	vm12 =	veq.s32 v42, $0x3;
	v41 =	vsel vm10, $0x3F800000, v27;
	vm10 =	veq.s32 v42, $0x6  }
0x1ab: {  	[tilespmem:s12+$0x4000] =	vst v16;
	v12 =	vld [tilespmem:$0x1FF30];
	vm0 =	vmor vm9, vm8;
	vm15 =	vmor vm12, vm14;
	vm14 =	veq.s32 v42, $0x4  }
0x1ac: {  	[tilespmem:s12+$0x4080] =	vst v17;
	v21 =	vld [tilespmem:$0x1FF40];
	vm8 =	veq.f32 v30, $-Inf;
	vm9 =	veq.s32 v42, $0x5;
	vm14 =	vmor vm14, vm3  }
0x1ad: {  	v30 =	vld [tilespmem:$0x1FF10];
	[tilespmem:s12+$0x4100] =	vst v36;
	vm5 =	veq.f32 v28, $-Inf;
	vm2 =	vmor vm9, vm2;
	vm3 =	vmor vm10, vm8  }
0x1ae: {  	v27 =	vld [tilespmem:$0x1FF50];
	vm10 =	veq.s32 v42, $0x8;
	vm9 =	veq.s32 v42, $0x9;
	[tilespmem:s20+$0x4000] =	vst v40;
	vm12 =	vnez.u8 v56  }
0x1af: {  	v28 =	vimm.s32 $0x0;
	[tilespmem:s19+$0x4000] =	vst v38;
	v38 =	vimm.s32 $0xF;
	v54 =	vsel vm12, $0x3F800000, v54  }
0x1b0: {  	vm12 =	vmor vm7, vm5;
	vm7 =	veq.f32 v12, $-Inf;
	v12 =	vimm.f32 $0.0e+00  }
0x1b1: {  	v29 =	vld [tilespmem:$0x1FF60];
	s20 =	rddreg [dreg:$0xb];
	[tilespmem:s18+$0x4000] =	vst v39;
	vm7 =	vmor vm9, vm7;
	vm5 =	veq.f32 v21, $-Inf;
	vm9 =	veq.s32 v42, $0xA  }
0x1b2: {  	v56 =	vld [tilespmem:$0x1FF70];
	v21 =	vimm.s32 $0x0;
	[tilespmem:s20+$0x4000] =	vst v35;
	vm8 =	veq.f32 v30, $-Inf;
	vm9 =	vmor vm9, vm5  }
0x1b3: {  	vm5 =	veq.f32 v27, $-Inf;
	v30 =	vimm.s32 $0x0;
	[tilespmem:s12+$0x6000] =	vst v41;
	v41 =	vimm.f32 $0.0e+00  }
0x1b4: {  	[tilespmem:s12+$0x6080] =	vst v53;
	v53 =	vimm.f32 $0.0e+00;
	vm8 =	vmor vm10, vm8;
	vm10 =	veq.s32 v42, $0xB  }
0x1b5: {  	[tilespmem:s12+$0x6100] =	vst v54;
	v54 =	vimm.f32 $0.0e+00;
	vm5 =	vmor vm10, vm5;
	vm10 =	veq.s32 v42, $0xC  }
0x1b6: {  	[tilespmem:$0x1FFA0] =	vst v11;
	v27 =	vld [tilespmem:$0x1FF80];
	v11 =	vsel vm5, $0xFFFFFFFF, v28;
	vm5 =	veq.f32 v29, $-Inf;
	v28 =	vimm.s32 $0x0  }
0x1b7: {  	v29 =	vimm.f32 $0.0e+00;
	vm5 =	vmor vm10, vm5;
	vm10 =	veq.f32 v56, $-Inf  }
0x1b8: {  	[tilespmem:$0x1FFC0] =	vst v11;
	v56 =	vsel vm1, $0x3F800000, v12;
	vm1 =	vge.f32 v4, v6;
	v11 =	vsel vm5, $0xFFFFFFFF, v30  }
0x1b9: {  	vm5 =	veq.s32 v42, $0xD;
	v4 =	vsel vm1, v4, v6;
	v5 =	vsel vm1, v5, v7  }
0x1ba: {  	[tilespmem:s12+$0x6180] =	vst v56;
	vm1 =	veq.s32 v42, $0xF;
	v56 =	vimm.f32 $0.0e+00;
	vm10 =	vmor vm5, vm10  }
0x1bb: {  	[tilespmem:$0x1FFD0] =	vst v11;
	vm5 =	veq.f32 v27, $-Inf;
	v11 =	vsel vm10, $0xFFFFFFFF, v21;
	vm10 =	veq.s32 v42, $0xE  }
0x1bc: {  	v42 =	vimm.f32 $0.0e+00;
	vm5 =	vmor vm10, vm5;
	vm10 =	vge.f32 v24, v34  }
0x1bd: {  	v6 =	vsel vm5, $0xFFFFFFFF, v28;
	v30 =	vsel vm10, v24, v34;
	v34 =	vsel vm10, v26, v55  }
0x1be: {  	[tilespmem:$0x1FFF0] =	vst v6;
	v6 =	vsel vm11, $0x3F800000, v29;
	vm11 =	vge.f32 v8, v4;
	vm10 =	vge.f32 v20, v30  }
0x1bf: {  	s19 =	rddreg [dreg:$0xa];
	v55 =	vimm.s32 $0x0;
	v5 =	vsel vm11, v10, v5;
	v30 =	vsel vm10, v9, v34  }
0x1c0: {  	[tilespmem:s19+$0x4000] =	vst v6;
	v6 =	vsel vm13, $0x3F800000, v41;
	vm13 =	veq.f32 v49, $-Inf;
	v41 =	vimm.f32 $0.0e+00  }
0x1c1: {  	v49 =	vimm.f32 $0.0e+00;
	vm11 =	veq.s32 v5, $0x0;
	vm5 =	veq.s32 v5, $0x1  }
0x1c2: {  	vm10 =	veq.s32 v5, $0x3;
	v29 =	vsel vm11, $0xFF800000, v13;
	v28 =	vsel vm5, $0xFF800000, v22  }
0x1c3: {  	vm5 =	veq.s32 v5, $0x2;
	vm11 =	veq.s32 v5, $0x4;
	v26 =	vsel vm10, $0xFF800000, v14  }
0x1c4: {  	vm10 =	veq.s32 v5, $0x6;
	v27 =	vsel vm5, $0xFF800000, v57;
	v57 =	vimm.s32 $0x3  }
0x1c5: {  	v24 =	vsel vm11, $0xFF800000, v23;
	vm5 =	veq.s32 v5, $0x5;
	vm11 =	veq.s32 v5, $0x7  }
0x1c6: {  	v22 =	vsel vm10, $0xFF800000, v15;
	vm10 =	veq.s32 v5, $0x9;
	v23 =	vsel vm5, $0xFF800000, v58  }
0x1c7: {  	v58 =	vimm.s32 $0x5;
	v21 =	vsel vm11, $0xFF800000, v59;
	v59 =	vimm.s32 $0x7  }
0x1c8: {  	vm5 =	veq.s32 v5, $0x8;
	vm11 =	veq.s32 v5, $0xA;
	v15 =	vsel vm10, $0xFF800000, v61  }
0x1c9: {  	v61 =	vimm.s32 $0xB;
	vm10 =	veq.s32 v5, $0xC;
	v20 =	vsel vm5, $0xFF800000, v60  }
0x1ca: {  	v60 =	vimm.s32 $0x9;
	v14 =	vsel vm11, $0xFF800000, v62;
	vm5 =	veq.s32 v5, $0xB  }
0x1cb: {  	[tilespmem:$0x1FFE0] =	vst v11;
	vm11 =	veq.s32 v5, $0xD;
	v11 =	vsel vm10, $0xFF800000, v0;
	vm10 =	veq.s32 v5, $0xF  }
0x1cc: {  	v13 =	vsel vm5, $0xFF800000, v63;
	v12 =	vsel vm11, $0xFF800000, v1;
	vm11 =	vge.f32 v29, v28  }
0x1cd: {  	vm5 =	veq.s32 v5, $0xE;
	v9 =	vsel vm10, $0xFF800000, v3;
	vm10 =	vmneg vm11  }
0x1ce: {  	v10 =	vsel vm5, $0xFF800000, v2;
	vm11 =	vge.f32 v27, v26;
	v0 =	vsel vm10, v28, v29  }
0x1cf: {  	v1 =	vsel vm10, $0x1, v55;
	v62 =	vsel vm11, v27, v26;
	vm10 =	vge.f32 v24, v23  }
0x1d0: {  	v63 =	vsel vm11, $0x2, v57;
	vm11 =	vge.f32 v22, v21;
	v4 =	vsel vm10, v24, v23  }
0x1d1: {  	v5 =	vsel vm10, $0x4, v58;
	v7 =	vsel vm11, v22, v21;
	vm10 =	vge.f32 v20, v15  }
0x1d2: {  	v8 =	vsel vm11, $0x6, v59;
	vm11 =	vge.f32 v14, v13;
	v16 =	vsel vm10, v20, v15  }
0x1d3: {  	v34 =	vsel vm11, v14, v13;
	v36 =	vsel vm11, $0xA, v61;
	vm11 =	vge.f32 v0, v62  }
0x1d4: {  	v17 =	vsel vm10, $0x8, v60;
	vm10 =	vge.f32 v11, v12;
	v0 =	vsel vm11, v0, v62  }
0x1d5: {  	v1 =	vsel vm11, v1, v63;
	v62 =	vsel vm10, v11, v12;
	vm11 =	vge.f32 v4, v7  }
0x1d6: {  	v63 =	vsel vm10, $0xC, v37;
	vm10 =	vge.f32 v10, v9;
	v4 =	vsel vm11, v4, v7  }
0x1d7: {  	v35 =	vld [tilespmem:$0x1FFA0];
	v39 =	vsel vm10, v10, v9;
	v40 =	vsel vm10, $0xE, v38;
	vm10 =	vge.f32 v16, v34  }
0x1d8: {  	v5 =	vsel vm11, v5, v8;
	vm11 =	vge.f32 v62, v39;
	v16 =	vsel vm10, v16, v34  }
0x1d9: {  	v17 =	vsel vm10, v17, v36;
	vm10 =	vge.f32 v0, v4;
	v34 =	vimm.f32 $0.0e+00  }
0x1da: {  	v36 =	vimm.f32 $0.0e+00;
	v2 =	vsel vm11, v62, v39;
	v3 =	vsel vm11, v63, v40;
	v63 =	vld [tilespmem:$0x1FF90]  }
0x1db: {  	v62 =	vimm.f32 $0.0e+00;
	v0 =	vsel vm10, v0, v4;
	v1 =	vsel vm10, v1, v5;
	v40 =	vld [tilespmem:$0x1FFB0]  }
0x1dc: {  	vm11 =	vnez.u8 v35;
	v5 =	vsel vm4, $0x3F800000, v36;
	v39 =	vimm.f32 $0.0e+00  }
0x1dd: {  	vm10 =	veq.f32 v46, $-Inf;
	v35 =	vsel vm3, $0x3F800000, v56;
	v36 =	vimm.f32 $0.0e+00  }
0x1de: {  	v56 =	vimm.f32 $0.0e+00;
	v4 =	vsel vm11, $0x3F800000, v34;
	v8 =	vsel vm6, $0x3F800000, v39  }
0x1df: {  	vm6 =	veq.f32 v45, $-Inf;
	vm11 =	veq.f32 v44, $-Inf;
	v39 =	vimm.f32 $0.0e+00  }
0x1e0: {  	v45 =	vimm.f32 $0.0e+00;
	vm5 =	vnez.u8 v63;
	vm4 =	veq.f32 v40, $-Inf  }
0x1e1: {  	s20 =	rddreg [dreg:$0x9];
	v63 =	vimm.f32 $0.0e+00;
	v7 =	vsel vm5, $0x3F800000, v62;
	vm5 =	veq.f32 v47, $-Inf  }
0x1e2: {  	v47 =	vimm.f32 $0.0e+00;
	v62 =	vimm.f32 $0.0e+00;
	[tilespmem:s20+$0x4000] =	vst v7;
	v7 =	vsel vm0, $0x3F800000, v42  }
0x1e3: {  	v34 =	vsel vm15, $0x3F800000, v47;
	vm0 =	vmor vm1, vm4;
	vm4 =	veq.s32 v30, $0x0  }
0x1e4: {  	s19 =	rddreg [dreg:$0x7];
	[tilespmem:s12+$0x4090] =	vst v6;
	v6 =	vsel vm12, $0x3F800000, v62;
	vm15 =	veq.s32 v30, $0x1;
	vm12 =	veq.s32 v30, $0x4  }
0x1e5: {  	v47 =	vimm.f32 $0.0e+00;
	v62 =	vimm.f32 $0.0e+00;
	[tilespmem:s19+$0x4000] =	vst v4;
	v4 =	vsel vm14, $0x3F800000, v53  }
0x1e6: {  	vm14 =	veq.f32 v50, $-Inf;
	vm1 =	vmor vm4, vm5;
	[tilespmem:s12+$0x4110] =	vst v7;
	vm4 =	veq.f32 v48, $-Inf  }
0x1e7: {  	v40 =	vld [tilespmem:$0x1FFC0];
	[tilespmem:s12+$0x4190] =	vst v34;
	v7 =	vsel vm8, $0x3F800000, v63;
	v34 =	vimm.f32 $0.0e+00;
	v48 =	vimm.f32 $0.0e+00  }
0x1e8: {  	[tilespmem:s12+$0x4010] =	vst v8;
	s20 =	rddreg [dreg:$0x8];
	v50 =	vimm.f32 $0.0e+00;
	v53 =	vimm.f32 $0.0e+00;
	v63 =	vimm.f32 $0.0e+00  }
0x1e9: {  	[tilespmem:s20+$0x4000] =	vst v5;
	v5 =	vsel vm2, $0x3F800000, v54;
	vm2 =	vmor vm15, vm6;
	vm6 =	veq.s32 v30, $0x2  }
0x1ea: {  	[tilespmem:s21+$0x4000] =	vst v4;
	v4 =	vsel vm7, $0x3F800000, v34;
	vm15 =	veq.s32 v30, $0x5;
	v54 =	vimm.f32 $0.0e+00  }
0x1eb: {  	vm3 =	vmor vm6, vm10;
	vm10 =	veq.s32 v30, $0x3;
	[tilespmem:s22+$0x4000] =	vst v5;
	v5 =	vsel vm9, $0x3F800000, v36  }
0x1ec: {  	vm6 =	vmor vm12, vm13;
	vm12 =	vnez.u8 v40;
	vm7 =	vmor vm15, vm14  }
0x1ed: {  	vm13 =	veq.s32 v30, $0x6;
	vm14 =	veq.s32 v30, $0x7;
	vm15 =	veq.f32 v43, $-Inf  }
0x1ee: {  	v43 =	vimm.f32 $0.0e+00;
	v36 =	vimm.f32 $0.0e+00;
	v40 =	vimm.f32 $0.0e+00  }
0x1ef: {  	vm5 =	vmor vm10, vm11;
	v8 =	vsel vm12, $0x3F800000, v39;
	vm4 =	vmor vm13, vm4  }
0x1f0: {  	vm8 =	vmor vm14, vm15;
	vm12 =	veq.s32 v30, $0x8;
	vm13 =	veq.f32 v33, $-Inf  }
0x1f1: {  	v42 =	vld [tilespmem:$0x1FFD0];
	vm14 =	veq.s32 v30, $0x9;
	vm15 =	veq.f32 v31, $-Inf;
	vm11 =	veq.s32 v30, $0xA  }
0x1f2: {  	v31 =	vsel vm3, $0x3F800000, v50;
	v34 =	vsel vm7, $0x3F800000, v54;
	vm7 =	veq.s32 v30, $0xB  }
0x1f3: {  	v39 =	vimm.f32 $0.0e+00;
	v50 =	vimm.f32 $0.0e+00;
	v54 =	vimm.f32 $0.0e+00  }
0x1f4: {  	[tilespmem:s25+$0x4000] =	vst v35;
	vm9 =	vmor vm12, vm13;
	vm10 =	vmor vm14, vm15;
	vm12 =	veq.f32 v52, $-Inf  }
0x1f5: {  	[tilespmem:s26+$0x4000] =	vst v6;
	v52 =	vimm.f32 $0.0e+00;
	vm13 =	veq.s32 v30, $0xD;
	vm15 =	vge.f32 v16, v2  }
0x1f6: {  	v44 =	vld [tilespmem:$0x1FFE0];
	[tilespmem:s12+$0x6010] =	vst v7;
	vm11 =	vmor vm11, vm12;
	vm12 =	vnez.u8 v42;
	v7 =	vsel vm0, $0x3F800000, v47  }
0x1f7: {  	[tilespmem:s12+$0x6190] =	vst v8;
	v8 =	vsel vm1, $0x3F800000, v48;
	v33 =	vsel vm5, $0x3F800000, v52;
	v35 =	vsel vm9, $0x3F800000, v63  }
0x1f8: {  	v46 =	vld [tilespmem:$0x1FFF0];
	vm9 =	veq.s32 v30, $0xC;
	v2 =	vsel vm15, v16, v2;
	v3 =	vsel vm15, v17, v3  }
0x1f9: {  	[tilespmem:s12+$0x6090] =	vst v4;
	v42 =	vimm.f32 $0.0e+00;
	vm15 =	veq.f32 v28, $-Inf;
	v47 =	vimm.f32 $0.0e+00  }
0x1fa: {  	[tilespmem:s12+$0x6110] =	vst v5;
	v48 =	vimm.f32 $0.0e+00;
	vm5 =	veq.f32 v14, $-Inf;
	v52 =	vimm.f32 $0.0e+00  }
0x1fb: {  	v4 =	vsel vm12, $0x3F800000, v41;
	vm12 =	vnez.u8 v44;
	[tilespmem:s12+$0x4020] =	vst v8;
	v8 =	vimm.f32 $0.0e+00  }
0x1fc: {  	[tilespmem:s12+$0x41A0] =	vst v33;
	v33 =	vimm.f32 $0.0e+00;
	v41 =	vimm.f32 $0.0e+00;
	v44 =	vimm.f32 $0.0e+00  }
0x1fd: {  	v5 =	vsel vm12, $0x3F800000, v43;
	vm12 =	vnez.u8 v46;
	[tilespmem:s23+$0x4000] =	vst v4;
	v4 =	vsel vm2, $0x3F800000, v49  }
0x1fe: {  	v43 =	vimm.f32 $0.0e+00;
	v46 =	vimm.f32 $0.0e+00;
	v49 =	vimm.f32 $0.0e+00;
	[tilespmem:s24+$0x4000] =	vst v5  }
0x1ff: {  	v6 =	vsel vm12, $0x3F800000, v45;
	v5 =	vsel vm6, $0x3F800000, v53;
	[tilespmem:s12+$0x40A0] =	vst v4;
	v4 =	vsel vm10, $0x3F800000, v8  }
0x200: {  	vm10 =	veq.f32 v18, $-Inf;
	v18 =	vimm.f32 $0.0e+00;
	vm12 =	veq.f32 v19, $-Inf  }
0x201: {  	[tilespmem:s12+$0x4120] =	vst v31;
	vm6 =	veq.s32 v30, $0xE;
	v45 =	vimm.f32 $0.0e+00;
	v53 =	vimm.f32 $0.0e+00  }
0x202: {  	[tilespmem:s28+$0x4000] =	vst v6;
	v6 =	vsel vm4, $0x3F800000, v56;
	v8 =	vsel vm11, $0x3F800000, v18;
	vm1 =	vmor vm9, vm10  }
0x203: {  	vm14 =	vmor vm13, vm12;
	[tilespmem:s30+$0x4000] =	vst v5;
	vm9 =	vge.f32 v0, v2;
	vm10 =	veq.f32 v32, $-Inf  }
0x204: {  	vm12 =	veq.f32 v29, $-Inf;
	v56 =	vimm.f32 $0.0e+00;
	[tilespmem:s29+$0x4000] =	vst v7;
	v7 =	vsel vm8, $0x3F800000, v62  }
0x205: {  	vm8 =	veq.f32 v51, $-Inf;
	v5 =	vsel vm1, $0x3F800000, v36;
	[tilespmem:s31+$0x4000] =	vst v34;
	v16 =	vsel vm14, $0x3F800000, v39  }
0x206: {  	v1 =	vsel vm9, v1, v3;
	vm9 =	veq.f32 v26, $-Inf;
	v51 =	vimm.f32 $0.0e+00;
	[tilespmem:s17+$0x4000] =	vst v6  }
0x207: {  	v62 =	vimm.f32 $0.0e+00;
	vm0 =	vmor vm7, vm8;
	vm7 =	veq.s32 v30, $0xF;
	[tilespmem:s16+$0x4000] =	vst v7  }
0x208: {  	vm8 =	veq.f32 v25, $-Inf;
	vm11 =	veq.s32 v1, $0x0;
	vm13 =	veq.s32 v1, $0x1;
	[tilespmem:s12+$0x6020] =	vst v35  }
0x209: {  	vm14 =	veq.s32 v1, $0x2;
	v18 =	vsel vm0, $0x3F800000, v33;
	vm0 =	vmor vm6, vm8;
	[tilespmem:s12+$0x60A0] =	vst v4  }
0x20a: {  	vm1 =	vmor vm11, vm12;
	vm6 =	veq.s32 v1, $0x3;
	vm11 =	veq.s32 v1, $0x5;
	[tilespmem:s12+$0x6120] =	vst v8  }
0x20b: {  	vm12 =	veq.f32 v24, $-Inf;
	v0 =	vsel vm0, $0x3F800000, v40;
	vm0 =	vmor vm7, vm10;
	[tilespmem:s12+$0x61A0] =	vst v18  }
0x20c: {  	v3 =	vsel vm1, $0x3F800000, v42;
	vm7 =	veq.f32 v27, $-Inf;
	vm10 =	veq.s32 v1, $0x4;
	[tilespmem:s15+$0x4000] =	vst v5  }
0x20d: {  	vm1 =	vmor vm6, vm9;
	vm6 =	veq.f32 v22, $-Inf;
	vm9 =	veq.f32 v21, $-Inf;
	[tilespmem:s12+$0x4030] =	vst v3  }
0x20e: {  	v2 =	vsel vm0, $0x3F800000, v41;
	vm0 =	vmor vm13, vm15;
	v5 =	vsel vm1, $0x3F800000, v45;
	[tilespmem:s7+$0x4000] =	vst v16  }
0x20f: {  	vm8 =	vmor vm14, vm7;
	vm13 =	veq.s32 v1, $0x6;
	vm14 =	veq.f32 v23, $-Inf;
	[tilespmem:s12+$0x41B0] =	vst v5  }
0x210: {  	vm7 =	veq.s32 v1, $0x7;
	v4 =	vsel vm0, $0x3F800000, v43;
	vm0 =	vmor vm10, vm12;
	[tilespmem:s14+$0x4000] =	vst v0  }
0x211: {  	vm15 =	vmor vm11, vm14;
	vm1 =	vmor vm13, vm6;
	vm10 =	veq.s32 v1, $0x9;
	[tilespmem:s12+$0x40B0] =	vst v4  }
0x212: {  	vm11 =	veq.f32 v20, $-Inf;
	vm13 =	veq.f32 v15, $-Inf;
	v0 =	vsel vm8, $0x3F800000, v44;
	[tilespmem:s13+$0x4000] =	vst v2  }
0x213: {  	vm14 =	veq.s32 v1, $0xA;
	vm6 =	veq.s32 v1, $0xC;
	v2 =	vsel vm0, $0x3F800000, v46;
	[tilespmem:s12+$0x4130] =	vst v0  }
0x214: {  	vm8 =	veq.s32 v1, $0x8;
	v3 =	vsel vm1, $0x3F800000, v48;
	v0 =	vsel vm15, $0x3F800000, v47;
	[tilespmem:s6+$0x4000] =	vst v2  }
0x215: {  	vm1 =	vmor vm10, vm13;
	vm10 =	veq.f32 v12, $-Inf;
	vm0 =	vmor vm7, vm9;
	[tilespmem:s5+$0x4000] =	vst v0  }
0x216: {  	vm13 =	veq.s32 v1, $0xF;
	vm12 =	vmor vm8, vm11;
	v2 =	vsel vm0, $0x3F800000, v49;
	[tilespmem:s8+$0x4000] =	vst v3  }
0x217: {  	vm15 =	veq.s32 v1, $0xB;
	vm7 =	veq.f32 v13, $-Inf;
	v0 =	vsel vm12, $0x3F800000, v50;
	[tilespmem:s4+$0x4000] =	vst v2  }
0x218: {  	vm8 =	veq.s32 v1, $0xD;
	vm0 =	vmor vm14, vm5;
	v3 =	vsel vm1, $0x3F800000, v51;
	[tilespmem:s12+$0x6030] =	vst v0  }
0x219: {  	s9 =	sadd.s32 $0x4, s9;
	vm9 =	veq.f32 v11, $-Inf;
	vm2 =	vmor vm15, vm7;
	v2 =	vsel vm0, $0x3F800000, v52;
	[tilespmem:s12+$0x60B0] =	vst v3  }
0x21a: {  	p1 =	slt.u32 s9, $0x3C;
	vm11 =	veq.s32 v1, $0xE;
	vm1 =	vmor vm6, vm9;
	v0 =	vsel vm2, $0x3F800000, v53;
	[tilespmem:s12+$0x6130] =	vst v2  }
.Ltmp0:
0x21b: {  	vm12 =	veq.f32 v10, $-Inf;
	vm0 =	vmor vm8, vm10;
	[tilespmem:s12+$0x61B0] =	vst v0;
	v0 =	vsel vm1, $0x3F800000, v54;
	(pc) =	sbr.rel @p1 .LBB2_2-.Ltmp0, $4  }
0x21c: {  	vm14 =	veq.f32 v9, $-Inf;
	v2 =	vsel vm0, $0x3F800000, v56;
	vm0 =	vmor vm11, vm12;
	[tilespmem:s2+$0x4000] =	vst v0  }
0x21d: {  	v63 =	vimm.f32 $0.0e+00;
	vm15 =	vmor vm13, vm14;
	v0 =	vsel vm0, $0x3F800000, v62;
	[tilespmem:s3+$0x4000] =	vst v2  }
0x21e: {  	v1 =	vsel vm15, $0x3F800000, v63;
	[tilespmem:s1+$0x4000] =	vst v0  }
0x21f: {  	p0 =	por !p0, !p0;
	s10 =	sadd.s32 $0x40, s10;
	s11 =	sadd.s32 $0x200, s11;
	[tilespmem:s0+$0x4000] =	vst v1  }
0x220: {  	s6 =	simm.s32 $0x0;
	s0 =	rddreg [dreg:$0x4];
	s1 =	simm.s32 $0x4000  }
0x221: {  	[hbm4b:s0+s6] =	stream.linear.scatter [tilespmem:s1], [sflag:$0x1], $0x4000, $0x38;
	[tilespmem:$0x8000] =	vst v63  }
0x222: {  	s1 =	simm.s32 $0x1  }
0x223: {  	_ =	swait.ge [sflag:s1], $0x4000  }
0x224: {  	s2 =	rddreg [dreg:$0x6]  }
0x225: {  	s31 =	rddreg [dreg:$0x5];
	s2 =	sadd.s32 $0x1, s2  }
0x226: {  	p0 =	sne.s32 s2, s31  }
.Ltmp1:
0x227: {  	_ = 	snop;
	(pc) =	sbr.rel @p0 .LBB2_1-.Ltmp1, $3  }
0x228: {  	_ =	sdelay $0x1  }
0x229: {  	[sflag:s1] =	ssyncset.done $0x0  }
0x22a: {  	[sflag:s1] =	ssyncadd.s32 $0xFFFFC000  }
0x22b: {  	_ =	sfence.sel $0x180000  }
0x22c: {  	[bflag:$0x0] =	sbarrier.arrive $0xFFFF  }
0x22d: {  	_ =	strace $0x90000047  }
0x22e: {  	s0 =	stileid.u32;
	[bflag:$0x2] =	sbarrier.arrive $0xFFFF  }
0x22f: {  	p0 =	sne.s32 s0, $0x0;
	s0 =	rddreg [dreg:$0x2]  }
0x230: {  	s0 =	sadd.s32 @!p0 $0x100000, s0  }
0x231: {  	[sflag:s0] =	ssyncadd.tile.s32 @!p0 $0x1;
	_ =	shalt  }
.Lfunc_end2:
_tile_overlayer_lowered:
.L_overlay_start_2:
0x232: {  	(tag) =	ssettag $0x2  }
0x233: {  	s0 =	rddreg [dreg:$0x0];
	s2 =	stileid.u32  }
0x234: {  	s1 =	rddreg [dreg:$0x1];
	p0 =	sne.s32 s2, $0x0  }
0x235: {  	s3 =	rddreg [dreg:$0x2];
	[bflag:$0x3] =	sbarrier.arrive $0xFFFF;
	s2 =	simm.s32 @!p0 $0x1C01  }
0x236: {  	[timem:s3], [sflag:s2] =	dma.local @!p0 [hbm:s0], s1  }
0x237: {  	s0 =	simm.s32 @!p0 $0x1  }
0x238: {  	_ =	swait.ge @!p0 [sflag:s0], s1  }
0x239: {  	s1 =	ssub.s32 @!p0 $0x0, s1;
	[sflag:s0] =	ssyncset.done @!p0 $0x0  }
0x23a: {  	[sflag:s0] =	ssyncadd.s32 @!p0 s1  }
0x23b: {  	[bflag:$0x3] =	sbarrier.arrive $0xFFFF  }
0x23c: {  	_ =	shalt  }

</sc_bundles>
